<compile_context>
chip_gen: v7x
topology: tpu7x:2x2x1
jax: 0.10.2.dev20260603
libtpu: 0.0.44.dev20260713+nightly
codegen_flags: <defaults>
</compile_context>

<pallas_src>
import functools

import jax
import jax.numpy as jnp
from jax import lax
from jax.experimental import pallas as pl
from jax.experimental.pallas import tpu as pltpu
from jax.experimental.pallas import tpu_sc as plsc

_B = 1024
_N_IN = 512
_N_NODES = 50000

_NC = 2
_NS = 16
_L = 16
_Z = 16
_R = 6
_CHUNKS_IN = _N_IN // _L
_SCAP = _N_IN + 2 * _L
_HUGE = 0x40000000

_mesh = plsc.VectorSubcoreMesh(core_axis_name="c", subcore_axis_name="s")


@functools.partial(
    pl.kernel,
    mesh=_mesh,
    compiler_params=pltpu.CompilerParams(needs_layout_passes=False),
    out_type=jax.ShapeDtypeStruct((_N_NODES, _B), jnp.float32),
    scratch_types=[
        pltpu.VMEM((_Z, _B), jnp.float32),
        pltpu.VMEM((_Z, _B), jnp.float32),
        pltpu.VMEM((_Z, _B), jnp.float32),
        pltpu.VMEM((_Z, _B), jnp.float32),
        pltpu.VMEM((_Z, _B), jnp.float32),
        pltpu.VMEM((_Z, _B), jnp.float32),
        pltpu.VMEM((8, _B), jnp.float32),
        pltpu.VMEM((8, _B), jnp.float32),
        pltpu.VMEM((_N_IN,), jnp.int32),
        pltpu.VMEM((_SCAP,), jnp.int32),
        pltpu.VMEM((_SCAP,), jnp.int32),
        pltpu.VMEM((_N_IN + _L,), jnp.float32),
        pltpu.SemaphoreType.DMA,
        pltpu.SemaphoreType.DMA,
        pltpu.SemaphoreType.DMA,
        pltpu.SemaphoreType.DMA,
        pltpu.SemaphoreType.DMA,
        pltpu.SemaphoreType.DMA,
        pltpu.SemaphoreType.DMA,
    ],
)
def _project(xt_hbm, idx_hbm, w_hbm, out_hbm,
             zb0, zb1, zb2, zb3, zb4, zb5, xts0, xts1, idx_v, sel_n, sel_s,
             w_v, sem0, sem1, sem2, sem3, sem4, sem5, semx):
    wid = lax.axis_index("s") * _NC + lax.axis_index("c")
    nch = jnp.where(wid < 21, 98, 97)
    n0 = (wid * 97 + jnp.minimum(wid, 21)) * _Z
    iota = lax.iota(jnp.int32, _L)
    z16 = jnp.zeros((_L,), jnp.float32)

    pltpu.sync_copy(idx_hbm, idx_v)
    pltpu.sync_copy(w_hbm, w_v.at[pl.ds(0, _N_IN)])

    def _zr(r, carry):
        def _zc(j, c2):
            sl = pl.ds(j * _L, _L)
            zb0[r, sl] = z16
            zb1[r, sl] = z16
            zb2[r, sl] = z16
            zb3[r, sl] = z16
            zb4[r, sl] = z16
            zb5[r, sl] = z16
            return c2
        lax.fori_loop(0, _B // _L, _zc, None)
        return carry
    lax.fori_loop(0, _Z, _zr, None)
    def _zs(j, carry):
        sl = pl.ds(j * _L, _L)
        sel_n[sl] = jnp.full((_L,), _HUGE, jnp.int32)
        sel_s[sl] = jnp.zeros((_L,), jnp.int32)
        return carry
    lax.fori_loop(0, _SCAP // _L, _zs, None)

    hi = n0 + nch * _Z
    def _cp(c, off):
        v = idx_v[pl.ds(c * _L, _L)]
        m = (v >= n0) & (v < hi)
        plsc.store_compressed(sel_n.at[pl.ds(off, _L)], v, mask=m)
        plsc.store_compressed(sel_s.at[pl.ds(off, _L)],
                              iota + c * _L, mask=m)
        return off + jnp.sum(m.astype(jnp.int32))
    lax.fori_loop(0, _CHUNKS_IN, _cp, jnp.int32(0))

    def _sget(ref, i):
        return ref[pl.ds(i, _L)][0]

    bufs = [(zb0, sem0), (zb1, sem1), (zb2, sem2), (zb3, sem3),
            (zb4, sem4), (zb5, sem5)]

    def _dma(b, base):
        rb, sem = bufs[b]
        return pltpu.make_async_copy(
            rb, out_hbm.at[pl.ds(pl.multiple_of(base, 8), _Z)], sem)

    def _slab(src):
        return xt_hbm.at[pl.ds(pl.multiple_of(src & ~7, 8), 8)]

    def _slab_dma(src, xts):
        return pltpu.make_async_copy(_slab(src), xts, semx)

    xring = [xts0, xts1]

    def _stage(rb, base, e0):
        def _cond(e):
            return _sget(sel_n, e) < base + _Z
        def _body(e):
            k = _sget(sel_n, e)
            src = _sget(sel_s, e)
            srcn = _sget(sel_s, e + 1)
            wv = _sget(w_v, src)
            row = k - base
            srow = src & 7
            for q in range(2):
                @pl.when((e & 1) == q)
                def _c(q=q):
                    _slab_dma(src, xring[q]).wait()
                    _slab_dma(srcn, xring[1 - q]).start()
                    def _cpr(j, c2):
                        sl = pl.ds(j * _L, _L)
                        rb[row, sl] = xring[q][srow, sl] * wv
                        return c2
                    lax.fori_loop(0, _B // _L, _cpr, None)
            return e + 1
        return lax.while_loop(_cond, _body, e0)

    def _wipe(rb, pbase, lo, hi_e):
        def _wb(e, carry):
            row = _sget(sel_n, e) - pbase
            def _wr(j, c2):
                rb[row, pl.ds(j * _L, _L)] = z16
                return c2
            lax.fori_loop(0, _B // _L, _wr, None)
            return carry
        lax.fori_loop(lo, hi_e, _wb, None)

    def _step(c, carry):
        e = carry[0]
        los = carry[1:1 + _R]
        his = carry[1 + _R:]
        base = n0 + c * _Z
        par = c % _R

        for k in range(_R):
            rb, _ = bufs[k]

            @pl.when(par == k)
            def _u(rb=rb, k=k):
                @pl.when(c >= _R)
                def _w():
                    _dma(k, base - _R * _Z).wait()
                    _wipe(rb, base - _R * _Z, los[k], his[k])
                _stage(rb, base, e)
                _dma(k, base).start()

        def _cnt_cond(e3):
            return _sget(sel_n, e3) < base + _Z
        e2 = lax.while_loop(_cnt_cond, lambda e3: e3 + 1, e)

        los_n = tuple(jnp.where(par == k, e, los[k]) for k in range(_R))
        his_n = tuple(jnp.where(par == k, e2, his[k]) for k in range(_R))
        return (e2,) + los_n + his_n

    _slab_dma(_sget(sel_s, jnp.int32(0)), xts0).start()
    init = (jnp.int32(0),) * (1 + 2 * _R)
    fin = lax.fori_loop(0, nch, _step, init)

    ef = fin[0]
    for q in range(2):
        @pl.when((ef & 1) == q)
        def _dr(q=q):
            _slab_dma(_sget(sel_s, ef), xring[q]).wait()

    for k in range(_R):
        _dma(k, n0).wait()


def kernel(X_in, input_node_order, weights):
    return _project(X_in.T, input_node_order, weights).T

# --- scband reference (transcript-rebuilt; emitter-appended) ---
"""Pipeline reference for scband-signaling-model-44959717654534 (READ-ONLY COPY).

The authoritative reference and input builder live on the scoring server;
editing this copy changes nothing except your own understanding.
"""

import jax, jax.numpy as jnp
import numpy as np

B = 1024            # samples
N_NODES = 50000     # size_out: total nodes in the signaling network (len(node_idx_map))
N_IN = 512          # number of input ligands (len(input_labels))
PROJ_AMP = 1.2      # projection_amplitude


def setup_inputs(seed: int = 0) -> dict:
    key = jax.random.key(seed)
    k1, k2 = jax.random.split(key)
    X_in = jax.random.normal(k1, (B, N_IN), dtype=jnp.float32)
    # node indices of the input ligands (computed from node_idx_map in torch __init__);
    # int32 used on the jax side (int64 requires x64 mode), values in [0, N_NODES)
    input_node_order = jnp.sort(
        jax.random.randint(k2, (N_IN,), 0, N_NODES, dtype=jnp.int32)
    )
    # learned parameter: projection weights, initialized to projection_amplitude
    weights = PROJ_AMP * jnp.ones((N_IN,), dtype=jnp.float32)
    return {"X_in": X_in, "input_node_order": input_node_order, "weights": weights}


def reference(X_in, input_node_order, weights):
    # ProjectInput.forward: scatter (weights * X_in) into the full node-state tensor
    X_full = jnp.zeros((X_in.shape[0], N_NODES), dtype=X_in.dtype)
    X_full = X_full.at[:, input_node_order].set(weights[None, :] * X_in)
    return X_full

if __name__ == "__main__":
    import jax
    _d = setup_inputs()
    print(jax.jit(kernel)(*tuple(_d.values())))

</pallas_src>

<mosaic_0001>
#map = affine_map<(d0, d1) -> (0, 0)>
#map1 = affine_map<(d0, d1) -> (0)>
module attributes {stable_mosaic.version = 14 : i64} {
  func.func @_project(%arg0: i32, %arg1: i32, %arg2: memref<512x1024xf32, #tpu.memory_space<hbm>>, %arg3: memref<512xi32, #tpu.memory_space<hbm>>, %arg4: memref<512xf32, #tpu.memory_space<hbm>>, %arg5: memref<50000x1024xf32, #tpu.memory_space<hbm>>, %arg6: memref<16x1024xf32, #tpu.memory_space<vmem>>, %arg7: memref<16x1024xf32, #tpu.memory_space<vmem>>, %arg8: memref<16x1024xf32, #tpu.memory_space<vmem>>, %arg9: memref<16x1024xf32, #tpu.memory_space<vmem>>, %arg10: memref<16x1024xf32, #tpu.memory_space<vmem>>, %arg11: memref<16x1024xf32, #tpu.memory_space<vmem>>, %arg12: memref<8x1024xf32, #tpu.memory_space<vmem>>, %arg13: memref<8x1024xf32, #tpu.memory_space<vmem>>, %arg14: memref<512xi32, #tpu.memory_space<vmem>>, %arg15: memref<544xi32, #tpu.memory_space<vmem>>, %arg16: memref<544xi32, #tpu.memory_space<vmem>>, %arg17: memref<528xf32, #tpu.memory_space<vmem>>, %arg18: memref<!tpu.dma_semaphore, #tpu.memory_space<semaphore_mem>>, %arg19: memref<!tpu.dma_semaphore, #tpu.memory_space<semaphore_mem>>, %arg20: memref<!tpu.dma_semaphore, #tpu.memory_space<semaphore_mem>>, %arg21: memref<!tpu.dma_semaphore, #tpu.memory_space<semaphore_mem>>, %arg22: memref<!tpu.dma_semaphore, #tpu.memory_space<semaphore_mem>>, %arg23: memref<!tpu.dma_semaphore, #tpu.memory_space<semaphore_mem>>, %arg24: memref<!tpu.dma_semaphore, #tpu.memory_space<semaphore_mem>>) attributes {dimension_semantics = [#tpu.dimension_semantics<core_parallel>, #tpu.dimension_semantics<subcore_parallel>], iteration_bounds = array<i64: 2, 16>, scalar_prefetch = 0 : i64, scratch_operands = 19 : i64, tpu.core_type = #tpu.core_type<sc_vector_subcore>, window_params = [{transform_indices = #map}, {transform_indices = #map1}, {transform_indices = #map1}, {transform_indices = #map}]} {
    %mul3A = arith.constant 2 : i32
    %mul3A_0 = arith.muli %arg1, %mul3A : i32
    %add3A = arith.addi %mul3A_0, %arg0 : i32
    %lt3A = arith.constant 21 : i32
    %lt3A_1 = arith.cmpi slt, %add3A, %lt3A : i32
    %jit3A = arith.constant 98 : i32
    %jit3A_2 = arith.constant 97 : i32
    %select_n3A = arith.select %lt3A_1, %jit3A, %jit3A_2 : i32
    %mul3A_3 = arith.constant 97 : i32
    %mul3A_4 = arith.muli %add3A, %mul3A_3 : i32
    %min3A = arith.constant 21 : i32
    %min3A_5 = arith.minsi %add3A, %min3A : i32
    %add3A_6 = arith.addi %mul3A_4, %min3A_5 : i32
    %mul3A_7 = arith.constant 16 : i32
    %mul3A_8 = arith.muli %add3A_6, %mul3A_7 : i32
    %iota3A = tpu.iota {dimensions = array<i32: 0>} : vector<16xi32>
    %broadcast_in_dim3A = arith.constant 0.000000e+00 : f32
    %broadcast_in_dim3A_9 = vector.broadcast %broadcast_in_dim3A : f32 to vector<16xf32>
    "tpu.region"() ({
      %run_scoped3A = tpu.sem_alloc : memref<!tpu.dma_semaphore, #tpu.memory_space<semaphore_mem>>
      tpu.enqueue_dma source(%arg3 : memref<512xi32, #tpu.memory_space<hbm>>) target(%arg14 : memref<512xi32, #tpu.memory_space<vmem>>) target_semaphore(%run_scoped3A : memref<!tpu.dma_semaphore, #tpu.memory_space<semaphore_mem>>)
      tpu.wait_dma2 semaphore(%run_scoped3A : memref<!tpu.dma_semaphore, #tpu.memory_space<semaphore_mem>>) src(%arg3 : memref<512xi32, #tpu.memory_space<hbm>>) dst(%arg14 : memref<512xi32, #tpu.memory_space<vmem>>)
      tpu.yield
    }) : () -> ()
    "tpu.region"() ({
      %run_scoped3A = tpu.sem_alloc : memref<!tpu.dma_semaphore, #tpu.memory_space<semaphore_mem>>
      %dma_start3A_98 = arith.constant 0 : i32
      %dma_start3A_99 = tpu.memref_slice %arg17[%dma_start3A_98] : memref<528xf32, #tpu.memory_space<vmem>> -> memref<512xf32, #tpu.memory_space<vmem>>
      %dma_start3A_100 = arith.constant 0 : i32
      %dma_start3A_101 = tpu.memref_slice %arg17[%dma_start3A_100] : memref<528xf32, #tpu.memory_space<vmem>> -> memref<512xf32, #tpu.memory_space<vmem>>
      tpu.enqueue_dma source(%arg4 : memref<512xf32, #tpu.memory_space<hbm>>) target(%dma_start3A_101 : memref<512xf32, #tpu.memory_space<vmem>>) target_semaphore(%run_scoped3A : memref<!tpu.dma_semaphore, #tpu.memory_space<semaphore_mem>>)
      %dma_wait3A_102 = arith.constant 0 : i32
      %dma_wait3A_103 = tpu.memref_slice %arg17[%dma_wait3A_102] : memref<528xf32, #tpu.memory_space<vmem>> -> memref<512xf32, #tpu.memory_space<vmem>>
      %dma_wait3A_104 = arith.constant 0 : i32
      %dma_wait3A_105 = tpu.memref_slice %arg17[%dma_wait3A_104] : memref<528xf32, #tpu.memory_space<vmem>> -> memref<512xf32, #tpu.memory_space<vmem>>
      tpu.wait_dma2 semaphore(%run_scoped3A : memref<!tpu.dma_semaphore, #tpu.memory_space<semaphore_mem>>) src(%arg4 : memref<512xf32, #tpu.memory_space<hbm>>) dst(%dma_wait3A_105 : memref<512xf32, #tpu.memory_space<vmem>>)
      tpu.yield
    }) : () -> ()
    %scan3A = arith.constant 0 : i32
    %scan3A_10 = arith.constant 16 : i32
    %scan3A_11 = arith.addi %scan3A, %scan3A_10 : i32
    %scan3A_12 = arith.constant 1 : i32
    scf.for %scan3A_98 = %scan3A to %scan3A_11 step %scan3A_12  : i32 {
      %scan3A_99 = arith.constant 0 : i32
      %scan3A_100 = arith.constant 64 : i32
      %scan3A_101 = arith.addi %scan3A_99, %scan3A_100 : i32
      %scan3A_102 = arith.constant 1 : i32
      scf.for %scan3A_104 = %scan3A_99 to %scan3A_101 step %scan3A_102  : i32 {
        %mul3A_105 = arith.constant 16 : i32
        %mul3A_106 = arith.muli %scan3A_104, %mul3A_105 : i32
        %swap3A = arith.index_cast %scan3A_98 : i32 to index
        %swap3A_107 = arith.index_cast %mul3A_106 : i32 to index
        %swap3A_108 = tpu.vector_load %arg6[%swap3A, %swap3A_107] {strides = array<i32>} : memref<16x1024xf32, #tpu.memory_space<vmem>>, vector<16xf32>,
        tpu.vector_store %arg6[%swap3A, %swap3A_107], %broadcast_in_dim3A_9 {strides = array<i32>} : memref<16x1024xf32, #tpu.memory_space<vmem>>, vector<16xf32>,
        %swap3A_109 = arith.index_cast %scan3A_98 : i32 to index
        %swap3A_110 = arith.index_cast %mul3A_106 : i32 to index
        %swap3A_111 = tpu.vector_load %arg7[%swap3A_109, %swap3A_110] {strides = array<i32>} : memref<16x1024xf32, #tpu.memory_space<vmem>>, vector<16xf32>,
        tpu.vector_store %arg7[%swap3A_109, %swap3A_110], %broadcast_in_dim3A_9 {strides = array<i32>} : memref<16x1024xf32, #tpu.memory_space<vmem>>, vector<16xf32>,
        %swap3A_112 = arith.index_cast %scan3A_98 : i32 to index
        %swap3A_113 = arith.index_cast %mul3A_106 : i32 to index
        %swap3A_114 = tpu.vector_load %arg8[%swap3A_112, %swap3A_113] {strides = array<i32>} : memref<16x1024xf32, #tpu.memory_space<vmem>>, vector<16xf32>,
        tpu.vector_store %arg8[%swap3A_112, %swap3A_113], %broadcast_in_dim3A_9 {strides = array<i32>} : memref<16x1024xf32, #tpu.memory_space<vmem>>, vector<16xf32>,
        %swap3A_115 = arith.index_cast %scan3A_98 : i32 to index
        %swap3A_116 = arith.index_cast %mul3A_106 : i32 to index
        %swap3A_117 = tpu.vector_load %arg9[%swap3A_115, %swap3A_116] {strides = array<i32>} : memref<16x1024xf32, #tpu.memory_space<vmem>>, vector<16xf32>,
        tpu.vector_store %arg9[%swap3A_115, %swap3A_116], %broadcast_in_dim3A_9 {strides = array<i32>} : memref<16x1024xf32, #tpu.memory_space<vmem>>, vector<16xf32>,
        %swap3A_118 = arith.index_cast %scan3A_98 : i32 to index
        %swap3A_119 = arith.index_cast %mul3A_106 : i32 to index
        %swap3A_120 = tpu.vector_load %arg10[%swap3A_118, %swap3A_119] {strides = array<i32>} : memref<16x1024xf32, #tpu.memory_space<vmem>>, vector<16xf32>,
        tpu.vector_store %arg10[%swap3A_118, %swap3A_119], %broadcast_in_dim3A_9 {strides = array<i32>} : memref<16x1024xf32, #tpu.memory_space<vmem>>, vector<16xf32>,
        %swap3A_121 = arith.index_cast %scan3A_98 : i32 to index
        %swap3A_122 = arith.index_cast %mul3A_106 : i32 to index
        %swap3A_123 = tpu.vector_load %arg11[%swap3A_121, %swap3A_122] {strides = array<i32>} : memref<16x1024xf32, #tpu.memory_space<vmem>>, vector<16xf32>,
        tpu.vector_store %arg11[%swap3A_121, %swap3A_122], %broadcast_in_dim3A_9 {strides = array<i32>} : memref<16x1024xf32, #tpu.memory_space<vmem>>, vector<16xf32>,
      }
      %scan3A_103 = arith.constant 64 : i32
    }
    %scan3A_13 = arith.constant 16 : i32
    %scan3A_14 = arith.constant 0 : i32
    %scan3A_15 = arith.constant 34 : i32
    %scan3A_16 = arith.addi %scan3A_14, %scan3A_15 : i32
    %scan3A_17 = arith.constant 1 : i32
    scf.for %scan3A_98 = %scan3A_14 to %scan3A_16 step %scan3A_17  : i32 {
      %mul3A_99 = arith.constant 16 : i32
      %mul3A_100 = arith.muli %scan3A_98, %mul3A_99 : i32
      %broadcast_in_dim3A_101 = arith.constant 1073741824 : i32
      %broadcast_in_dim3A_102 = vector.broadcast %broadcast_in_dim3A_101 : i32 to vector<16xi32>
      %swap3A = arith.index_cast %mul3A_100 : i32 to index
      %swap3A_103 = tpu.vector_load %arg15[%swap3A] {strides = array<i32>} : memref<544xi32, #tpu.memory_space<vmem>>, vector<16xi32>,
      tpu.vector_store %arg15[%swap3A], %broadcast_in_dim3A_102 {strides = array<i32>} : memref<544xi32, #tpu.memory_space<vmem>>, vector<16xi32>,
      %broadcast_in_dim3A_104 = arith.constant 0 : i32
      %broadcast_in_dim3A_105 = vector.broadcast %broadcast_in_dim3A_104 : i32 to vector<16xi32>
      %swap3A_106 = arith.index_cast %mul3A_100 : i32 to index
      %swap3A_107 = tpu.vector_load %arg16[%swap3A_106] {strides = array<i32>} : memref<544xi32, #tpu.memory_space<vmem>>, vector<16xi32>,
      tpu.vector_store %arg16[%swap3A_106], %broadcast_in_dim3A_105 {strides = array<i32>} : memref<544xi32, #tpu.memory_space<vmem>>, vector<16xi32>,
    }
    %scan3A_18 = arith.constant 34 : i32
    %mul3A_19 = arith.constant 16 : i32
    %mul3A_20 = arith.muli %select_n3A, %mul3A_19 : i32
    %add3A_21 = arith.addi %mul3A_8, %mul3A_20 : i32
    %scan3A_22 = arith.constant 0 : i32
    %scan3A_23 = arith.constant 0 : i32
    %scan3A_24 = arith.constant 32 : i32
    %scan3A_25 = arith.addi %scan3A_23, %scan3A_24 : i32
    %scan3A_26 = arith.constant 1 : i32
    %scan3A_27 = scf.for %scan3A_98 = %scan3A_23 to %scan3A_25 step %scan3A_26 iter_args(%scan3A_99 = %scan3A_22) -> (i32)  : i32 {
      %mul3A_100 = arith.constant 16 : i32
      %mul3A_101 = arith.muli %scan3A_98, %mul3A_100 : i32
      %get3A_102 = arith.index_cast %mul3A_101 : i32 to index
      %get3A_103 = tpu.vector_load %arg14[%get3A_102] {strides = array<i32>} : memref<512xi32, #tpu.memory_space<vmem>>, vector<16xi32>,
      %ge3A = vector.broadcast %mul3A_8 : i32 to vector<16xi32>
      %ge3A_104 = arith.cmpi sge, %get3A_103, %ge3A : vector<16xi32>
      %lt3A_105 = vector.broadcast %add3A_21 : i32 to vector<16xi32>
      %lt3A_106 = arith.cmpi slt, %get3A_103, %lt3A_105 : vector<16xi32>
      %and3A_107 = arith.andi %ge3A_104, %lt3A_106 : vector<16xi1>
      %swap3A = arith.index_cast %scan3A_99 : i32 to index
      %swap3A_108 = tpu.vector_load %arg15[%swap3A] masked %and3A_107 {strides = array<i32>} : memref<544xi32, #tpu.memory_space<vmem>>, vector<16xi32>, vector<16xi1>
      tpu.vector_store %arg15[%swap3A], %get3A_103 masked %and3A_107 {strides = array<i32>} : memref<544xi32, #tpu.memory_space<vmem>>, vector<16xi32>, vector<16xi1>
      %mul3A_109 = arith.constant 16 : i32
      %mul3A_110 = arith.muli %scan3A_98, %mul3A_109 : i32
      %add3A_111 = vector.broadcast %mul3A_110 : i32 to vector<16xi32>
      %add3A_112 = arith.addi %iota3A, %add3A_111 : vector<16xi32>
      %swap3A_113 = arith.index_cast %scan3A_99 : i32 to index
      %swap3A_114 = tpu.vector_load %arg16[%swap3A_113] masked %and3A_107 {strides = array<i32>} : memref<544xi32, #tpu.memory_space<vmem>>, vector<16xi32>, vector<16xi1>
      tpu.vector_store %arg16[%swap3A_113], %add3A_112 masked %and3A_107 {strides = array<i32>} : memref<544xi32, #tpu.memory_space<vmem>>, vector<16xi32>, vector<16xi1>
      %convert_element_type3A_115 = arith.extui %and3A_107 : vector<16xi1> to vector<16xi32>
      %reduce_sum3A = arith.constant true
      %reduce_sum3A_116 = vector.broadcast %reduce_sum3A : i1 to vector<16xi1>
      %reduce_sum3A_117 = tpu.scan <sum>, %convert_element_type3A_115 masked %reduce_sum3A_116 : vector<16xi32>, vector<16xi1> -> vector<16xi32>
      %reduce_sum3A_118 = vector.extract %reduce_sum3A_117[15] : i32 from vector<16xi32>
      %add3A_119 = arith.addi %scan3A_99, %reduce_sum3A_118 : i32
      scf.yield %add3A_119 : i32
    }
    %scan3A_28 = arith.constant 32 : i32
    %get3A = arith.constant 0 : i32
    %get3A_29 = arith.index_cast %get3A : i32 to index
    %get3A_30 = tpu.vector_load %arg16[%get3A_29] {strides = array<i32>} : memref<544xi32, #tpu.memory_space<vmem>>, vector<16xi32>,
    %slice3A = vector.extract_strided_slice %get3A_30 {offsets = [0], sizes = [1], strides = [1]} : vector<16xi32> to vector<1xi32>
    %squeeze3A = vector.extract %slice3A[0] : i32 from vector<1xi32>
    %and3A = arith.constant -8 : i32
    %and3A_31 = arith.andi %squeeze3A, %and3A : i32
    %multiple_of3A = tpu.assume_multiple %and3A_31, 8 : i32
    %dma_start3A = arith.constant 0 : i32
    %dma_start3A_32 = tpu.memref_slice %arg2[%multiple_of3A, %dma_start3A] : memref<512x1024xf32, #tpu.memory_space<hbm>> -> memref<8x1024xf32, #tpu.memory_space<hbm>>
    %dma_start3A_33 = arith.constant 0 : i32
    %dma_start3A_34 = tpu.memref_slice %arg2[%multiple_of3A, %dma_start3A_33] : memref<512x1024xf32, #tpu.memory_space<hbm>> -> memref<8x1024xf32, #tpu.memory_space<hbm>>
    tpu.enqueue_dma source(%dma_start3A_34 : memref<8x1024xf32, #tpu.memory_space<hbm>>) target(%arg12 : memref<8x1024xf32, #tpu.memory_space<vmem>>) target_semaphore(%arg24 : memref<!tpu.dma_semaphore, #tpu.memory_space<semaphore_mem>>)
    %while3A = arith.constant 0 : i32
    %while3A_35 = arith.constant 0 : i32
    %while3A_36 = arith.constant 0 : i32
    %while3A_37 = arith.constant 0 : i32
    %while3A_38 = arith.constant 0 : i32
    %while3A_39 = arith.constant 0 : i32
    %while3A_40 = arith.constant 0 : i32
    %while3A_41 = arith.constant 0 : i32
    %while3A_42 = arith.constant 0 : i32
    %while3A_43 = arith.constant 0 : i32
    %while3A_44 = arith.constant 0 : i32
    %while3A_45 = arith.constant 0 : i32
    %while3A_46 = arith.constant 0 : i32
    %while3A_47 = arith.constant 0 : i32
    %while3A_48 = arith.subi %select_n3A, %while3A : i32
    %while3A_49 = arith.addi %while3A, %while3A_48 : i32
    %while3A_50 = arith.constant 1 : i32
    %while3A_51 = arith.divsi %while3A_48, %while3A_50 : i32
    %while3A_52 = arith.muli %while3A_51, %while3A_50 : i32
    %while3A_53 = arith.addi %while3A, %while3A_52 : i32
    %while3A_54 = arith.constant 1 : i32
    %while3A_55:13 = scf.for %while3A_98 = %while3A to %while3A_53 step %while3A_54 iter_args(%while3A_99 = %while3A_35, %while3A_100 = %while3A_36, %while3A_101 = %while3A_37, %while3A_102 = %while3A_38, %while3A_103 = %while3A_39, %while3A_104 = %while3A_40, %while3A_105 = %while3A_41, %while3A_106 = %while3A_42, %while3A_107 = %while3A_43, %while3A_108 = %while3A_44, %while3A_109 = %while3A_45, %while3A_110 = %while3A_46, %while3A_111 = %while3A_47) -> (i32, i32, i32, i32, i32, i32, i32, i32, i32, i32, i32, i32, i32)  : i32 {
      %mul3A_112 = arith.constant 16 : i32
      %mul3A_113 = arith.muli %while3A_98, %mul3A_112 : i32
      %add3A_114 = arith.addi %mul3A_8, %mul3A_113 : i32
      %jit3A_115 = arith.constant 6 : i32
      %eq3A_116 = arith.constant 0 : i32
      %eq3A_117 = arith.cmpi eq, %jit3A_115, %eq3A_116 : i32
      %jit3A_118 = arith.constant 1 : i32
      %select_n3A_119 = arith.select %eq3A_117, %jit3A_118, %jit3A_115 : i32
      %rem3A = arith.remsi %while3A_98, %select_n3A_119 : i32
      %ne3A = arith.constant 0 : i32
      %ne3A_120 = arith.cmpi ne, %rem3A, %ne3A : i32
      %lt3A_121 = arith.constant 0 : i32
      %lt3A_122 = arith.cmpi slt, %rem3A, %lt3A_121 : i32
      %lt3A_123 = arith.constant 0 : i32
      %lt3A_124 = arith.cmpi slt, %select_n3A_119, %lt3A_123 : i32
      %ne3A_125 = arith.xori %lt3A_122, %lt3A_124 : i1
      %and3A_126 = arith.andi %ne3A_125, %ne3A_120 : i1
      %add3A_127 = arith.addi %rem3A, %select_n3A_119 : i32
      %select_n3A_128 = arith.select %and3A_126, %add3A_127, %rem3A : i32
      %eq3A_129 = arith.constant 0 : i32
      %eq3A_130 = arith.cmpi eq, %select_n3A_128, %eq3A_129 : i32
      %convert_element_type3A_131 = arith.extui %eq3A_130 : i1 to i32
      %cond3A_132 = arith.constant 0 : i32
      %cond3A_133 = arith.cmpi ne, %convert_element_type3A_131, %cond3A_132 : i32
      scf.if %cond3A_133 {
        %ge3A = arith.constant 6 : i32
        %ge3A_196 = arith.cmpi sge, %while3A_98, %ge3A : i32
        %convert_element_type3A_197 = arith.extui %ge3A_196 : i1 to i32
        %cond3A_198 = arith.constant 0 : i32
        %cond3A_199 = arith.cmpi ne, %convert_element_type3A_197, %cond3A_198 : i32
        scf.if %cond3A_199 {
          %sub3A = arith.constant 96 : i32
          %sub3A_206 = arith.subi %add3A_114, %sub3A : i32
          %multiple_of3A_207 = tpu.assume_multiple %sub3A_206, 8 : i32
          %dma_wait3A_208 = arith.constant 0 : i32
          %dma_wait3A_209 = tpu.memref_slice %arg5[%multiple_of3A_207, %dma_wait3A_208] : memref<50000x1024xf32, #tpu.memory_space<hbm>> -> memref<16x1024xf32, #tpu.memory_space<hbm>>
          %dma_wait3A_210 = arith.constant 0 : i32
          %dma_wait3A_211 = tpu.memref_slice %arg5[%multiple_of3A_207, %dma_wait3A_210] : memref<50000x1024xf32, #tpu.memory_space<hbm>> -> memref<16x1024xf32, #tpu.memory_space<hbm>>
          tpu.wait_dma2 semaphore(%arg18 : memref<!tpu.dma_semaphore, #tpu.memory_space<semaphore_mem>>) src(%arg6 : memref<16x1024xf32, #tpu.memory_space<vmem>>) dst(%dma_wait3A_211 : memref<16x1024xf32, #tpu.memory_space<hbm>>)
          %sub3A_212 = arith.constant 96 : i32
          %sub3A_213 = arith.subi %add3A_114, %sub3A_212 : i32
          %while3A_214 = arith.subi %while3A_106, %while3A_100 : i32
          %while3A_215 = arith.addi %while3A_100, %while3A_214 : i32
          %while3A_216 = arith.constant 1 : i32
          %while3A_217 = arith.divsi %while3A_214, %while3A_216 : i32
          %while3A_218 = arith.muli %while3A_217, %while3A_216 : i32
          %while3A_219 = arith.addi %while3A_100, %while3A_218 : i32
          %while3A_220 = arith.constant 1 : i32
          scf.for %while3A_222 = %while3A_100 to %while3A_219 step %while3A_220  : i32 {
            %get3A_223 = arith.index_cast %while3A_222 : i32 to index
            %get3A_224 = tpu.vector_load %arg15[%get3A_223] {strides = array<i32>} : memref<544xi32, #tpu.memory_space<vmem>>, vector<16xi32>,
            %slice3A_225 = vector.extract_strided_slice %get3A_224 {offsets = [0], sizes = [1], strides = [1]} : vector<16xi32> to vector<1xi32>
            %squeeze3A_226 = vector.extract %slice3A_225[0] : i32 from vector<1xi32>
            %sub3A_227 = arith.subi %squeeze3A_226, %sub3A_213 : i32
            %scan3A_228 = arith.constant 0 : i32
            %scan3A_229 = arith.constant 64 : i32
            %scan3A_230 = arith.addi %scan3A_228, %scan3A_229 : i32
            %scan3A_231 = arith.constant 1 : i32
            scf.for %scan3A_233 = %scan3A_228 to %scan3A_230 step %scan3A_231  : i32 {
              %mul3A_234 = arith.constant 16 : i32
              %mul3A_235 = arith.muli %scan3A_233, %mul3A_234 : i32
              %swap3A = arith.index_cast %sub3A_227 : i32 to index
              %swap3A_236 = arith.index_cast %mul3A_235 : i32 to index
              %swap3A_237 = tpu.vector_load %arg6[%swap3A, %swap3A_236] {strides = array<i32>} : memref<16x1024xf32, #tpu.memory_space<vmem>>, vector<16xf32>,
              tpu.vector_store %arg6[%swap3A, %swap3A_236], %broadcast_in_dim3A_9 {strides = array<i32>} : memref<16x1024xf32, #tpu.memory_space<vmem>>, vector<16xf32>,
            }
            %scan3A_232 = arith.constant 64 : i32
          }
          %while3A_221 = arith.constant 1 : i32
          scf.for %while3A_222 = %while3A_219 to %while3A_215 step %while3A_221  : i32 {
            %get3A_223 = arith.index_cast %while3A_222 : i32 to index
            %get3A_224 = tpu.vector_load %arg15[%get3A_223] {strides = array<i32>} : memref<544xi32, #tpu.memory_space<vmem>>, vector<16xi32>,
            %slice3A_225 = vector.extract_strided_slice %get3A_224 {offsets = [0], sizes = [1], strides = [1]} : vector<16xi32> to vector<1xi32>
            %squeeze3A_226 = vector.extract %slice3A_225[0] : i32 from vector<1xi32>
            %sub3A_227 = arith.subi %squeeze3A_226, %sub3A_213 : i32
            %scan3A_228 = arith.constant 0 : i32
            %scan3A_229 = arith.constant 64 : i32
            %scan3A_230 = arith.addi %scan3A_228, %scan3A_229 : i32
            %scan3A_231 = arith.constant 1 : i32
            scf.for %scan3A_233 = %scan3A_228 to %scan3A_230 step %scan3A_231  : i32 {
              %mul3A_234 = arith.constant 16 : i32
              %mul3A_235 = arith.muli %scan3A_233, %mul3A_234 : i32
              %swap3A = arith.index_cast %sub3A_227 : i32 to index
              %swap3A_236 = arith.index_cast %mul3A_235 : i32 to index
              %swap3A_237 = tpu.vector_load %arg6[%swap3A, %swap3A_236] {strides = array<i32>} : memref<16x1024xf32, #tpu.memory_space<vmem>>, vector<16xf32>,
              tpu.vector_store %arg6[%swap3A, %swap3A_236], %broadcast_in_dim3A_9 {strides = array<i32>} : memref<16x1024xf32, #tpu.memory_space<vmem>>, vector<16xf32>,
            }
            %scan3A_232 = arith.constant 64 : i32
          }
        } else {
        }
        %while3A_200 = scf.while (%while3A_206 = %while3A_99) : (i32) -> i32 {
          %get3A_207 = arith.index_cast %while3A_206 : i32 to index
          %get3A_208 = tpu.vector_load %arg15[%get3A_207] {strides = array<i32>} : memref<544xi32, #tpu.memory_space<vmem>>, vector<16xi32>,
          %slice3A_209 = vector.extract_strided_slice %get3A_208 {offsets = [0], sizes = [1], strides = [1]} : vector<16xi32> to vector<1xi32>
          %squeeze3A_210 = vector.extract %slice3A_209[0] : i32 from vector<1xi32>
          %add3A_211 = arith.constant 16 : i32
          %add3A_212 = arith.addi %add3A_114, %add3A_211 : i32
          %lt3A_213 = arith.cmpi slt, %squeeze3A_210, %add3A_212 : i32
          scf.condition(%lt3A_213) %while3A_206 : i32
        } do {
        ^bb0(%while3A_206: i32):
          %get3A_207 = arith.index_cast %while3A_206 : i32 to index
          %get3A_208 = tpu.vector_load %arg15[%get3A_207] {strides = array<i32>} : memref<544xi32, #tpu.memory_space<vmem>>, vector<16xi32>,
          %slice3A_209 = vector.extract_strided_slice %get3A_208 {offsets = [0], sizes = [1], strides = [1]} : vector<16xi32> to vector<1xi32>
          %squeeze3A_210 = vector.extract %slice3A_209[0] : i32 from vector<1xi32>
          %get3A_211 = arith.index_cast %while3A_206 : i32 to index
          %get3A_212 = tpu.vector_load %arg16[%get3A_211] {strides = array<i32>} : memref<544xi32, #tpu.memory_space<vmem>>, vector<16xi32>,
          %slice3A_213 = vector.extract_strided_slice %get3A_212 {offsets = [0], sizes = [1], strides = [1]} : vector<16xi32> to vector<1xi32>
          %squeeze3A_214 = vector.extract %slice3A_213[0] : i32 from vector<1xi32>
          %add3A_215 = arith.constant 1 : i32
          %add3A_216 = arith.addi %while3A_206, %add3A_215 : i32
          %get3A_217 = arith.index_cast %add3A_216 : i32 to index
          %get3A_218 = tpu.vector_load %arg16[%get3A_217] {strides = array<i32>} : memref<544xi32, #tpu.memory_space<vmem>>, vector<16xi32>,
          %slice3A_219 = vector.extract_strided_slice %get3A_218 {offsets = [0], sizes = [1], strides = [1]} : vector<16xi32> to vector<1xi32>
          %squeeze3A_220 = vector.extract %slice3A_219[0] : i32 from vector<1xi32>
          %get3A_221 = arith.index_cast %squeeze3A_214 : i32 to index
          %get3A_222 = tpu.vector_load %arg17[%get3A_221] {strides = array<i32>} : memref<528xf32, #tpu.memory_space<vmem>>, vector<16xf32>,
          %slice3A_223 = vector.extract_strided_slice %get3A_222 {offsets = [0], sizes = [1], strides = [1]} : vector<16xf32> to vector<1xf32>
          %squeeze3A_224 = vector.extract %slice3A_223[0] : f32 from vector<1xf32>
          %sub3A = arith.subi %squeeze3A_210, %add3A_114 : i32
          %and3A_225 = arith.constant 7 : i32
          %and3A_226 = arith.andi %squeeze3A_214, %and3A_225 : i32
          %and3A_227 = arith.constant 1 : i32
          %and3A_228 = arith.andi %while3A_206, %and3A_227 : i32
          %eq3A_229 = arith.constant 0 : i32
          %eq3A_230 = arith.cmpi eq, %and3A_228, %eq3A_229 : i32
          %convert_element_type3A_231 = arith.extui %eq3A_230 : i1 to i32
          %cond3A_232 = arith.constant 0 : i32
          %cond3A_233 = arith.cmpi ne, %convert_element_type3A_231, %cond3A_232 : i32
          scf.if %cond3A_233 {
            %and3A_243 = arith.constant -8 : i32
            %and3A_244 = arith.andi %squeeze3A_214, %and3A_243 : i32
            %multiple_of3A_245 = tpu.assume_multiple %and3A_244, 8 : i32
            %dma_wait3A_246 = arith.constant 0 : i32
            %dma_wait3A_247 = tpu.memref_slice %arg2[%multiple_of3A_245, %dma_wait3A_246] : memref<512x1024xf32, #tpu.memory_space<hbm>> -> memref<8x1024xf32, #tpu.memory_space<hbm>>
            %dma_wait3A_248 = arith.constant 0 : i32
            %dma_wait3A_249 = tpu.memref_slice %arg2[%multiple_of3A_245, %dma_wait3A_248] : memref<512x1024xf32, #tpu.memory_space<hbm>> -> memref<8x1024xf32, #tpu.memory_space<hbm>>
            tpu.wait_dma2 semaphore(%arg24 : memref<!tpu.dma_semaphore, #tpu.memory_space<semaphore_mem>>) src(%dma_wait3A_249 : memref<8x1024xf32, #tpu.memory_space<hbm>>) dst(%arg12 : memref<8x1024xf32, #tpu.memory_space<vmem>>)
            %and3A_250 = arith.constant -8 : i32
            %and3A_251 = arith.andi %squeeze3A_220, %and3A_250 : i32
            %multiple_of3A_252 = tpu.assume_multiple %and3A_251, 8 : i32
            %dma_start3A_253 = arith.constant 0 : i32
            %dma_start3A_254 = tpu.memref_slice %arg2[%multiple_of3A_252, %dma_start3A_253] : memref<512x1024xf32, #tpu.memory_space<hbm>> -> memref<8x1024xf32, #tpu.memory_space<hbm>>
            %dma_start3A_255 = arith.constant 0 : i32
            %dma_start3A_256 = tpu.memref_slice %arg2[%multiple_of3A_252, %dma_start3A_255] : memref<512x1024xf32, #tpu.memory_space<hbm>> -> memref<8x1024xf32, #tpu.memory_space<hbm>>
            tpu.enqueue_dma source(%dma_start3A_256 : memref<8x1024xf32, #tpu.memory_space<hbm>>) target(%arg13 : memref<8x1024xf32, #tpu.memory_space<vmem>>) target_semaphore(%arg24 : memref<!tpu.dma_semaphore, #tpu.memory_space<semaphore_mem>>)
            %scan3A_257 = arith.constant 0 : i32
            %scan3A_258 = arith.constant 64 : i32
            %scan3A_259 = arith.addi %scan3A_257, %scan3A_258 : i32
            %scan3A_260 = arith.constant 1 : i32
            scf.for %scan3A_262 = %scan3A_257 to %scan3A_259 step %scan3A_260  : i32 {
              %mul3A_263 = arith.constant 16 : i32
              %mul3A_264 = arith.muli %scan3A_262, %mul3A_263 : i32
              %get3A_265 = arith.index_cast %and3A_226 : i32 to index
              %get3A_266 = arith.index_cast %mul3A_264 : i32 to index
              %get3A_267 = tpu.vector_load %arg12[%get3A_265, %get3A_266] {strides = array<i32>} : memref<8x1024xf32, #tpu.memory_space<vmem>>, vector<16xf32>,
              %mul3A_268 = vector.broadcast %squeeze3A_224 : f32 to vector<16xf32>
              %mul3A_269 = arith.mulf %get3A_267, %mul3A_268 : vector<16xf32>
              %swap3A = arith.index_cast %sub3A : i32 to index
              %swap3A_270 = arith.index_cast %mul3A_264 : i32 to index
              %swap3A_271 = tpu.vector_load %arg6[%swap3A, %swap3A_270] {strides = array<i32>} : memref<16x1024xf32, #tpu.memory_space<vmem>>, vector<16xf32>,
              tpu.vector_store %arg6[%swap3A, %swap3A_270], %mul3A_269 {strides = array<i32>} : memref<16x1024xf32, #tpu.memory_space<vmem>>, vector<16xf32>,
            }
            %scan3A_261 = arith.constant 64 : i32
          } else {
          }
          %and3A_234 = arith.constant 1 : i32
          %and3A_235 = arith.andi %while3A_206, %and3A_234 : i32
          %eq3A_236 = arith.constant 1 : i32
          %eq3A_237 = arith.cmpi eq, %and3A_235, %eq3A_236 : i32
          %convert_element_type3A_238 = arith.extui %eq3A_237 : i1 to i32
          %cond3A_239 = arith.constant 0 : i32
          %cond3A_240 = arith.cmpi ne, %convert_element_type3A_238, %cond3A_239 : i32
          scf.if %cond3A_240 {
            %and3A_243 = arith.constant -8 : i32
            %and3A_244 = arith.andi %squeeze3A_214, %and3A_243 : i32
            %multiple_of3A_245 = tpu.assume_multiple %and3A_244, 8 : i32
            %dma_wait3A_246 = arith.constant 0 : i32
            %dma_wait3A_247 = tpu.memref_slice %arg2[%multiple_of3A_245, %dma_wait3A_246] : memref<512x1024xf32, #tpu.memory_space<hbm>> -> memref<8x1024xf32, #tpu.memory_space<hbm>>
            %dma_wait3A_248 = arith.constant 0 : i32
            %dma_wait3A_249 = tpu.memref_slice %arg2[%multiple_of3A_245, %dma_wait3A_248] : memref<512x1024xf32, #tpu.memory_space<hbm>> -> memref<8x1024xf32, #tpu.memory_space<hbm>>
            tpu.wait_dma2 semaphore(%arg24 : memref<!tpu.dma_semaphore, #tpu.memory_space<semaphore_mem>>) src(%dma_wait3A_249 : memref<8x1024xf32, #tpu.memory_space<hbm>>) dst(%arg13 : memref<8x1024xf32, #tpu.memory_space<vmem>>)
            %and3A_250 = arith.constant -8 : i32
            %and3A_251 = arith.andi %squeeze3A_220, %and3A_250 : i32
            %multiple_of3A_252 = tpu.assume_multiple %and3A_251, 8 : i32
            %dma_start3A_253 = arith.constant 0 : i32
            %dma_start3A_254 = tpu.memref_slice %arg2[%multiple_of3A_252, %dma_start3A_253] : memref<512x1024xf32, #tpu.memory_space<hbm>> -> memref<8x1024xf32, #tpu.memory_space<hbm>>
            %dma_start3A_255 = arith.constant 0 : i32
            %dma_start3A_256 = tpu.memref_slice %arg2[%multiple_of3A_252, %dma_start3A_255] : memref<512x1024xf32, #tpu.memory_space<hbm>> -> memref<8x1024xf32, #tpu.memory_space<hbm>>
            tpu.enqueue_dma source(%dma_start3A_256 : memref<8x1024xf32, #tpu.memory_space<hbm>>) target(%arg12 : memref<8x1024xf32, #tpu.memory_space<vmem>>) target_semaphore(%arg24 : memref<!tpu.dma_semaphore, #tpu.memory_space<semaphore_mem>>)
            %scan3A_257 = arith.constant 0 : i32
            %scan3A_258 = arith.constant 64 : i32
            %scan3A_259 = arith.addi %scan3A_257, %scan3A_258 : i32
            %scan3A_260 = arith.constant 1 : i32
            scf.for %scan3A_262 = %scan3A_257 to %scan3A_259 step %scan3A_260  : i32 {
              %mul3A_263 = arith.constant 16 : i32
              %mul3A_264 = arith.muli %scan3A_262, %mul3A_263 : i32
              %get3A_265 = arith.index_cast %and3A_226 : i32 to index
              %get3A_266 = arith.index_cast %mul3A_264 : i32 to index
              %get3A_267 = tpu.vector_load %arg13[%get3A_265, %get3A_266] {strides = array<i32>} : memref<8x1024xf32, #tpu.memory_space<vmem>>, vector<16xf32>,
              %mul3A_268 = vector.broadcast %squeeze3A_224 : f32 to vector<16xf32>
              %mul3A_269 = arith.mulf %get3A_267, %mul3A_268 : vector<16xf32>
              %swap3A = arith.index_cast %sub3A : i32 to index
              %swap3A_270 = arith.index_cast %mul3A_264 : i32 to index
              %swap3A_271 = tpu.vector_load %arg6[%swap3A, %swap3A_270] {strides = array<i32>} : memref<16x1024xf32, #tpu.memory_space<vmem>>, vector<16xf32>,
              tpu.vector_store %arg6[%swap3A, %swap3A_270], %mul3A_269 {strides = array<i32>} : memref<16x1024xf32, #tpu.memory_space<vmem>>, vector<16xf32>,
            }
            %scan3A_261 = arith.constant 64 : i32
          } else {
          }
          %add3A_241 = arith.constant 1 : i32
          %add3A_242 = arith.addi %while3A_206, %add3A_241 : i32
          scf.yield %add3A_242 : i32
        }
        %multiple_of3A_201 = tpu.assume_multiple %add3A_114, 8 : i32
        %dma_start3A_202 = arith.constant 0 : i32
        %dma_start3A_203 = tpu.memref_slice %arg5[%multiple_of3A_201, %dma_start3A_202] : memref<50000x1024xf32, #tpu.memory_space<hbm>> -> memref<16x1024xf32, #tpu.memory_space<hbm>>
        %dma_start3A_204 = arith.constant 0 : i32
        %dma_start3A_205 = tpu.memref_slice %arg5[%multiple_of3A_201, %dma_start3A_204] : memref<50000x1024xf32, #tpu.memory_space<hbm>> -> memref<16x1024xf32, #tpu.memory_space<hbm>>
        tpu.enqueue_dma source(%arg6 : memref<16x1024xf32, #tpu.memory_space<vmem>>) target(%dma_start3A_205 : memref<16x1024xf32, #tpu.memory_space<hbm>>) target_semaphore(%arg18 : memref<!tpu.dma_semaphore, #tpu.memory_space<semaphore_mem>>)
      } else {
      }
      %eq3A_134 = arith.constant 1 : i32
      %eq3A_135 = arith.cmpi eq, %select_n3A_128, %eq3A_134 : i32
      %convert_element_type3A_136 = arith.extui %eq3A_135 : i1 to i32
      %cond3A_137 = arith.constant 0 : i32
      %cond3A_138 = arith.cmpi ne, %convert_element_type3A_136, %cond3A_137 : i32
      scf.if %cond3A_138 {
        %ge3A = arith.constant 6 : i32
        %ge3A_196 = arith.cmpi sge, %while3A_98, %ge3A : i32
        %convert_element_type3A_197 = arith.extui %ge3A_196 : i1 to i32
        %cond3A_198 = arith.constant 0 : i32
        %cond3A_199 = arith.cmpi ne, %convert_element_type3A_197, %cond3A_198 : i32
        scf.if %cond3A_199 {
          %sub3A = arith.constant 96 : i32
          %sub3A_206 = arith.subi %add3A_114, %sub3A : i32
          %multiple_of3A_207 = tpu.assume_multiple %sub3A_206, 8 : i32
          %dma_wait3A_208 = arith.constant 0 : i32
          %dma_wait3A_209 = tpu.memref_slice %arg5[%multiple_of3A_207, %dma_wait3A_208] : memref<50000x1024xf32, #tpu.memory_space<hbm>> -> memref<16x1024xf32, #tpu.memory_space<hbm>>
          %dma_wait3A_210 = arith.constant 0 : i32
          %dma_wait3A_211 = tpu.memref_slice %arg5[%multiple_of3A_207, %dma_wait3A_210] : memref<50000x1024xf32, #tpu.memory_space<hbm>> -> memref<16x1024xf32, #tpu.memory_space<hbm>>
          tpu.wait_dma2 semaphore(%arg19 : memref<!tpu.dma_semaphore, #tpu.memory_space<semaphore_mem>>) src(%arg7 : memref<16x1024xf32, #tpu.memory_space<vmem>>) dst(%dma_wait3A_211 : memref<16x1024xf32, #tpu.memory_space<hbm>>)
          %sub3A_212 = arith.constant 96 : i32
          %sub3A_213 = arith.subi %add3A_114, %sub3A_212 : i32
          %while3A_214 = arith.subi %while3A_107, %while3A_101 : i32
          %while3A_215 = arith.addi %while3A_101, %while3A_214 : i32
          %while3A_216 = arith.constant 1 : i32
          %while3A_217 = arith.divsi %while3A_214, %while3A_216 : i32
          %while3A_218 = arith.muli %while3A_217, %while3A_216 : i32
          %while3A_219 = arith.addi %while3A_101, %while3A_218 : i32
          %while3A_220 = arith.constant 1 : i32
          scf.for %while3A_222 = %while3A_101 to %while3A_219 step %while3A_220  : i32 {
            %get3A_223 = arith.index_cast %while3A_222 : i32 to index
            %get3A_224 = tpu.vector_load %arg15[%get3A_223] {strides = array<i32>} : memref<544xi32, #tpu.memory_space<vmem>>, vector<16xi32>,
            %slice3A_225 = vector.extract_strided_slice %get3A_224 {offsets = [0], sizes = [1], strides = [1]} : vector<16xi32> to vector<1xi32>
            %squeeze3A_226 = vector.extract %slice3A_225[0] : i32 from vector<1xi32>
            %sub3A_227 = arith.subi %squeeze3A_226, %sub3A_213 : i32
            %scan3A_228 = arith.constant 0 : i32
            %scan3A_229 = arith.constant 64 : i32
            %scan3A_230 = arith.addi %scan3A_228, %scan3A_229 : i32
            %scan3A_231 = arith.constant 1 : i32
            scf.for %scan3A_233 = %scan3A_228 to %scan3A_230 step %scan3A_231  : i32 {
              %mul3A_234 = arith.constant 16 : i32
              %mul3A_235 = arith.muli %scan3A_233, %mul3A_234 : i32
              %swap3A = arith.index_cast %sub3A_227 : i32 to index
              %swap3A_236 = arith.index_cast %mul3A_235 : i32 to index
              %swap3A_237 = tpu.vector_load %arg7[%swap3A, %swap3A_236] {strides = array<i32>} : memref<16x1024xf32, #tpu.memory_space<vmem>>, vector<16xf32>,
              tpu.vector_store %arg7[%swap3A, %swap3A_236], %broadcast_in_dim3A_9 {strides = array<i32>} : memref<16x1024xf32, #tpu.memory_space<vmem>>, vector<16xf32>,
            }
            %scan3A_232 = arith.constant 64 : i32
          }
          %while3A_221 = arith.constant 1 : i32
          scf.for %while3A_222 = %while3A_219 to %while3A_215 step %while3A_221  : i32 {
            %get3A_223 = arith.index_cast %while3A_222 : i32 to index
            %get3A_224 = tpu.vector_load %arg15[%get3A_223] {strides = array<i32>} : memref<544xi32, #tpu.memory_space<vmem>>, vector<16xi32>,
            %slice3A_225 = vector.extract_strided_slice %get3A_224 {offsets = [0], sizes = [1], strides = [1]} : vector<16xi32> to vector<1xi32>
            %squeeze3A_226 = vector.extract %slice3A_225[0] : i32 from vector<1xi32>
            %sub3A_227 = arith.subi %squeeze3A_226, %sub3A_213 : i32
            %scan3A_228 = arith.constant 0 : i32
            %scan3A_229 = arith.constant 64 : i32
            %scan3A_230 = arith.addi %scan3A_228, %scan3A_229 : i32
            %scan3A_231 = arith.constant 1 : i32
            scf.for %scan3A_233 = %scan3A_228 to %scan3A_230 step %scan3A_231  : i32 {
              %mul3A_234 = arith.constant 16 : i32
              %mul3A_235 = arith.muli %scan3A_233, %mul3A_234 : i32
              %swap3A = arith.index_cast %sub3A_227 : i32 to index
              %swap3A_236 = arith.index_cast %mul3A_235 : i32 to index
              %swap3A_237 = tpu.vector_load %arg7[%swap3A, %swap3A_236] {strides = array<i32>} : memref<16x1024xf32, #tpu.memory_space<vmem>>, vector<16xf32>,
              tpu.vector_store %arg7[%swap3A, %swap3A_236], %broadcast_in_dim3A_9 {strides = array<i32>} : memref<16x1024xf32, #tpu.memory_space<vmem>>, vector<16xf32>,
            }
            %scan3A_232 = arith.constant 64 : i32
          }
        } else {
        }
        %while3A_200 = scf.while (%while3A_206 = %while3A_99) : (i32) -> i32 {
          %get3A_207 = arith.index_cast %while3A_206 : i32 to index
          %get3A_208 = tpu.vector_load %arg15[%get3A_207] {strides = array<i32>} : memref<544xi32, #tpu.memory_space<vmem>>, vector<16xi32>,
          %slice3A_209 = vector.extract_strided_slice %get3A_208 {offsets = [0], sizes = [1], strides = [1]} : vector<16xi32> to vector<1xi32>
          %squeeze3A_210 = vector.extract %slice3A_209[0] : i32 from vector<1xi32>
          %add3A_211 = arith.constant 16 : i32
          %add3A_212 = arith.addi %add3A_114, %add3A_211 : i32
          %lt3A_213 = arith.cmpi slt, %squeeze3A_210, %add3A_212 : i32
          scf.condition(%lt3A_213) %while3A_206 : i32
        } do {
        ^bb0(%while3A_206: i32):
          %get3A_207 = arith.index_cast %while3A_206 : i32 to index
          %get3A_208 = tpu.vector_load %arg15[%get3A_207] {strides = array<i32>} : memref<544xi32, #tpu.memory_space<vmem>>, vector<16xi32>,
          %slice3A_209 = vector.extract_strided_slice %get3A_208 {offsets = [0], sizes = [1], strides = [1]} : vector<16xi32> to vector<1xi32>
          %squeeze3A_210 = vector.extract %slice3A_209[0] : i32 from vector<1xi32>
          %get3A_211 = arith.index_cast %while3A_206 : i32 to index
          %get3A_212 = tpu.vector_load %arg16[%get3A_211] {strides = array<i32>} : memref<544xi32, #tpu.memory_space<vmem>>, vector<16xi32>,
          %slice3A_213 = vector.extract_strided_slice %get3A_212 {offsets = [0], sizes = [1], strides = [1]} : vector<16xi32> to vector<1xi32>
          %squeeze3A_214 = vector.extract %slice3A_213[0] : i32 from vector<1xi32>
          %add3A_215 = arith.constant 1 : i32
          %add3A_216 = arith.addi %while3A_206, %add3A_215 : i32
          %get3A_217 = arith.index_cast %add3A_216 : i32 to index
          %get3A_218 = tpu.vector_load %arg16[%get3A_217] {strides = array<i32>} : memref<544xi32, #tpu.memory_space<vmem>>, vector<16xi32>,
          %slice3A_219 = vector.extract_strided_slice %get3A_218 {offsets = [0], sizes = [1], strides = [1]} : vector<16xi32> to vector<1xi32>
          %squeeze3A_220 = vector.extract %slice3A_219[0] : i32 from vector<1xi32>
          %get3A_221 = arith.index_cast %squeeze3A_214 : i32 to index
          %get3A_222 = tpu.vector_load %arg17[%get3A_221] {strides = array<i32>} : memref<528xf32, #tpu.memory_space<vmem>>, vector<16xf32>,
          %slice3A_223 = vector.extract_strided_slice %get3A_222 {offsets = [0], sizes = [1], strides = [1]} : vector<16xf32> to vector<1xf32>
          %squeeze3A_224 = vector.extract %slice3A_223[0] : f32 from vector<1xf32>
          %sub3A = arith.subi %squeeze3A_210, %add3A_114 : i32
          %and3A_225 = arith.constant 7 : i32
          %and3A_226 = arith.andi %squeeze3A_214, %and3A_225 : i32
          %and3A_227 = arith.constant 1 : i32
          %and3A_228 = arith.andi %while3A_206, %and3A_227 : i32
          %eq3A_229 = arith.constant 0 : i32
          %eq3A_230 = arith.cmpi eq, %and3A_228, %eq3A_229 : i32
          %convert_element_type3A_231 = arith.extui %eq3A_230 : i1 to i32
          %cond3A_232 = arith.constant 0 : i32
          %cond3A_233 = arith.cmpi ne, %convert_element_type3A_231, %cond3A_232 : i32
          scf.if %cond3A_233 {
            %and3A_243 = arith.constant -8 : i32
            %and3A_244 = arith.andi %squeeze3A_214, %and3A_243 : i32
            %multiple_of3A_245 = tpu.assume_multiple %and3A_244, 8 : i32
            %dma_wait3A_246 = arith.constant 0 : i32
            %dma_wait3A_247 = tpu.memref_slice %arg2[%multiple_of3A_245, %dma_wait3A_246] : memref<512x1024xf32, #tpu.memory_space<hbm>> -> memref<8x1024xf32, #tpu.memory_space<hbm>>
            %dma_wait3A_248 = arith.constant 0 : i32
            %dma_wait3A_249 = tpu.memref_slice %arg2[%multiple_of3A_245, %dma_wait3A_248] : memref<512x1024xf32, #tpu.memory_space<hbm>> -> memref<8x1024xf32, #tpu.memory_space<hbm>>
            tpu.wait_dma2 semaphore(%arg24 : memref<!tpu.dma_semaphore, #tpu.memory_space<semaphore_mem>>) src(%dma_wait3A_249 : memref<8x1024xf32, #tpu.memory_space<hbm>>) dst(%arg12 : memref<8x1024xf32, #tpu.memory_space<vmem>>)
            %and3A_250 = arith.constant -8 : i32
            %and3A_251 = arith.andi %squeeze3A_220, %and3A_250 : i32
            %multiple_of3A_252 = tpu.assume_multiple %and3A_251, 8 : i32
            %dma_start3A_253 = arith.constant 0 : i32
            %dma_start3A_254 = tpu.memref_slice %arg2[%multiple_of3A_252, %dma_start3A_253] : memref<512x1024xf32, #tpu.memory_space<hbm>> -> memref<8x1024xf32, #tpu.memory_space<hbm>>
            %dma_start3A_255 = arith.constant 0 : i32
            %dma_start3A_256 = tpu.memref_slice %arg2[%multiple_of3A_252, %dma_start3A_255] : memref<512x1024xf32, #tpu.memory_space<hbm>> -> memref<8x1024xf32, #tpu.memory_space<hbm>>
            tpu.enqueue_dma source(%dma_start3A_256 : memref<8x1024xf32, #tpu.memory_space<hbm>>) target(%arg13 : memref<8x1024xf32, #tpu.memory_space<vmem>>) target_semaphore(%arg24 : memref<!tpu.dma_semaphore, #tpu.memory_space<semaphore_mem>>)
            %scan3A_257 = arith.constant 0 : i32
            %scan3A_258 = arith.constant 64 : i32
            %scan3A_259 = arith.addi %scan3A_257, %scan3A_258 : i32
            %scan3A_260 = arith.constant 1 : i32
            scf.for %scan3A_262 = %scan3A_257 to %scan3A_259 step %scan3A_260  : i32 {
              %mul3A_263 = arith.constant 16 : i32
              %mul3A_264 = arith.muli %scan3A_262, %mul3A_263 : i32
              %get3A_265 = arith.index_cast %and3A_226 : i32 to index
              %get3A_266 = arith.index_cast %mul3A_264 : i32 to index
              %get3A_267 = tpu.vector_load %arg12[%get3A_265, %get3A_266] {strides = array<i32>} : memref<8x1024xf32, #tpu.memory_space<vmem>>, vector<16xf32>,
              %mul3A_268 = vector.broadcast %squeeze3A_224 : f32 to vector<16xf32>
              %mul3A_269 = arith.mulf %get3A_267, %mul3A_268 : vector<16xf32>
              %swap3A = arith.index_cast %sub3A : i32 to index
              %swap3A_270 = arith.index_cast %mul3A_264 : i32 to index
              %swap3A_271 = tpu.vector_load %arg7[%swap3A, %swap3A_270] {strides = array<i32>} : memref<16x1024xf32, #tpu.memory_space<vmem>>, vector<16xf32>,
              tpu.vector_store %arg7[%swap3A, %swap3A_270], %mul3A_269 {strides = array<i32>} : memref<16x1024xf32, #tpu.memory_space<vmem>>, vector<16xf32>,
            }
            %scan3A_261 = arith.constant 64 : i32
          } else {
          }
          %and3A_234 = arith.constant 1 : i32
          %and3A_235 = arith.andi %while3A_206, %and3A_234 : i32
          %eq3A_236 = arith.constant 1 : i32
          %eq3A_237 = arith.cmpi eq, %and3A_235, %eq3A_236 : i32
          %convert_element_type3A_238 = arith.extui %eq3A_237 : i1 to i32
          %cond3A_239 = arith.constant 0 : i32
          %cond3A_240 = arith.cmpi ne, %convert_element_type3A_238, %cond3A_239 : i32
          scf.if %cond3A_240 {
            %and3A_243 = arith.constant -8 : i32
            %and3A_244 = arith.andi %squeeze3A_214, %and3A_243 : i32
            %multiple_of3A_245 = tpu.assume_multiple %and3A_244, 8 : i32
            %dma_wait3A_246 = arith.constant 0 : i32
            %dma_wait3A_247 = tpu.memref_slice %arg2[%multiple_of3A_245, %dma_wait3A_246] : memref<512x1024xf32, #tpu.memory_space<hbm>> -> memref<8x1024xf32, #tpu.memory_space<hbm>>
            %dma_wait3A_248 = arith.constant 0 : i32
            %dma_wait3A_249 = tpu.memref_slice %arg2[%multiple_of3A_245, %dma_wait3A_248] : memref<512x1024xf32, #tpu.memory_space<hbm>> -> memref<8x1024xf32, #tpu.memory_space<hbm>>
            tpu.wait_dma2 semaphore(%arg24 : memref<!tpu.dma_semaphore, #tpu.memory_space<semaphore_mem>>) src(%dma_wait3A_249 : memref<8x1024xf32, #tpu.memory_space<hbm>>) dst(%arg13 : memref<8x1024xf32, #tpu.memory_space<vmem>>)
            %and3A_250 = arith.constant -8 : i32
            %and3A_251 = arith.andi %squeeze3A_220, %and3A_250 : i32
            %multiple_of3A_252 = tpu.assume_multiple %and3A_251, 8 : i32
            %dma_start3A_253 = arith.constant 0 : i32
            %dma_start3A_254 = tpu.memref_slice %arg2[%multiple_of3A_252, %dma_start3A_253] : memref<512x1024xf32, #tpu.memory_space<hbm>> -> memref<8x1024xf32, #tpu.memory_space<hbm>>
            %dma_start3A_255 = arith.constant 0 : i32
            %dma_start3A_256 = tpu.memref_slice %arg2[%multiple_of3A_252, %dma_start3A_255] : memref<512x1024xf32, #tpu.memory_space<hbm>> -> memref<8x1024xf32, #tpu.memory_space<hbm>>
            tpu.enqueue_dma source(%dma_start3A_256 : memref<8x1024xf32, #tpu.memory_space<hbm>>) target(%arg12 : memref<8x1024xf32, #tpu.memory_space<vmem>>) target_semaphore(%arg24 : memref<!tpu.dma_semaphore, #tpu.memory_space<semaphore_mem>>)
            %scan3A_257 = arith.constant 0 : i32
            %scan3A_258 = arith.constant 64 : i32
            %scan3A_259 = arith.addi %scan3A_257, %scan3A_258 : i32
            %scan3A_260 = arith.constant 1 : i32
            scf.for %scan3A_262 = %scan3A_257 to %scan3A_259 step %scan3A_260  : i32 {
              %mul3A_263 = arith.constant 16 : i32
              %mul3A_264 = arith.muli %scan3A_262, %mul3A_263 : i32
              %get3A_265 = arith.index_cast %and3A_226 : i32 to index
              %get3A_266 = arith.index_cast %mul3A_264 : i32 to index
              %get3A_267 = tpu.vector_load %arg13[%get3A_265, %get3A_266] {strides = array<i32>} : memref<8x1024xf32, #tpu.memory_space<vmem>>, vector<16xf32>,
              %mul3A_268 = vector.broadcast %squeeze3A_224 : f32 to vector<16xf32>
              %mul3A_269 = arith.mulf %get3A_267, %mul3A_268 : vector<16xf32>
              %swap3A = arith.index_cast %sub3A : i32 to index
              %swap3A_270 = arith.index_cast %mul3A_264 : i32 to index
              %swap3A_271 = tpu.vector_load %arg7[%swap3A, %swap3A_270] {strides = array<i32>} : memref<16x1024xf32, #tpu.memory_space<vmem>>, vector<16xf32>,
              tpu.vector_store %arg7[%swap3A, %swap3A_270], %mul3A_269 {strides = array<i32>} : memref<16x1024xf32, #tpu.memory_space<vmem>>, vector<16xf32>,
            }
            %scan3A_261 = arith.constant 64 : i32
          } else {
          }
          %add3A_241 = arith.constant 1 : i32
          %add3A_242 = arith.addi %while3A_206, %add3A_241 : i32
          scf.yield %add3A_242 : i32
        }
        %multiple_of3A_201 = tpu.assume_multiple %add3A_114, 8 : i32
        %dma_start3A_202 = arith.constant 0 : i32
        %dma_start3A_203 = tpu.memref_slice %arg5[%multiple_of3A_201, %dma_start3A_202] : memref<50000x1024xf32, #tpu.memory_space<hbm>> -> memref<16x1024xf32, #tpu.memory_space<hbm>>
        %dma_start3A_204 = arith.constant 0 : i32
        %dma_start3A_205 = tpu.memref_slice %arg5[%multiple_of3A_201, %dma_start3A_204] : memref<50000x1024xf32, #tpu.memory_space<hbm>> -> memref<16x1024xf32, #tpu.memory_space<hbm>>
        tpu.enqueue_dma source(%arg7 : memref<16x1024xf32, #tpu.memory_space<vmem>>) target(%dma_start3A_205 : memref<16x1024xf32, #tpu.memory_space<hbm>>) target_semaphore(%arg19 : memref<!tpu.dma_semaphore, #tpu.memory_space<semaphore_mem>>)
      } else {
      }
      %eq3A_139 = arith.constant 2 : i32
      %eq3A_140 = arith.cmpi eq, %select_n3A_128, %eq3A_139 : i32
      %convert_element_type3A_141 = arith.extui %eq3A_140 : i1 to i32
      %cond3A_142 = arith.constant 0 : i32
      %cond3A_143 = arith.cmpi ne, %convert_element_type3A_141, %cond3A_142 : i32
      scf.if %cond3A_143 {
        %ge3A = arith.constant 6 : i32
        %ge3A_196 = arith.cmpi sge, %while3A_98, %ge3A : i32
        %convert_element_type3A_197 = arith.extui %ge3A_196 : i1 to i32
        %cond3A_198 = arith.constant 0 : i32
        %cond3A_199 = arith.cmpi ne, %convert_element_type3A_197, %cond3A_198 : i32
        scf.if %cond3A_199 {
          %sub3A = arith.constant 96 : i32
          %sub3A_206 = arith.subi %add3A_114, %sub3A : i32
          %multiple_of3A_207 = tpu.assume_multiple %sub3A_206, 8 : i32
          %dma_wait3A_208 = arith.constant 0 : i32
          %dma_wait3A_209 = tpu.memref_slice %arg5[%multiple_of3A_207, %dma_wait3A_208] : memref<50000x1024xf32, #tpu.memory_space<hbm>> -> memref<16x1024xf32, #tpu.memory_space<hbm>>
          %dma_wait3A_210 = arith.constant 0 : i32
          %dma_wait3A_211 = tpu.memref_slice %arg5[%multiple_of3A_207, %dma_wait3A_210] : memref<50000x1024xf32, #tpu.memory_space<hbm>> -> memref<16x1024xf32, #tpu.memory_space<hbm>>
          tpu.wait_dma2 semaphore(%arg20 : memref<!tpu.dma_semaphore, #tpu.memory_space<semaphore_mem>>) src(%arg8 : memref<16x1024xf32, #tpu.memory_space<vmem>>) dst(%dma_wait3A_211 : memref<16x1024xf32, #tpu.memory_space<hbm>>)
          %sub3A_212 = arith.constant 96 : i32
          %sub3A_213 = arith.subi %add3A_114, %sub3A_212 : i32
          %while3A_214 = arith.subi %while3A_108, %while3A_102 : i32
          %while3A_215 = arith.addi %while3A_102, %while3A_214 : i32
          %while3A_216 = arith.constant 1 : i32
          %while3A_217 = arith.divsi %while3A_214, %while3A_216 : i32
          %while3A_218 = arith.muli %while3A_217, %while3A_216 : i32
          %while3A_219 = arith.addi %while3A_102, %while3A_218 : i32
          %while3A_220 = arith.constant 1 : i32
          scf.for %while3A_222 = %while3A_102 to %while3A_219 step %while3A_220  : i32 {
            %get3A_223 = arith.index_cast %while3A_222 : i32 to index
            %get3A_224 = tpu.vector_load %arg15[%get3A_223] {strides = array<i32>} : memref<544xi32, #tpu.memory_space<vmem>>, vector<16xi32>,
            %slice3A_225 = vector.extract_strided_slice %get3A_224 {offsets = [0], sizes = [1], strides = [1]} : vector<16xi32> to vector<1xi32>
            %squeeze3A_226 = vector.extract %slice3A_225[0] : i32 from vector<1xi32>
            %sub3A_227 = arith.subi %squeeze3A_226, %sub3A_213 : i32
            %scan3A_228 = arith.constant 0 : i32
            %scan3A_229 = arith.constant 64 : i32
            %scan3A_230 = arith.addi %scan3A_228, %scan3A_229 : i32
            %scan3A_231 = arith.constant 1 : i32
            scf.for %scan3A_233 = %scan3A_228 to %scan3A_230 step %scan3A_231  : i32 {
              %mul3A_234 = arith.constant 16 : i32
              %mul3A_235 = arith.muli %scan3A_233, %mul3A_234 : i32
              %swap3A = arith.index_cast %sub3A_227 : i32 to index
              %swap3A_236 = arith.index_cast %mul3A_235 : i32 to index
              %swap3A_237 = tpu.vector_load %arg8[%swap3A, %swap3A_236] {strides = array<i32>} : memref<16x1024xf32, #tpu.memory_space<vmem>>, vector<16xf32>,
              tpu.vector_store %arg8[%swap3A, %swap3A_236], %broadcast_in_dim3A_9 {strides = array<i32>} : memref<16x1024xf32, #tpu.memory_space<vmem>>, vector<16xf32>,
            }
            %scan3A_232 = arith.constant 64 : i32
          }
          %while3A_221 = arith.constant 1 : i32
          scf.for %while3A_222 = %while3A_219 to %while3A_215 step %while3A_221  : i32 {
            %get3A_223 = arith.index_cast %while3A_222 : i32 to index
            %get3A_224 = tpu.vector_load %arg15[%get3A_223] {strides = array<i32>} : memref<544xi32, #tpu.memory_space<vmem>>, vector<16xi32>,
            %slice3A_225 = vector.extract_strided_slice %get3A_224 {offsets = [0], sizes = [1], strides = [1]} : vector<16xi32> to vector<1xi32>
            %squeeze3A_226 = vector.extract %slice3A_225[0] : i32 from vector<1xi32>
            %sub3A_227 = arith.subi %squeeze3A_226, %sub3A_213 : i32
            %scan3A_228 = arith.constant 0 : i32
            %scan3A_229 = arith.constant 64 : i32
            %scan3A_230 = arith.addi %scan3A_228, %scan3A_229 : i32
            %scan3A_231 = arith.constant 1 : i32
            scf.for %scan3A_233 = %scan3A_228 to %scan3A_230 step %scan3A_231  : i32 {
              %mul3A_234 = arith.constant 16 : i32
              %mul3A_235 = arith.muli %scan3A_233, %mul3A_234 : i32
              %swap3A = arith.index_cast %sub3A_227 : i32 to index
              %swap3A_236 = arith.index_cast %mul3A_235 : i32 to index
              %swap3A_237 = tpu.vector_load %arg8[%swap3A, %swap3A_236] {strides = array<i32>} : memref<16x1024xf32, #tpu.memory_space<vmem>>, vector<16xf32>,
              tpu.vector_store %arg8[%swap3A, %swap3A_236], %broadcast_in_dim3A_9 {strides = array<i32>} : memref<16x1024xf32, #tpu.memory_space<vmem>>, vector<16xf32>,
            }
            %scan3A_232 = arith.constant 64 : i32
          }
        } else {
        }
        %while3A_200 = scf.while (%while3A_206 = %while3A_99) : (i32) -> i32 {
          %get3A_207 = arith.index_cast %while3A_206 : i32 to index
          %get3A_208 = tpu.vector_load %arg15[%get3A_207] {strides = array<i32>} : memref<544xi32, #tpu.memory_space<vmem>>, vector<16xi32>,
          %slice3A_209 = vector.extract_strided_slice %get3A_208 {offsets = [0], sizes = [1], strides = [1]} : vector<16xi32> to vector<1xi32>
          %squeeze3A_210 = vector.extract %slice3A_209[0] : i32 from vector<1xi32>
          %add3A_211 = arith.constant 16 : i32
          %add3A_212 = arith.addi %add3A_114, %add3A_211 : i32
          %lt3A_213 = arith.cmpi slt, %squeeze3A_210, %add3A_212 : i32
          scf.condition(%lt3A_213) %while3A_206 : i32
        } do {
        ^bb0(%while3A_206: i32):
          %get3A_207 = arith.index_cast %while3A_206 : i32 to index
          %get3A_208 = tpu.vector_load %arg15[%get3A_207] {strides = array<i32>} : memref<544xi32, #tpu.memory_space<vmem>>, vector<16xi32>,
          %slice3A_209 = vector.extract_strided_slice %get3A_208 {offsets = [0], sizes = [1], strides = [1]} : vector<16xi32> to vector<1xi32>
          %squeeze3A_210 = vector.extract %slice3A_209[0] : i32 from vector<1xi32>
          %get3A_211 = arith.index_cast %while3A_206 : i32 to index
          %get3A_212 = tpu.vector_load %arg16[%get3A_211] {strides = array<i32>} : memref<544xi32, #tpu.memory_space<vmem>>, vector<16xi32>,
          %slice3A_213 = vector.extract_strided_slice %get3A_212 {offsets = [0], sizes = [1], strides = [1]} : vector<16xi32> to vector<1xi32>
          %squeeze3A_214 = vector.extract %slice3A_213[0] : i32 from vector<1xi32>
          %add3A_215 = arith.constant 1 : i32
          %add3A_216 = arith.addi %while3A_206, %add3A_215 : i32
          %get3A_217 = arith.index_cast %add3A_216 : i32 to index
          %get3A_218 = tpu.vector_load %arg16[%get3A_217] {strides = array<i32>} : memref<544xi32, #tpu.memory_space<vmem>>, vector<16xi32>,
          %slice3A_219 = vector.extract_strided_slice %get3A_218 {offsets = [0], sizes = [1], strides = [1]} : vector<16xi32> to vector<1xi32>
          %squeeze3A_220 = vector.extract %slice3A_219[0] : i32 from vector<1xi32>
          %get3A_221 = arith.index_cast %squeeze3A_214 : i32 to index
          %get3A_222 = tpu.vector_load %arg17[%get3A_221] {strides = array<i32>} : memref<528xf32, #tpu.memory_space<vmem>>, vector<16xf32>,
          %slice3A_223 = vector.extract_strided_slice %get3A_222 {offsets = [0], sizes = [1], strides = [1]} : vector<16xf32> to vector<1xf32>
          %squeeze3A_224 = vector.extract %slice3A_223[0] : f32 from vector<1xf32>
          %sub3A = arith.subi %squeeze3A_210, %add3A_114 : i32
          %and3A_225 = arith.constant 7 : i32
          %and3A_226 = arith.andi %squeeze3A_214, %and3A_225 : i32
          %and3A_227 = arith.constant 1 : i32
          %and3A_228 = arith.andi %while3A_206, %and3A_227 : i32
          %eq3A_229 = arith.constant 0 : i32
          %eq3A_230 = arith.cmpi eq, %and3A_228, %eq3A_229 : i32
          %convert_element_type3A_231 = arith.extui %eq3A_230 : i1 to i32
          %cond3A_232 = arith.constant 0 : i32
          %cond3A_233 = arith.cmpi ne, %convert_element_type3A_231, %cond3A_232 : i32
          scf.if %cond3A_233 {
            %and3A_243 = arith.constant -8 : i32
            %and3A_244 = arith.andi %squeeze3A_214, %and3A_243 : i32
            %multiple_of3A_245 = tpu.assume_multiple %and3A_244, 8 : i32
            %dma_wait3A_246 = arith.constant 0 : i32
            %dma_wait3A_247 = tpu.memref_slice %arg2[%multiple_of3A_245, %dma_wait3A_246] : memref<512x1024xf32, #tpu.memory_space<hbm>> -> memref<8x1024xf32, #tpu.memory_space<hbm>>
            %dma_wait3A_248 = arith.constant 0 : i32
            %dma_wait3A_249 = tpu.memref_slice %arg2[%multiple_of3A_245, %dma_wait3A_248] : memref<512x1024xf32, #tpu.memory_space<hbm>> -> memref<8x1024xf32, #tpu.memory_space<hbm>>
            tpu.wait_dma2 semaphore(%arg24 : memref<!tpu.dma_semaphore, #tpu.memory_space<semaphore_mem>>) src(%dma_wait3A_249 : memref<8x1024xf32, #tpu.memory_space<hbm>>) dst(%arg12 : memref<8x1024xf32, #tpu.memory_space<vmem>>)
            %and3A_250 = arith.constant -8 : i32
            %and3A_251 = arith.andi %squeeze3A_220, %and3A_250 : i32
            %multiple_of3A_252 = tpu.assume_multiple %and3A_251, 8 : i32
            %dma_start3A_253 = arith.constant 0 : i32
            %dma_start3A_254 = tpu.memref_slice %arg2[%multiple_of3A_252, %dma_start3A_253] : memref<512x1024xf32, #tpu.memory_space<hbm>> -> memref<8x1024xf32, #tpu.memory_space<hbm>>
            %dma_start3A_255 = arith.constant 0 : i32
            %dma_start3A_256 = tpu.memref_slice %arg2[%multiple_of3A_252, %dma_start3A_255] : memref<512x1024xf32, #tpu.memory_space<hbm>> -> memref<8x1024xf32, #tpu.memory_space<hbm>>
            tpu.enqueue_dma source(%dma_start3A_256 : memref<8x1024xf32, #tpu.memory_space<hbm>>) target(%arg13 : memref<8x1024xf32, #tpu.memory_space<vmem>>) target_semaphore(%arg24 : memref<!tpu.dma_semaphore, #tpu.memory_space<semaphore_mem>>)
            %scan3A_257 = arith.constant 0 : i32
            %scan3A_258 = arith.constant 64 : i32
            %scan3A_259 = arith.addi %scan3A_257, %scan3A_258 : i32
            %scan3A_260 = arith.constant 1 : i32
            scf.for %scan3A_262 = %scan3A_257 to %scan3A_259 step %scan3A_260  : i32 {
              %mul3A_263 = arith.constant 16 : i32
              %mul3A_264 = arith.muli %scan3A_262, %mul3A_263 : i32
              %get3A_265 = arith.index_cast %and3A_226 : i32 to index
              %get3A_266 = arith.index_cast %mul3A_264 : i32 to index
              %get3A_267 = tpu.vector_load %arg12[%get3A_265, %get3A_266] {strides = array<i32>} : memref<8x1024xf32, #tpu.memory_space<vmem>>, vector<16xf32>,
              %mul3A_268 = vector.broadcast %squeeze3A_224 : f32 to vector<16xf32>
              %mul3A_269 = arith.mulf %get3A_267, %mul3A_268 : vector<16xf32>
              %swap3A = arith.index_cast %sub3A : i32 to index
              %swap3A_270 = arith.index_cast %mul3A_264 : i32 to index
              %swap3A_271 = tpu.vector_load %arg8[%swap3A, %swap3A_270] {strides = array<i32>} : memref<16x1024xf32, #tpu.memory_space<vmem>>, vector<16xf32>,
              tpu.vector_store %arg8[%swap3A, %swap3A_270], %mul3A_269 {strides = array<i32>} : memref<16x1024xf32, #tpu.memory_space<vmem>>, vector<16xf32>,
            }
            %scan3A_261 = arith.constant 64 : i32
          } else {
          }
          %and3A_234 = arith.constant 1 : i32
          %and3A_235 = arith.andi %while3A_206, %and3A_234 : i32
          %eq3A_236 = arith.constant 1 : i32
          %eq3A_237 = arith.cmpi eq, %and3A_235, %eq3A_236 : i32
          %convert_element_type3A_238 = arith.extui %eq3A_237 : i1 to i32
          %cond3A_239 = arith.constant 0 : i32
          %cond3A_240 = arith.cmpi ne, %convert_element_type3A_238, %cond3A_239 : i32
          scf.if %cond3A_240 {
            %and3A_243 = arith.constant -8 : i32
            %and3A_244 = arith.andi %squeeze3A_214, %and3A_243 : i32
            %multiple_of3A_245 = tpu.assume_multiple %and3A_244, 8 : i32
            %dma_wait3A_246 = arith.constant 0 : i32
            %dma_wait3A_247 = tpu.memref_slice %arg2[%multiple_of3A_245, %dma_wait3A_246] : memref<512x1024xf32, #tpu.memory_space<hbm>> -> memref<8x1024xf32, #tpu.memory_space<hbm>>
            %dma_wait3A_248 = arith.constant 0 : i32
            %dma_wait3A_249 = tpu.memref_slice %arg2[%multiple_of3A_245, %dma_wait3A_248] : memref<512x1024xf32, #tpu.memory_space<hbm>> -> memref<8x1024xf32, #tpu.memory_space<hbm>>
            tpu.wait_dma2 semaphore(%arg24 : memref<!tpu.dma_semaphore, #tpu.memory_space<semaphore_mem>>) src(%dma_wait3A_249 : memref<8x1024xf32, #tpu.memory_space<hbm>>) dst(%arg13 : memref<8x1024xf32, #tpu.memory_space<vmem>>)
            %and3A_250 = arith.constant -8 : i32
            %and3A_251 = arith.andi %squeeze3A_220, %and3A_250 : i32
            %multiple_of3A_252 = tpu.assume_multiple %and3A_251, 8 : i32
            %dma_start3A_253 = arith.constant 0 : i32
            %dma_start3A_254 = tpu.memref_slice %arg2[%multiple_of3A_252, %dma_start3A_253] : memref<512x1024xf32, #tpu.memory_space<hbm>> -> memref<8x1024xf32, #tpu.memory_space<hbm>>
            %dma_start3A_255 = arith.constant 0 : i32
            %dma_start3A_256 = tpu.memref_slice %arg2[%multiple_of3A_252, %dma_start3A_255] : memref<512x1024xf32, #tpu.memory_space<hbm>> -> memref<8x1024xf32, #tpu.memory_space<hbm>>
            tpu.enqueue_dma source(%dma_start3A_256 : memref<8x1024xf32, #tpu.memory_space<hbm>>) target(%arg12 : memref<8x1024xf32, #tpu.memory_space<vmem>>) target_semaphore(%arg24 : memref<!tpu.dma_semaphore, #tpu.memory_space<semaphore_mem>>)
            %scan3A_257 = arith.constant 0 : i32
            %scan3A_258 = arith.constant 64 : i32
            %scan3A_259 = arith.addi %scan3A_257, %scan3A_258 : i32
            %scan3A_260 = arith.constant 1 : i32
            scf.for %scan3A_262 = %scan3A_257 to %scan3A_259 step %scan3A_260  : i32 {
              %mul3A_263 = arith.constant 16 : i32
              %mul3A_264 = arith.muli %scan3A_262, %mul3A_263 : i32
              %get3A_265 = arith.index_cast %and3A_226 : i32 to index
              %get3A_266 = arith.index_cast %mul3A_264 : i32 to index
              %get3A_267 = tpu.vector_load %arg13[%get3A_265, %get3A_266] {strides = array<i32>} : memref<8x1024xf32, #tpu.memory_space<vmem>>, vector<16xf32>,
              %mul3A_268 = vector.broadcast %squeeze3A_224 : f32 to vector<16xf32>
              %mul3A_269 = arith.mulf %get3A_267, %mul3A_268 : vector<16xf32>
              %swap3A = arith.index_cast %sub3A : i32 to index
              %swap3A_270 = arith.index_cast %mul3A_264 : i32 to index
              %swap3A_271 = tpu.vector_load %arg8[%swap3A, %swap3A_270] {strides = array<i32>} : memref<16x1024xf32, #tpu.memory_space<vmem>>, vector<16xf32>,
              tpu.vector_store %arg8[%swap3A, %swap3A_270], %mul3A_269 {strides = array<i32>} : memref<16x1024xf32, #tpu.memory_space<vmem>>, vector<16xf32>,
            }
            %scan3A_261 = arith.constant 64 : i32
          } else {
          }
          %add3A_241 = arith.constant 1 : i32
          %add3A_242 = arith.addi %while3A_206, %add3A_241 : i32
          scf.yield %add3A_242 : i32
        }
        %multiple_of3A_201 = tpu.assume_multiple %add3A_114, 8 : i32
        %dma_start3A_202 = arith.constant 0 : i32
        %dma_start3A_203 = tpu.memref_slice %arg5[%multiple_of3A_201, %dma_start3A_202] : memref<50000x1024xf32, #tpu.memory_space<hbm>> -> memref<16x1024xf32, #tpu.memory_space<hbm>>
        %dma_start3A_204 = arith.constant 0 : i32
        %dma_start3A_205 = tpu.memref_slice %arg5[%multiple_of3A_201, %dma_start3A_204] : memref<50000x1024xf32, #tpu.memory_space<hbm>> -> memref<16x1024xf32, #tpu.memory_space<hbm>>
        tpu.enqueue_dma source(%arg8 : memref<16x1024xf32, #tpu.memory_space<vmem>>) target(%dma_start3A_205 : memref<16x1024xf32, #tpu.memory_space<hbm>>) target_semaphore(%arg20 : memref<!tpu.dma_semaphore, #tpu.memory_space<semaphore_mem>>)
      } else {
      }
      %eq3A_144 = arith.constant 3 : i32
      %eq3A_145 = arith.cmpi eq, %select_n3A_128, %eq3A_144 : i32
      %convert_element_type3A_146 = arith.extui %eq3A_145 : i1 to i32
      %cond3A_147 = arith.constant 0 : i32
      %cond3A_148 = arith.cmpi ne, %convert_element_type3A_146, %cond3A_147 : i32
      scf.if %cond3A_148 {
        %ge3A = arith.constant 6 : i32
        %ge3A_196 = arith.cmpi sge, %while3A_98, %ge3A : i32
        %convert_element_type3A_197 = arith.extui %ge3A_196 : i1 to i32
        %cond3A_198 = arith.constant 0 : i32
        %cond3A_199 = arith.cmpi ne, %convert_element_type3A_197, %cond3A_198 : i32
        scf.if %cond3A_199 {
          %sub3A = arith.constant 96 : i32
          %sub3A_206 = arith.subi %add3A_114, %sub3A : i32
          %multiple_of3A_207 = tpu.assume_multiple %sub3A_206, 8 : i32
          %dma_wait3A_208 = arith.constant 0 : i32
          %dma_wait3A_209 = tpu.memref_slice %arg5[%multiple_of3A_207, %dma_wait3A_208] : memref<50000x1024xf32, #tpu.memory_space<hbm>> -> memref<16x1024xf32, #tpu.memory_space<hbm>>
          %dma_wait3A_210 = arith.constant 0 : i32
          %dma_wait3A_211 = tpu.memref_slice %arg5[%multiple_of3A_207, %dma_wait3A_210] : memref<50000x1024xf32, #tpu.memory_space<hbm>> -> memref<16x1024xf32, #tpu.memory_space<hbm>>
          tpu.wait_dma2 semaphore(%arg21 : memref<!tpu.dma_semaphore, #tpu.memory_space<semaphore_mem>>) src(%arg9 : memref<16x1024xf32, #tpu.memory_space<vmem>>) dst(%dma_wait3A_211 : memref<16x1024xf32, #tpu.memory_space<hbm>>)
          %sub3A_212 = arith.constant 96 : i32
          %sub3A_213 = arith.subi %add3A_114, %sub3A_212 : i32
          %while3A_214 = arith.subi %while3A_109, %while3A_103 : i32
          %while3A_215 = arith.addi %while3A_103, %while3A_214 : i32
          %while3A_216 = arith.constant 1 : i32
          %while3A_217 = arith.divsi %while3A_214, %while3A_216 : i32
          %while3A_218 = arith.muli %while3A_217, %while3A_216 : i32
          %while3A_219 = arith.addi %while3A_103, %while3A_218 : i32
          %while3A_220 = arith.constant 1 : i32
          scf.for %while3A_222 = %while3A_103 to %while3A_219 step %while3A_220  : i32 {
            %get3A_223 = arith.index_cast %while3A_222 : i32 to index
            %get3A_224 = tpu.vector_load %arg15[%get3A_223] {strides = array<i32>} : memref<544xi32, #tpu.memory_space<vmem>>, vector<16xi32>,
            %slice3A_225 = vector.extract_strided_slice %get3A_224 {offsets = [0], sizes = [1], strides = [1]} : vector<16xi32> to vector<1xi32>
            %squeeze3A_226 = vector.extract %slice3A_225[0] : i32 from vector<1xi32>
            %sub3A_227 = arith.subi %squeeze3A_226, %sub3A_213 : i32
            %scan3A_228 = arith.constant 0 : i32
            %scan3A_229 = arith.constant 64 : i32
            %scan3A_230 = arith.addi %scan3A_228, %scan3A_229 : i32
            %scan3A_231 = arith.constant 1 : i32
            scf.for %scan3A_233 = %scan3A_228 to %scan3A_230 step %scan3A_231  : i32 {
              %mul3A_234 = arith.constant 16 : i32
              %mul3A_235 = arith.muli %scan3A_233, %mul3A_234 : i32
              %swap3A = arith.index_cast %sub3A_227 : i32 to index
              %swap3A_236 = arith.index_cast %mul3A_235 : i32 to index
              %swap3A_237 = tpu.vector_load %arg9[%swap3A, %swap3A_236] {strides = array<i32>} : memref<16x1024xf32, #tpu.memory_space<vmem>>, vector<16xf32>,
              tpu.vector_store %arg9[%swap3A, %swap3A_236], %broadcast_in_dim3A_9 {strides = array<i32>} : memref<16x1024xf32, #tpu.memory_space<vmem>>, vector<16xf32>,
            }
            %scan3A_232 = arith.constant 64 : i32
          }
          %while3A_221 = arith.constant 1 : i32
          scf.for %while3A_222 = %while3A_219 to %while3A_215 step %while3A_221  : i32 {
            %get3A_223 = arith.index_cast %while3A_222 : i32 to index
            %get3A_224 = tpu.vector_load %arg15[%get3A_223] {strides = array<i32>} : memref<544xi32, #tpu.memory_space<vmem>>, vector<16xi32>,
            %slice3A_225 = vector.extract_strided_slice %get3A_224 {offsets = [0], sizes = [1], strides = [1]} : vector<16xi32> to vector<1xi32>
            %squeeze3A_226 = vector.extract %slice3A_225[0] : i32 from vector<1xi32>
            %sub3A_227 = arith.subi %squeeze3A_226, %sub3A_213 : i32
            %scan3A_228 = arith.constant 0 : i32
            %scan3A_229 = arith.constant 64 : i32
            %scan3A_230 = arith.addi %scan3A_228, %scan3A_229 : i32
            %scan3A_231 = arith.constant 1 : i32
            scf.for %scan3A_233 = %scan3A_228 to %scan3A_230 step %scan3A_231  : i32 {
              %mul3A_234 = arith.constant 16 : i32
              %mul3A_235 = arith.muli %scan3A_233, %mul3A_234 : i32
              %swap3A = arith.index_cast %sub3A_227 : i32 to index
              %swap3A_236 = arith.index_cast %mul3A_235 : i32 to index
              %swap3A_237 = tpu.vector_load %arg9[%swap3A, %swap3A_236] {strides = array<i32>} : memref<16x1024xf32, #tpu.memory_space<vmem>>, vector<16xf32>,
              tpu.vector_store %arg9[%swap3A, %swap3A_236], %broadcast_in_dim3A_9 {strides = array<i32>} : memref<16x1024xf32, #tpu.memory_space<vmem>>, vector<16xf32>,
            }
            %scan3A_232 = arith.constant 64 : i32
          }
        } else {
        }
        %while3A_200 = scf.while (%while3A_206 = %while3A_99) : (i32) -> i32 {
          %get3A_207 = arith.index_cast %while3A_206 : i32 to index
          %get3A_208 = tpu.vector_load %arg15[%get3A_207] {strides = array<i32>} : memref<544xi32, #tpu.memory_space<vmem>>, vector<16xi32>,
          %slice3A_209 = vector.extract_strided_slice %get3A_208 {offsets = [0], sizes = [1], strides = [1]} : vector<16xi32> to vector<1xi32>
          %squeeze3A_210 = vector.extract %slice3A_209[0] : i32 from vector<1xi32>
          %add3A_211 = arith.constant 16 : i32
          %add3A_212 = arith.addi %add3A_114, %add3A_211 : i32
          %lt3A_213 = arith.cmpi slt, %squeeze3A_210, %add3A_212 : i32
          scf.condition(%lt3A_213) %while3A_206 : i32
        } do {
        ^bb0(%while3A_206: i32):
          %get3A_207 = arith.index_cast %while3A_206 : i32 to index
          %get3A_208 = tpu.vector_load %arg15[%get3A_207] {strides = array<i32>} : memref<544xi32, #tpu.memory_space<vmem>>, vector<16xi32>,
          %slice3A_209 = vector.extract_strided_slice %get3A_208 {offsets = [0], sizes = [1], strides = [1]} : vector<16xi32> to vector<1xi32>
          %squeeze3A_210 = vector.extract %slice3A_209[0] : i32 from vector<1xi32>
          %get3A_211 = arith.index_cast %while3A_206 : i32 to index
          %get3A_212 = tpu.vector_load %arg16[%get3A_211] {strides = array<i32>} : memref<544xi32, #tpu.memory_space<vmem>>, vector<16xi32>,
          %slice3A_213 = vector.extract_strided_slice %get3A_212 {offsets = [0], sizes = [1], strides = [1]} : vector<16xi32> to vector<1xi32>
          %squeeze3A_214 = vector.extract %slice3A_213[0] : i32 from vector<1xi32>
          %add3A_215 = arith.constant 1 : i32
          %add3A_216 = arith.addi %while3A_206, %add3A_215 : i32
          %get3A_217 = arith.index_cast %add3A_216 : i32 to index
          %get3A_218 = tpu.vector_load %arg16[%get3A_217] {strides = array<i32>} : memref<544xi32, #tpu.memory_space<vmem>>, vector<16xi32>,
          %slice3A_219 = vector.extract_strided_slice %get3A_218 {offsets = [0], sizes = [1], strides = [1]} : vector<16xi32> to vector<1xi32>
          %squeeze3A_220 = vector.extract %slice3A_219[0] : i32 from vector<1xi32>
          %get3A_221 = arith.index_cast %squeeze3A_214 : i32 to index
          %get3A_222 = tpu.vector_load %arg17[%get3A_221] {strides = array<i32>} : memref<528xf32, #tpu.memory_space<vmem>>, vector<16xf32>,
          %slice3A_223 = vector.extract_strided_slice %get3A_222 {offsets = [0], sizes = [1], strides = [1]} : vector<16xf32> to vector<1xf32>
          %squeeze3A_224 = vector.extract %slice3A_223[0] : f32 from vector<1xf32>
          %sub3A = arith.subi %squeeze3A_210, %add3A_114 : i32
          %and3A_225 = arith.constant 7 : i32
          %and3A_226 = arith.andi %squeeze3A_214, %and3A_225 : i32
          %and3A_227 = arith.constant 1 : i32
          %and3A_228 = arith.andi %while3A_206, %and3A_227 : i32
          %eq3A_229 = arith.constant 0 : i32
          %eq3A_230 = arith.cmpi eq, %and3A_228, %eq3A_229 : i32
          %convert_element_type3A_231 = arith.extui %eq3A_230 : i1 to i32
          %cond3A_232 = arith.constant 0 : i32
          %cond3A_233 = arith.cmpi ne, %convert_element_type3A_231, %cond3A_232 : i32
          scf.if %cond3A_233 {
            %and3A_243 = arith.constant -8 : i32
            %and3A_244 = arith.andi %squeeze3A_214, %and3A_243 : i32
            %multiple_of3A_245 = tpu.assume_multiple %and3A_244, 8 : i32
            %dma_wait3A_246 = arith.constant 0 : i32
            %dma_wait3A_247 = tpu.memref_slice %arg2[%multiple_of3A_245, %dma_wait3A_246] : memref<512x1024xf32, #tpu.memory_space<hbm>> -> memref<8x1024xf32, #tpu.memory_space<hbm>>
            %dma_wait3A_248 = arith.constant 0 : i32
            %dma_wait3A_249 = tpu.memref_slice %arg2[%multiple_of3A_245, %dma_wait3A_248] : memref<512x1024xf32, #tpu.memory_space<hbm>> -> memref<8x1024xf32, #tpu.memory_space<hbm>>
            tpu.wait_dma2 semaphore(%arg24 : memref<!tpu.dma_semaphore, #tpu.memory_space<semaphore_mem>>) src(%dma_wait3A_249 : memref<8x1024xf32, #tpu.memory_space<hbm>>) dst(%arg12 : memref<8x1024xf32, #tpu.memory_space<vmem>>)
            %and3A_250 = arith.constant -8 : i32
            %and3A_251 = arith.andi %squeeze3A_220, %and3A_250 : i32
            %multiple_of3A_252 = tpu.assume_multiple %and3A_251, 8 : i32
            %dma_start3A_253 = arith.constant 0 : i32
            %dma_start3A_254 = tpu.memref_slice %arg2[%multiple_of3A_252, %dma_start3A_253] : memref<512x1024xf32, #tpu.memory_space<hbm>> -> memref<8x1024xf32, #tpu.memory_space<hbm>>
            %dma_start3A_255 = arith.constant 0 : i32
            %dma_start3A_256 = tpu.memref_slice %arg2[%multiple_of3A_252, %dma_start3A_255] : memref<512x1024xf32, #tpu.memory_space<hbm>> -> memref<8x1024xf32, #tpu.memory_space<hbm>>
            tpu.enqueue_dma source(%dma_start3A_256 : memref<8x1024xf32, #tpu.memory_space<hbm>>) target(%arg13 : memref<8x1024xf32, #tpu.memory_space<vmem>>) target_semaphore(%arg24 : memref<!tpu.dma_semaphore, #tpu.memory_space<semaphore_mem>>)
            %scan3A_257 = arith.constant 0 : i32
            %scan3A_258 = arith.constant 64 : i32
            %scan3A_259 = arith.addi %scan3A_257, %scan3A_258 : i32
            %scan3A_260 = arith.constant 1 : i32
            scf.for %scan3A_262 = %scan3A_257 to %scan3A_259 step %scan3A_260  : i32 {
              %mul3A_263 = arith.constant 16 : i32
              %mul3A_264 = arith.muli %scan3A_262, %mul3A_263 : i32
              %get3A_265 = arith.index_cast %and3A_226 : i32 to index
              %get3A_266 = arith.index_cast %mul3A_264 : i32 to index
              %get3A_267 = tpu.vector_load %arg12[%get3A_265, %get3A_266] {strides = array<i32>} : memref<8x1024xf32, #tpu.memory_space<vmem>>, vector<16xf32>,
              %mul3A_268 = vector.broadcast %squeeze3A_224 : f32 to vector<16xf32>
              %mul3A_269 = arith.mulf %get3A_267, %mul3A_268 : vector<16xf32>
              %swap3A = arith.index_cast %sub3A : i32 to index
              %swap3A_270 = arith.index_cast %mul3A_264 : i32 to index
              %swap3A_271 = tpu.vector_load %arg9[%swap3A, %swap3A_270] {strides = array<i32>} : memref<16x1024xf32, #tpu.memory_space<vmem>>, vector<16xf32>,
              tpu.vector_store %arg9[%swap3A, %swap3A_270], %mul3A_269 {strides = array<i32>} : memref<16x1024xf32, #tpu.memory_space<vmem>>, vector<16xf32>,
            }
            %scan3A_261 = arith.constant 64 : i32
          } else {
          }
          %and3A_234 = arith.constant 1 : i32
          %and3A_235 = arith.andi %while3A_206, %and3A_234 : i32
          %eq3A_236 = arith.constant 1 : i32
          %eq3A_237 = arith.cmpi eq, %and3A_235, %eq3A_236 : i32
          %convert_element_type3A_238 = arith.extui %eq3A_237 : i1 to i32
          %cond3A_239 = arith.constant 0 : i32
          %cond3A_240 = arith.cmpi ne, %convert_element_type3A_238, %cond3A_239 : i32
          scf.if %cond3A_240 {
            %and3A_243 = arith.constant -8 : i32
            %and3A_244 = arith.andi %squeeze3A_214, %and3A_243 : i32
            %multiple_of3A_245 = tpu.assume_multiple %and3A_244, 8 : i32
            %dma_wait3A_246 = arith.constant 0 : i32
            %dma_wait3A_247 = tpu.memref_slice %arg2[%multiple_of3A_245, %dma_wait3A_246] : memref<512x1024xf32, #tpu.memory_space<hbm>> -> memref<8x1024xf32, #tpu.memory_space<hbm>>
            %dma_wait3A_248 = arith.constant 0 : i32
            %dma_wait3A_249 = tpu.memref_slice %arg2[%multiple_of3A_245, %dma_wait3A_248] : memref<512x1024xf32, #tpu.memory_space<hbm>> -> memref<8x1024xf32, #tpu.memory_space<hbm>>
            tpu.wait_dma2 semaphore(%arg24 : memref<!tpu.dma_semaphore, #tpu.memory_space<semaphore_mem>>) src(%dma_wait3A_249 : memref<8x1024xf32, #tpu.memory_space<hbm>>) dst(%arg13 : memref<8x1024xf32, #tpu.memory_space<vmem>>)
            %and3A_250 = arith.constant -8 : i32
            %and3A_251 = arith.andi %squeeze3A_220, %and3A_250 : i32
            %multiple_of3A_252 = tpu.assume_multiple %and3A_251, 8 : i32
            %dma_start3A_253 = arith.constant 0 : i32
            %dma_start3A_254 = tpu.memref_slice %arg2[%multiple_of3A_252, %dma_start3A_253] : memref<512x1024xf32, #tpu.memory_space<hbm>> -> memref<8x1024xf32, #tpu.memory_space<hbm>>
            %dma_start3A_255 = arith.constant 0 : i32
            %dma_start3A_256 = tpu.memref_slice %arg2[%multiple_of3A_252, %dma_start3A_255] : memref<512x1024xf32, #tpu.memory_space<hbm>> -> memref<8x1024xf32, #tpu.memory_space<hbm>>
            tpu.enqueue_dma source(%dma_start3A_256 : memref<8x1024xf32, #tpu.memory_space<hbm>>) target(%arg12 : memref<8x1024xf32, #tpu.memory_space<vmem>>) target_semaphore(%arg24 : memref<!tpu.dma_semaphore, #tpu.memory_space<semaphore_mem>>)
            %scan3A_257 = arith.constant 0 : i32
            %scan3A_258 = arith.constant 64 : i32
            %scan3A_259 = arith.addi %scan3A_257, %scan3A_258 : i32
            %scan3A_260 = arith.constant 1 : i32
            scf.for %scan3A_262 = %scan3A_257 to %scan3A_259 step %scan3A_260  : i32 {
              %mul3A_263 = arith.constant 16 : i32
              %mul3A_264 = arith.muli %scan3A_262, %mul3A_263 : i32
              %get3A_265 = arith.index_cast %and3A_226 : i32 to index
              %get3A_266 = arith.index_cast %mul3A_264 : i32 to index
              %get3A_267 = tpu.vector_load %arg13[%get3A_265, %get3A_266] {strides = array<i32>} : memref<8x1024xf32, #tpu.memory_space<vmem>>, vector<16xf32>,
              %mul3A_268 = vector.broadcast %squeeze3A_224 : f32 to vector<16xf32>
              %mul3A_269 = arith.mulf %get3A_267, %mul3A_268 : vector<16xf32>
              %swap3A = arith.index_cast %sub3A : i32 to index
              %swap3A_270 = arith.index_cast %mul3A_264 : i32 to index
              %swap3A_271 = tpu.vector_load %arg9[%swap3A, %swap3A_270] {strides = array<i32>} : memref<16x1024xf32, #tpu.memory_space<vmem>>, vector<16xf32>,
              tpu.vector_store %arg9[%swap3A, %swap3A_270], %mul3A_269 {strides = array<i32>} : memref<16x1024xf32, #tpu.memory_space<vmem>>, vector<16xf32>,
            }
            %scan3A_261 = arith.constant 64 : i32
          } else {
          }
          %add3A_241 = arith.constant 1 : i32
          %add3A_242 = arith.addi %while3A_206, %add3A_241 : i32
          scf.yield %add3A_242 : i32
        }
        %multiple_of3A_201 = tpu.assume_multiple %add3A_114, 8 : i32
        %dma_start3A_202 = arith.constant 0 : i32
        %dma_start3A_203 = tpu.memref_slice %arg5[%multiple_of3A_201, %dma_start3A_202] : memref<50000x1024xf32, #tpu.memory_space<hbm>> -> memref<16x1024xf32, #tpu.memory_space<hbm>>
        %dma_start3A_204 = arith.constant 0 : i32
        %dma_start3A_205 = tpu.memref_slice %arg5[%multiple_of3A_201, %dma_start3A_204] : memref<50000x1024xf32, #tpu.memory_space<hbm>> -> memref<16x1024xf32, #tpu.memory_space<hbm>>
        tpu.enqueue_dma source(%arg9 : memref<16x1024xf32, #tpu.memory_space<vmem>>) target(%dma_start3A_205 : memref<16x1024xf32, #tpu.memory_space<hbm>>) target_semaphore(%arg21 : memref<!tpu.dma_semaphore, #tpu.memory_space<semaphore_mem>>)
      } else {
      }
      %eq3A_149 = arith.constant 4 : i32
      %eq3A_150 = arith.cmpi eq, %select_n3A_128, %eq3A_149 : i32
      %convert_element_type3A_151 = arith.extui %eq3A_150 : i1 to i32
      %cond3A_152 = arith.constant 0 : i32
      %cond3A_153 = arith.cmpi ne, %convert_element_type3A_151, %cond3A_152 : i32
      scf.if %cond3A_153 {
        %ge3A = arith.constant 6 : i32
        %ge3A_196 = arith.cmpi sge, %while3A_98, %ge3A : i32
        %convert_element_type3A_197 = arith.extui %ge3A_196 : i1 to i32
        %cond3A_198 = arith.constant 0 : i32
        %cond3A_199 = arith.cmpi ne, %convert_element_type3A_197, %cond3A_198 : i32
        scf.if %cond3A_199 {
          %sub3A = arith.constant 96 : i32
          %sub3A_206 = arith.subi %add3A_114, %sub3A : i32
          %multiple_of3A_207 = tpu.assume_multiple %sub3A_206, 8 : i32
          %dma_wait3A_208 = arith.constant 0 : i32
          %dma_wait3A_209 = tpu.memref_slice %arg5[%multiple_of3A_207, %dma_wait3A_208] : memref<50000x1024xf32, #tpu.memory_space<hbm>> -> memref<16x1024xf32, #tpu.memory_space<hbm>>
          %dma_wait3A_210 = arith.constant 0 : i32
          %dma_wait3A_211 = tpu.memref_slice %arg5[%multiple_of3A_207, %dma_wait3A_210] : memref<50000x1024xf32, #tpu.memory_space<hbm>> -> memref<16x1024xf32, #tpu.memory_space<hbm>>
          tpu.wait_dma2 semaphore(%arg22 : memref<!tpu.dma_semaphore, #tpu.memory_space<semaphore_mem>>) src(%arg10 : memref<16x1024xf32, #tpu.memory_space<vmem>>) dst(%dma_wait3A_211 : memref<16x1024xf32, #tpu.memory_space<hbm>>)
          %sub3A_212 = arith.constant 96 : i32
          %sub3A_213 = arith.subi %add3A_114, %sub3A_212 : i32
          %while3A_214 = arith.subi %while3A_110, %while3A_104 : i32
          %while3A_215 = arith.addi %while3A_104, %while3A_214 : i32
          %while3A_216 = arith.constant 1 : i32
          %while3A_217 = arith.divsi %while3A_214, %while3A_216 : i32
          %while3A_218 = arith.muli %while3A_217, %while3A_216 : i32
          %while3A_219 = arith.addi %while3A_104, %while3A_218 : i32
          %while3A_220 = arith.constant 1 : i32
          scf.for %while3A_222 = %while3A_104 to %while3A_219 step %while3A_220  : i32 {
            %get3A_223 = arith.index_cast %while3A_222 : i32 to index
            %get3A_224 = tpu.vector_load %arg15[%get3A_223] {strides = array<i32>} : memref<544xi32, #tpu.memory_space<vmem>>, vector<16xi32>,
            %slice3A_225 = vector.extract_strided_slice %get3A_224 {offsets = [0], sizes = [1], strides = [1]} : vector<16xi32> to vector<1xi32>
            %squeeze3A_226 = vector.extract %slice3A_225[0] : i32 from vector<1xi32>
            %sub3A_227 = arith.subi %squeeze3A_226, %sub3A_213 : i32
            %scan3A_228 = arith.constant 0 : i32
            %scan3A_229 = arith.constant 64 : i32
            %scan3A_230 = arith.addi %scan3A_228, %scan3A_229 : i32
            %scan3A_231 = arith.constant 1 : i32
            scf.for %scan3A_233 = %scan3A_228 to %scan3A_230 step %scan3A_231  : i32 {
              %mul3A_234 = arith.constant 16 : i32
              %mul3A_235 = arith.muli %scan3A_233, %mul3A_234 : i32
              %swap3A = arith.index_cast %sub3A_227 : i32 to index
              %swap3A_236 = arith.index_cast %mul3A_235 : i32 to index
              %swap3A_237 = tpu.vector_load %arg10[%swap3A, %swap3A_236] {strides = array<i32>} : memref<16x1024xf32, #tpu.memory_space<vmem>>, vector<16xf32>,
              tpu.vector_store %arg10[%swap3A, %swap3A_236], %broadcast_in_dim3A_9 {strides = array<i32>} : memref<16x1024xf32, #tpu.memory_space<vmem>>, vector<16xf32>,
            }
            %scan3A_232 = arith.constant 64 : i32
          }
          %while3A_221 = arith.constant 1 : i32
          scf.for %while3A_222 = %while3A_219 to %while3A_215 step %while3A_221  : i32 {
            %get3A_223 = arith.index_cast %while3A_222 : i32 to index
            %get3A_224 = tpu.vector_load %arg15[%get3A_223] {strides = array<i32>} : memref<544xi32, #tpu.memory_space<vmem>>, vector<16xi32>,
            %slice3A_225 = vector.extract_strided_slice %get3A_224 {offsets = [0], sizes = [1], strides = [1]} : vector<16xi32> to vector<1xi32>
            %squeeze3A_226 = vector.extract %slice3A_225[0] : i32 from vector<1xi32>
            %sub3A_227 = arith.subi %squeeze3A_226, %sub3A_213 : i32
            %scan3A_228 = arith.constant 0 : i32
            %scan3A_229 = arith.constant 64 : i32
            %scan3A_230 = arith.addi %scan3A_228, %scan3A_229 : i32
            %scan3A_231 = arith.constant 1 : i32
            scf.for %scan3A_233 = %scan3A_228 to %scan3A_230 step %scan3A_231  : i32 {
              %mul3A_234 = arith.constant 16 : i32
              %mul3A_235 = arith.muli %scan3A_233, %mul3A_234 : i32
              %swap3A = arith.index_cast %sub3A_227 : i32 to index
              %swap3A_236 = arith.index_cast %mul3A_235 : i32 to index
              %swap3A_237 = tpu.vector_load %arg10[%swap3A, %swap3A_236] {strides = array<i32>} : memref<16x1024xf32, #tpu.memory_space<vmem>>, vector<16xf32>,
              tpu.vector_store %arg10[%swap3A, %swap3A_236], %broadcast_in_dim3A_9 {strides = array<i32>} : memref<16x1024xf32, #tpu.memory_space<vmem>>, vector<16xf32>,
            }
            %scan3A_232 = arith.constant 64 : i32
          }
        } else {
        }
        %while3A_200 = scf.while (%while3A_206 = %while3A_99) : (i32) -> i32 {
          %get3A_207 = arith.index_cast %while3A_206 : i32 to index
          %get3A_208 = tpu.vector_load %arg15[%get3A_207] {strides = array<i32>} : memref<544xi32, #tpu.memory_space<vmem>>, vector<16xi32>,
          %slice3A_209 = vector.extract_strided_slice %get3A_208 {offsets = [0], sizes = [1], strides = [1]} : vector<16xi32> to vector<1xi32>
          %squeeze3A_210 = vector.extract %slice3A_209[0] : i32 from vector<1xi32>
          %add3A_211 = arith.constant 16 : i32
          %add3A_212 = arith.addi %add3A_114, %add3A_211 : i32
          %lt3A_213 = arith.cmpi slt, %squeeze3A_210, %add3A_212 : i32
          scf.condition(%lt3A_213) %while3A_206 : i32
        } do {
        ^bb0(%while3A_206: i32):
          %get3A_207 = arith.index_cast %while3A_206 : i32 to index
          %get3A_208 = tpu.vector_load %arg15[%get3A_207] {strides = array<i32>} : memref<544xi32, #tpu.memory_space<vmem>>, vector<16xi32>,
          %slice3A_209 = vector.extract_strided_slice %get3A_208 {offsets = [0], sizes = [1], strides = [1]} : vector<16xi32> to vector<1xi32>
          %squeeze3A_210 = vector.extract %slice3A_209[0] : i32 from vector<1xi32>
          %get3A_211 = arith.index_cast %while3A_206 : i32 to index
          %get3A_212 = tpu.vector_load %arg16[%get3A_211] {strides = array<i32>} : memref<544xi32, #tpu.memory_space<vmem>>, vector<16xi32>,
          %slice3A_213 = vector.extract_strided_slice %get3A_212 {offsets = [0], sizes = [1], strides = [1]} : vector<16xi32> to vector<1xi32>
          %squeeze3A_214 = vector.extract %slice3A_213[0] : i32 from vector<1xi32>
          %add3A_215 = arith.constant 1 : i32
          %add3A_216 = arith.addi %while3A_206, %add3A_215 : i32
          %get3A_217 = arith.index_cast %add3A_216 : i32 to index
          %get3A_218 = tpu.vector_load %arg16[%get3A_217] {strides = array<i32>} : memref<544xi32, #tpu.memory_space<vmem>>, vector<16xi32>,
          %slice3A_219 = vector.extract_strided_slice %get3A_218 {offsets = [0], sizes = [1], strides = [1]} : vector<16xi32> to vector<1xi32>
          %squeeze3A_220 = vector.extract %slice3A_219[0] : i32 from vector<1xi32>
          %get3A_221 = arith.index_cast %squeeze3A_214 : i32 to index
          %get3A_222 = tpu.vector_load %arg17[%get3A_221] {strides = array<i32>} : memref<528xf32, #tpu.memory_space<vmem>>, vector<16xf32>,
          %slice3A_223 = vector.extract_strided_slice %get3A_222 {offsets = [0], sizes = [1], strides = [1]} : vector<16xf32> to vector<1xf32>
          %squeeze3A_224 = vector.extract %slice3A_223[0] : f32 from vector<1xf32>
          %sub3A = arith.subi %squeeze3A_210, %add3A_114 : i32
          %and3A_225 = arith.constant 7 : i32
          %and3A_226 = arith.andi %squeeze3A_214, %and3A_225 : i32
          %and3A_227 = arith.constant 1 : i32
          %and3A_228 = arith.andi %while3A_206, %and3A_227 : i32
          %eq3A_229 = arith.constant 0 : i32
          %eq3A_230 = arith.cmpi eq, %and3A_228, %eq3A_229 : i32
          %convert_element_type3A_231 = arith.extui %eq3A_230 : i1 to i32
          %cond3A_232 = arith.constant 0 : i32
          %cond3A_233 = arith.cmpi ne, %convert_element_type3A_231, %cond3A_232 : i32
          scf.if %cond3A_233 {
            %and3A_243 = arith.constant -8 : i32
            %and3A_244 = arith.andi %squeeze3A_214, %and3A_243 : i32
            %multiple_of3A_245 = tpu.assume_multiple %and3A_244, 8 : i32
            %dma_wait3A_246 = arith.constant 0 : i32
            %dma_wait3A_247 = tpu.memref_slice %arg2[%multiple_of3A_245, %dma_wait3A_246] : memref<512x1024xf32, #tpu.memory_space<hbm>> -> memref<8x1024xf32, #tpu.memory_space<hbm>>
            %dma_wait3A_248 = arith.constant 0 : i32
            %dma_wait3A_249 = tpu.memref_slice %arg2[%multiple_of3A_245, %dma_wait3A_248] : memref<512x1024xf32, #tpu.memory_space<hbm>> -> memref<8x1024xf32, #tpu.memory_space<hbm>>
            tpu.wait_dma2 semaphore(%arg24 : memref<!tpu.dma_semaphore, #tpu.memory_space<semaphore_mem>>) src(%dma_wait3A_249 : memref<8x1024xf32, #tpu.memory_space<hbm>>) dst(%arg12 : memref<8x1024xf32, #tpu.memory_space<vmem>>)
            %and3A_250 = arith.constant -8 : i32
            %and3A_251 = arith.andi %squeeze3A_220, %and3A_250 : i32
            %multiple_of3A_252 = tpu.assume_multiple %and3A_251, 8 : i32
            %dma_start3A_253 = arith.constant 0 : i32
            %dma_start3A_254 = tpu.memref_slice %arg2[%multiple_of3A_252, %dma_start3A_253] : memref<512x1024xf32, #tpu.memory_space<hbm>> -> memref<8x1024xf32, #tpu.memory_space<hbm>>
            %dma_start3A_255 = arith.constant 0 : i32
            %dma_start3A_256 = tpu.memref_slice %arg2[%multiple_of3A_252, %dma_start3A_255] : memref<512x1024xf32, #tpu.memory_space<hbm>> -> memref<8x1024xf32, #tpu.memory_space<hbm>>
            tpu.enqueue_dma source(%dma_start3A_256 : memref<8x1024xf32, #tpu.memory_space<hbm>>) target(%arg13 : memref<8x1024xf32, #tpu.memory_space<vmem>>) target_semaphore(%arg24 : memref<!tpu.dma_semaphore, #tpu.memory_space<semaphore_mem>>)
            %scan3A_257 = arith.constant 0 : i32
            %scan3A_258 = arith.constant 64 : i32
            %scan3A_259 = arith.addi %scan3A_257, %scan3A_258 : i32
            %scan3A_260 = arith.constant 1 : i32
            scf.for %scan3A_262 = %scan3A_257 to %scan3A_259 step %scan3A_260  : i32 {
              %mul3A_263 = arith.constant 16 : i32
              %mul3A_264 = arith.muli %scan3A_262, %mul3A_263 : i32
              %get3A_265 = arith.index_cast %and3A_226 : i32 to index
              %get3A_266 = arith.index_cast %mul3A_264 : i32 to index
              %get3A_267 = tpu.vector_load %arg12[%get3A_265, %get3A_266] {strides = array<i32>} : memref<8x1024xf32, #tpu.memory_space<vmem>>, vector<16xf32>,
              %mul3A_268 = vector.broadcast %squeeze3A_224 : f32 to vector<16xf32>
              %mul3A_269 = arith.mulf %get3A_267, %mul3A_268 : vector<16xf32>
              %swap3A = arith.index_cast %sub3A : i32 to index
              %swap3A_270 = arith.index_cast %mul3A_264 : i32 to index
              %swap3A_271 = tpu.vector_load %arg10[%swap3A, %swap3A_270] {strides = array<i32>} : memref<16x1024xf32, #tpu.memory_space<vmem>>, vector<16xf32>,
              tpu.vector_store %arg10[%swap3A, %swap3A_270], %mul3A_269 {strides = array<i32>} : memref<16x1024xf32, #tpu.memory_space<vmem>>, vector<16xf32>,
            }
            %scan3A_261 = arith.constant 64 : i32
          } else {
          }
          %and3A_234 = arith.constant 1 : i32
          %and3A_235 = arith.andi %while3A_206, %and3A_234 : i32
          %eq3A_236 = arith.constant 1 : i32
          %eq3A_237 = arith.cmpi eq, %and3A_235, %eq3A_236 : i32
          %convert_element_type3A_238 = arith.extui %eq3A_237 : i1 to i32
          %cond3A_239 = arith.constant 0 : i32
          %cond3A_240 = arith.cmpi ne, %convert_element_type3A_238, %cond3A_239 : i32
          scf.if %cond3A_240 {
            %and3A_243 = arith.constant -8 : i32
            %and3A_244 = arith.andi %squeeze3A_214, %and3A_243 : i32
            %multiple_of3A_245 = tpu.assume_multiple %and3A_244, 8 : i32
            %dma_wait3A_246 = arith.constant 0 : i32
            %dma_wait3A_247 = tpu.memref_slice %arg2[%multiple_of3A_245, %dma_wait3A_246] : memref<512x1024xf32, #tpu.memory_space<hbm>> -> memref<8x1024xf32, #tpu.memory_space<hbm>>
            %dma_wait3A_248 = arith.constant 0 : i32
            %dma_wait3A_249 = tpu.memref_slice %arg2[%multiple_of3A_245, %dma_wait3A_248] : memref<512x1024xf32, #tpu.memory_space<hbm>> -> memref<8x1024xf32, #tpu.memory_space<hbm>>
            tpu.wait_dma2 semaphore(%arg24 : memref<!tpu.dma_semaphore, #tpu.memory_space<semaphore_mem>>) src(%dma_wait3A_249 : memref<8x1024xf32, #tpu.memory_space<hbm>>) dst(%arg13 : memref<8x1024xf32, #tpu.memory_space<vmem>>)
            %and3A_250 = arith.constant -8 : i32
            %and3A_251 = arith.andi %squeeze3A_220, %and3A_250 : i32
            %multiple_of3A_252 = tpu.assume_multiple %and3A_251, 8 : i32
            %dma_start3A_253 = arith.constant 0 : i32
            %dma_start3A_254 = tpu.memref_slice %arg2[%multiple_of3A_252, %dma_start3A_253] : memref<512x1024xf32, #tpu.memory_space<hbm>> -> memref<8x1024xf32, #tpu.memory_space<hbm>>
            %dma_start3A_255 = arith.constant 0 : i32
            %dma_start3A_256 = tpu.memref_slice %arg2[%multiple_of3A_252, %dma_start3A_255] : memref<512x1024xf32, #tpu.memory_space<hbm>> -> memref<8x1024xf32, #tpu.memory_space<hbm>>
            tpu.enqueue_dma source(%dma_start3A_256 : memref<8x1024xf32, #tpu.memory_space<hbm>>) target(%arg12 : memref<8x1024xf32, #tpu.memory_space<vmem>>) target_semaphore(%arg24 : memref<!tpu.dma_semaphore, #tpu.memory_space<semaphore_mem>>)
            %scan3A_257 = arith.constant 0 : i32
            %scan3A_258 = arith.constant 64 : i32
            %scan3A_259 = arith.addi %scan3A_257, %scan3A_258 : i32
            %scan3A_260 = arith.constant 1 : i32
            scf.for %scan3A_262 = %scan3A_257 to %scan3A_259 step %scan3A_260  : i32 {
              %mul3A_263 = arith.constant 16 : i32
              %mul3A_264 = arith.muli %scan3A_262, %mul3A_263 : i32
              %get3A_265 = arith.index_cast %and3A_226 : i32 to index
              %get3A_266 = arith.index_cast %mul3A_264 : i32 to index
              %get3A_267 = tpu.vector_load %arg13[%get3A_265, %get3A_266] {strides = array<i32>} : memref<8x1024xf32, #tpu.memory_space<vmem>>, vector<16xf32>,
              %mul3A_268 = vector.broadcast %squeeze3A_224 : f32 to vector<16xf32>
              %mul3A_269 = arith.mulf %get3A_267, %mul3A_268 : vector<16xf32>
              %swap3A = arith.index_cast %sub3A : i32 to index
              %swap3A_270 = arith.index_cast %mul3A_264 : i32 to index
              %swap3A_271 = tpu.vector_load %arg10[%swap3A, %swap3A_270] {strides = array<i32>} : memref<16x1024xf32, #tpu.memory_space<vmem>>, vector<16xf32>,
              tpu.vector_store %arg10[%swap3A, %swap3A_270], %mul3A_269 {strides = array<i32>} : memref<16x1024xf32, #tpu.memory_space<vmem>>, vector<16xf32>,
            }
            %scan3A_261 = arith.constant 64 : i32
          } else {
          }
          %add3A_241 = arith.constant 1 : i32
          %add3A_242 = arith.addi %while3A_206, %add3A_241 : i32
          scf.yield %add3A_242 : i32
        }
        %multiple_of3A_201 = tpu.assume_multiple %add3A_114, 8 : i32
        %dma_start3A_202 = arith.constant 0 : i32
        %dma_start3A_203 = tpu.memref_slice %arg5[%multiple_of3A_201, %dma_start3A_202] : memref<50000x1024xf32, #tpu.memory_space<hbm>> -> memref<16x1024xf32, #tpu.memory_space<hbm>>
        %dma_start3A_204 = arith.constant 0 : i32
        %dma_start3A_205 = tpu.memref_slice %arg5[%multiple_of3A_201, %dma_start3A_204] : memref<50000x1024xf32, #tpu.memory_space<hbm>> -> memref<16x1024xf32, #tpu.memory_space<hbm>>
        tpu.enqueue_dma source(%arg10 : memref<16x1024xf32, #tpu.memory_space<vmem>>) target(%dma_start3A_205 : memref<16x1024xf32, #tpu.memory_space<hbm>>) target_semaphore(%arg22 : memref<!tpu.dma_semaphore, #tpu.memory_space<semaphore_mem>>)
      } else {
      }
      %eq3A_154 = arith.constant 5 : i32
      %eq3A_155 = arith.cmpi eq, %select_n3A_128, %eq3A_154 : i32
      %convert_element_type3A_156 = arith.extui %eq3A_155 : i1 to i32
      %cond3A_157 = arith.constant 0 : i32
      %cond3A_158 = arith.cmpi ne, %convert_element_type3A_156, %cond3A_157 : i32
      scf.if %cond3A_158 {
        %ge3A = arith.constant 6 : i32
        %ge3A_196 = arith.cmpi sge, %while3A_98, %ge3A : i32
        %convert_element_type3A_197 = arith.extui %ge3A_196 : i1 to i32
        %cond3A_198 = arith.constant 0 : i32
        %cond3A_199 = arith.cmpi ne, %convert_element_type3A_197, %cond3A_198 : i32
        scf.if %cond3A_199 {
          %sub3A = arith.constant 96 : i32
          %sub3A_206 = arith.subi %add3A_114, %sub3A : i32
          %multiple_of3A_207 = tpu.assume_multiple %sub3A_206, 8 : i32
          %dma_wait3A_208 = arith.constant 0 : i32
          %dma_wait3A_209 = tpu.memref_slice %arg5[%multiple_of3A_207, %dma_wait3A_208] : memref<50000x1024xf32, #tpu.memory_space<hbm>> -> memref<16x1024xf32, #tpu.memory_space<hbm>>
          %dma_wait3A_210 = arith.constant 0 : i32
          %dma_wait3A_211 = tpu.memref_slice %arg5[%multiple_of3A_207, %dma_wait3A_210] : memref<50000x1024xf32, #tpu.memory_space<hbm>> -> memref<16x1024xf32, #tpu.memory_space<hbm>>
          tpu.wait_dma2 semaphore(%arg23 : memref<!tpu.dma_semaphore, #tpu.memory_space<semaphore_mem>>) src(%arg11 : memref<16x1024xf32, #tpu.memory_space<vmem>>) dst(%dma_wait3A_211 : memref<16x1024xf32, #tpu.memory_space<hbm>>)
          %sub3A_212 = arith.constant 96 : i32
          %sub3A_213 = arith.subi %add3A_114, %sub3A_212 : i32
          %while3A_214 = arith.subi %while3A_111, %while3A_105 : i32
          %while3A_215 = arith.addi %while3A_105, %while3A_214 : i32
          %while3A_216 = arith.constant 1 : i32
          %while3A_217 = arith.divsi %while3A_214, %while3A_216 : i32
          %while3A_218 = arith.muli %while3A_217, %while3A_216 : i32
          %while3A_219 = arith.addi %while3A_105, %while3A_218 : i32
          %while3A_220 = arith.constant 1 : i32
          scf.for %while3A_222 = %while3A_105 to %while3A_219 step %while3A_220  : i32 {
            %get3A_223 = arith.index_cast %while3A_222 : i32 to index
            %get3A_224 = tpu.vector_load %arg15[%get3A_223] {strides = array<i32>} : memref<544xi32, #tpu.memory_space<vmem>>, vector<16xi32>,
            %slice3A_225 = vector.extract_strided_slice %get3A_224 {offsets = [0], sizes = [1], strides = [1]} : vector<16xi32> to vector<1xi32>
            %squeeze3A_226 = vector.extract %slice3A_225[0] : i32 from vector<1xi32>
            %sub3A_227 = arith.subi %squeeze3A_226, %sub3A_213 : i32
            %scan3A_228 = arith.constant 0 : i32
            %scan3A_229 = arith.constant 64 : i32
            %scan3A_230 = arith.addi %scan3A_228, %scan3A_229 : i32
            %scan3A_231 = arith.constant 1 : i32
            scf.for %scan3A_233 = %scan3A_228 to %scan3A_230 step %scan3A_231  : i32 {
              %mul3A_234 = arith.constant 16 : i32
              %mul3A_235 = arith.muli %scan3A_233, %mul3A_234 : i32
              %swap3A = arith.index_cast %sub3A_227 : i32 to index
              %swap3A_236 = arith.index_cast %mul3A_235 : i32 to index
              %swap3A_237 = tpu.vector_load %arg11[%swap3A, %swap3A_236] {strides = array<i32>} : memref<16x1024xf32, #tpu.memory_space<vmem>>, vector<16xf32>,
              tpu.vector_store %arg11[%swap3A, %swap3A_236], %broadcast_in_dim3A_9 {strides = array<i32>} : memref<16x1024xf32, #tpu.memory_space<vmem>>, vector<16xf32>,
            }
            %scan3A_232 = arith.constant 64 : i32
          }
          %while3A_221 = arith.constant 1 : i32
          scf.for %while3A_222 = %while3A_219 to %while3A_215 step %while3A_221  : i32 {
            %get3A_223 = arith.index_cast %while3A_222 : i32 to index
            %get3A_224 = tpu.vector_load %arg15[%get3A_223] {strides = array<i32>} : memref<544xi32, #tpu.memory_space<vmem>>, vector<16xi32>,
            %slice3A_225 = vector.extract_strided_slice %get3A_224 {offsets = [0], sizes = [1], strides = [1]} : vector<16xi32> to vector<1xi32>
            %squeeze3A_226 = vector.extract %slice3A_225[0] : i32 from vector<1xi32>
            %sub3A_227 = arith.subi %squeeze3A_226, %sub3A_213 : i32
            %scan3A_228 = arith.constant 0 : i32
            %scan3A_229 = arith.constant 64 : i32
            %scan3A_230 = arith.addi %scan3A_228, %scan3A_229 : i32
            %scan3A_231 = arith.constant 1 : i32
            scf.for %scan3A_233 = %scan3A_228 to %scan3A_230 step %scan3A_231  : i32 {
              %mul3A_234 = arith.constant 16 : i32
              %mul3A_235 = arith.muli %scan3A_233, %mul3A_234 : i32
              %swap3A = arith.index_cast %sub3A_227 : i32 to index
              %swap3A_236 = arith.index_cast %mul3A_235 : i32 to index
              %swap3A_237 = tpu.vector_load %arg11[%swap3A, %swap3A_236] {strides = array<i32>} : memref<16x1024xf32, #tpu.memory_space<vmem>>, vector<16xf32>,
              tpu.vector_store %arg11[%swap3A, %swap3A_236], %broadcast_in_dim3A_9 {strides = array<i32>} : memref<16x1024xf32, #tpu.memory_space<vmem>>, vector<16xf32>,
            }
            %scan3A_232 = arith.constant 64 : i32
          }
        } else {
        }
        %while3A_200 = scf.while (%while3A_206 = %while3A_99) : (i32) -> i32 {
          %get3A_207 = arith.index_cast %while3A_206 : i32 to index
          %get3A_208 = tpu.vector_load %arg15[%get3A_207] {strides = array<i32>} : memref<544xi32, #tpu.memory_space<vmem>>, vector<16xi32>,
          %slice3A_209 = vector.extract_strided_slice %get3A_208 {offsets = [0], sizes = [1], strides = [1]} : vector<16xi32> to vector<1xi32>
          %squeeze3A_210 = vector.extract %slice3A_209[0] : i32 from vector<1xi32>
          %add3A_211 = arith.constant 16 : i32
          %add3A_212 = arith.addi %add3A_114, %add3A_211 : i32
          %lt3A_213 = arith.cmpi slt, %squeeze3A_210, %add3A_212 : i32
          scf.condition(%lt3A_213) %while3A_206 : i32
        } do {
        ^bb0(%while3A_206: i32):
          %get3A_207 = arith.index_cast %while3A_206 : i32 to index
          %get3A_208 = tpu.vector_load %arg15[%get3A_207] {strides = array<i32>} : memref<544xi32, #tpu.memory_space<vmem>>, vector<16xi32>,
          %slice3A_209 = vector.extract_strided_slice %get3A_208 {offsets = [0], sizes = [1], strides = [1]} : vector<16xi32> to vector<1xi32>
          %squeeze3A_210 = vector.extract %slice3A_209[0] : i32 from vector<1xi32>
          %get3A_211 = arith.index_cast %while3A_206 : i32 to index
          %get3A_212 = tpu.vector_load %arg16[%get3A_211] {strides = array<i32>} : memref<544xi32, #tpu.memory_space<vmem>>, vector<16xi32>,
          %slice3A_213 = vector.extract_strided_slice %get3A_212 {offsets = [0], sizes = [1], strides = [1]} : vector<16xi32> to vector<1xi32>
          %squeeze3A_214 = vector.extract %slice3A_213[0] : i32 from vector<1xi32>
          %add3A_215 = arith.constant 1 : i32
          %add3A_216 = arith.addi %while3A_206, %add3A_215 : i32
          %get3A_217 = arith.index_cast %add3A_216 : i32 to index
          %get3A_218 = tpu.vector_load %arg16[%get3A_217] {strides = array<i32>} : memref<544xi32, #tpu.memory_space<vmem>>, vector<16xi32>,
          %slice3A_219 = vector.extract_strided_slice %get3A_218 {offsets = [0], sizes = [1], strides = [1]} : vector<16xi32> to vector<1xi32>
          %squeeze3A_220 = vector.extract %slice3A_219[0] : i32 from vector<1xi32>
          %get3A_221 = arith.index_cast %squeeze3A_214 : i32 to index
          %get3A_222 = tpu.vector_load %arg17[%get3A_221] {strides = array<i32>} : memref<528xf32, #tpu.memory_space<vmem>>, vector<16xf32>,
          %slice3A_223 = vector.extract_strided_slice %get3A_222 {offsets = [0], sizes = [1], strides = [1]} : vector<16xf32> to vector<1xf32>
          %squeeze3A_224 = vector.extract %slice3A_223[0] : f32 from vector<1xf32>
          %sub3A = arith.subi %squeeze3A_210, %add3A_114 : i32
          %and3A_225 = arith.constant 7 : i32
          %and3A_226 = arith.andi %squeeze3A_214, %and3A_225 : i32
          %and3A_227 = arith.constant 1 : i32
          %and3A_228 = arith.andi %while3A_206, %and3A_227 : i32
          %eq3A_229 = arith.constant 0 : i32
          %eq3A_230 = arith.cmpi eq, %and3A_228, %eq3A_229 : i32
          %convert_element_type3A_231 = arith.extui %eq3A_230 : i1 to i32
          %cond3A_232 = arith.constant 0 : i32
          %cond3A_233 = arith.cmpi ne, %convert_element_type3A_231, %cond3A_232 : i32
          scf.if %cond3A_233 {
            %and3A_243 = arith.constant -8 : i32
            %and3A_244 = arith.andi %squeeze3A_214, %and3A_243 : i32
            %multiple_of3A_245 = tpu.assume_multiple %and3A_244, 8 : i32
            %dma_wait3A_246 = arith.constant 0 : i32
            %dma_wait3A_247 = tpu.memref_slice %arg2[%multiple_of3A_245, %dma_wait3A_246] : memref<512x1024xf32, #tpu.memory_space<hbm>> -> memref<8x1024xf32, #tpu.memory_space<hbm>>
            %dma_wait3A_248 = arith.constant 0 : i32
            %dma_wait3A_249 = tpu.memref_slice %arg2[%multiple_of3A_245, %dma_wait3A_248] : memref<512x1024xf32, #tpu.memory_space<hbm>> -> memref<8x1024xf32, #tpu.memory_space<hbm>>
            tpu.wait_dma2 semaphore(%arg24 : memref<!tpu.dma_semaphore, #tpu.memory_space<semaphore_mem>>) src(%dma_wait3A_249 : memref<8x1024xf32, #tpu.memory_space<hbm>>) dst(%arg12 : memref<8x1024xf32, #tpu.memory_space<vmem>>)
            %and3A_250 = arith.constant -8 : i32
            %and3A_251 = arith.andi %squeeze3A_220, %and3A_250 : i32
            %multiple_of3A_252 = tpu.assume_multiple %and3A_251, 8 : i32
            %dma_start3A_253 = arith.constant 0 : i32
            %dma_start3A_254 = tpu.memref_slice %arg2[%multiple_of3A_252, %dma_start3A_253] : memref<512x1024xf32, #tpu.memory_space<hbm>> -> memref<8x1024xf32, #tpu.memory_space<hbm>>
            %dma_start3A_255 = arith.constant 0 : i32
            %dma_start3A_256 = tpu.memref_slice %arg2[%multiple_of3A_252, %dma_start3A_255] : memref<512x1024xf32, #tpu.memory_space<hbm>> -> memref<8x1024xf32, #tpu.memory_space<hbm>>
            tpu.enqueue_dma source(%dma_start3A_256 : memref<8x1024xf32, #tpu.memory_space<hbm>>) target(%arg13 : memref<8x1024xf32, #tpu.memory_space<vmem>>) target_semaphore(%arg24 : memref<!tpu.dma_semaphore, #tpu.memory_space<semaphore_mem>>)
            %scan3A_257 = arith.constant 0 : i32
            %scan3A_258 = arith.constant 64 : i32
            %scan3A_259 = arith.addi %scan3A_257, %scan3A_258 : i32
            %scan3A_260 = arith.constant 1 : i32
            scf.for %scan3A_262 = %scan3A_257 to %scan3A_259 step %scan3A_260  : i32 {
              %mul3A_263 = arith.constant 16 : i32
              %mul3A_264 = arith.muli %scan3A_262, %mul3A_263 : i32
              %get3A_265 = arith.index_cast %and3A_226 : i32 to index
              %get3A_266 = arith.index_cast %mul3A_264 : i32 to index
              %get3A_267 = tpu.vector_load %arg12[%get3A_265, %get3A_266] {strides = array<i32>} : memref<8x1024xf32, #tpu.memory_space<vmem>>, vector<16xf32>,
              %mul3A_268 = vector.broadcast %squeeze3A_224 : f32 to vector<16xf32>
              %mul3A_269 = arith.mulf %get3A_267, %mul3A_268 : vector<16xf32>
              %swap3A = arith.index_cast %sub3A : i32 to index
              %swap3A_270 = arith.index_cast %mul3A_264 : i32 to index
              %swap3A_271 = tpu.vector_load %arg11[%swap3A, %swap3A_270] {strides = array<i32>} : memref<16x1024xf32, #tpu.memory_space<vmem>>, vector<16xf32>,
              tpu.vector_store %arg11[%swap3A, %swap3A_270], %mul3A_269 {strides = array<i32>} : memref<16x1024xf32, #tpu.memory_space<vmem>>, vector<16xf32>,
            }
            %scan3A_261 = arith.constant 64 : i32
          } else {
          }
          %and3A_234 = arith.constant 1 : i32
          %and3A_235 = arith.andi %while3A_206, %and3A_234 : i32
          %eq3A_236 = arith.constant 1 : i32
          %eq3A_237 = arith.cmpi eq, %and3A_235, %eq3A_236 : i32
          %convert_element_type3A_238 = arith.extui %eq3A_237 : i1 to i32
          %cond3A_239 = arith.constant 0 : i32
          %cond3A_240 = arith.cmpi ne, %convert_element_type3A_238, %cond3A_239 : i32
          scf.if %cond3A_240 {
            %and3A_243 = arith.constant -8 : i32
            %and3A_244 = arith.andi %squeeze3A_214, %and3A_243 : i32
            %multiple_of3A_245 = tpu.assume_multiple %and3A_244, 8 : i32
            %dma_wait3A_246 = arith.constant 0 : i32
            %dma_wait3A_247 = tpu.memref_slice %arg2[%multiple_of3A_245, %dma_wait3A_246] : memref<512x1024xf32, #tpu.memory_space<hbm>> -> memref<8x1024xf32, #tpu.memory_space<hbm>>
            %dma_wait3A_248 = arith.constant 0 : i32
            %dma_wait3A_249 = tpu.memref_slice %arg2[%multiple_of3A_245, %dma_wait3A_248] : memref<512x1024xf32, #tpu.memory_space<hbm>> -> memref<8x1024xf32, #tpu.memory_space<hbm>>
            tpu.wait_dma2 semaphore(%arg24 : memref<!tpu.dma_semaphore, #tpu.memory_space<semaphore_mem>>) src(%dma_wait3A_249 : memref<8x1024xf32, #tpu.memory_space<hbm>>) dst(%arg13 : memref<8x1024xf32, #tpu.memory_space<vmem>>)
            %and3A_250 = arith.constant -8 : i32
            %and3A_251 = arith.andi %squeeze3A_220, %and3A_250 : i32
            %multiple_of3A_252 = tpu.assume_multiple %and3A_251, 8 : i32
            %dma_start3A_253 = arith.constant 0 : i32
            %dma_start3A_254 = tpu.memref_slice %arg2[%multiple_of3A_252, %dma_start3A_253] : memref<512x1024xf32, #tpu.memory_space<hbm>> -> memref<8x1024xf32, #tpu.memory_space<hbm>>
            %dma_start3A_255 = arith.constant 0 : i32
            %dma_start3A_256 = tpu.memref_slice %arg2[%multiple_of3A_252, %dma_start3A_255] : memref<512x1024xf32, #tpu.memory_space<hbm>> -> memref<8x1024xf32, #tpu.memory_space<hbm>>
            tpu.enqueue_dma source(%dma_start3A_256 : memref<8x1024xf32, #tpu.memory_space<hbm>>) target(%arg12 : memref<8x1024xf32, #tpu.memory_space<vmem>>) target_semaphore(%arg24 : memref<!tpu.dma_semaphore, #tpu.memory_space<semaphore_mem>>)
            %scan3A_257 = arith.constant 0 : i32
            %scan3A_258 = arith.constant 64 : i32
            %scan3A_259 = arith.addi %scan3A_257, %scan3A_258 : i32
            %scan3A_260 = arith.constant 1 : i32
            scf.for %scan3A_262 = %scan3A_257 to %scan3A_259 step %scan3A_260  : i32 {
              %mul3A_263 = arith.constant 16 : i32
              %mul3A_264 = arith.muli %scan3A_262, %mul3A_263 : i32
              %get3A_265 = arith.index_cast %and3A_226 : i32 to index
              %get3A_266 = arith.index_cast %mul3A_264 : i32 to index
              %get3A_267 = tpu.vector_load %arg13[%get3A_265, %get3A_266] {strides = array<i32>} : memref<8x1024xf32, #tpu.memory_space<vmem>>, vector<16xf32>,
              %mul3A_268 = vector.broadcast %squeeze3A_224 : f32 to vector<16xf32>
              %mul3A_269 = arith.mulf %get3A_267, %mul3A_268 : vector<16xf32>
              %swap3A = arith.index_cast %sub3A : i32 to index
              %swap3A_270 = arith.index_cast %mul3A_264 : i32 to index
              %swap3A_271 = tpu.vector_load %arg11[%swap3A, %swap3A_270] {strides = array<i32>} : memref<16x1024xf32, #tpu.memory_space<vmem>>, vector<16xf32>,
              tpu.vector_store %arg11[%swap3A, %swap3A_270], %mul3A_269 {strides = array<i32>} : memref<16x1024xf32, #tpu.memory_space<vmem>>, vector<16xf32>,
            }
            %scan3A_261 = arith.constant 64 : i32
          } else {
          }
          %add3A_241 = arith.constant 1 : i32
          %add3A_242 = arith.addi %while3A_206, %add3A_241 : i32
          scf.yield %add3A_242 : i32
        }
        %multiple_of3A_201 = tpu.assume_multiple %add3A_114, 8 : i32
        %dma_start3A_202 = arith.constant 0 : i32
        %dma_start3A_203 = tpu.memref_slice %arg5[%multiple_of3A_201, %dma_start3A_202] : memref<50000x1024xf32, #tpu.memory_space<hbm>> -> memref<16x1024xf32, #tpu.memory_space<hbm>>
        %dma_start3A_204 = arith.constant 0 : i32
        %dma_start3A_205 = tpu.memref_slice %arg5[%multiple_of3A_201, %dma_start3A_204] : memref<50000x1024xf32, #tpu.memory_space<hbm>> -> memref<16x1024xf32, #tpu.memory_space<hbm>>
        tpu.enqueue_dma source(%arg11 : memref<16x1024xf32, #tpu.memory_space<vmem>>) target(%dma_start3A_205 : memref<16x1024xf32, #tpu.memory_space<hbm>>) target_semaphore(%arg23 : memref<!tpu.dma_semaphore, #tpu.memory_space<semaphore_mem>>)
      } else {
      }
      %while3A_159 = scf.while (%while3A_196 = %while3A_99) : (i32) -> i32 {
        %get3A_197 = arith.index_cast %while3A_196 : i32 to index
        %get3A_198 = tpu.vector_load %arg15[%get3A_197] {strides = array<i32>} : memref<544xi32, #tpu.memory_space<vmem>>, vector<16xi32>,
        %slice3A_199 = vector.extract_strided_slice %get3A_198 {offsets = [0], sizes = [1], strides = [1]} : vector<16xi32> to vector<1xi32>
        %squeeze3A_200 = vector.extract %slice3A_199[0] : i32 from vector<1xi32>
        %add3A_201 = arith.constant 16 : i32
        %add3A_202 = arith.addi %add3A_114, %add3A_201 : i32
        %lt3A_203 = arith.cmpi slt, %squeeze3A_200, %add3A_202 : i32
        scf.condition(%lt3A_203) %while3A_196 : i32
      } do {
      ^bb0(%while3A_196: i32):
        %add3A_197 = arith.constant 1 : i32
        %add3A_198 = arith.addi %while3A_196, %add3A_197 : i32
        scf.yield %add3A_198 : i32
      }
      %eq3A_160 = arith.constant 0 : i32
      %eq3A_161 = arith.cmpi eq, %select_n3A_128, %eq3A_160 : i32
      %select_n3A_162 = arith.select %eq3A_161, %while3A_99, %while3A_100 : i32
      %eq3A_163 = arith.constant 1 : i32
      %eq3A_164 = arith.cmpi eq, %select_n3A_128, %eq3A_163 : i32
      %select_n3A_165 = arith.select %eq3A_164, %while3A_99, %while3A_101 : i32
      %eq3A_166 = arith.constant 2 : i32
      %eq3A_167 = arith.cmpi eq, %select_n3A_128, %eq3A_166 : i32
      %select_n3A_168 = arith.select %eq3A_167, %while3A_99, %while3A_102 : i32
      %eq3A_169 = arith.constant 3 : i32
      %eq3A_170 = arith.cmpi eq, %select_n3A_128, %eq3A_169 : i32
      %select_n3A_171 = arith.select %eq3A_170, %while3A_99, %while3A_103 : i32
      %eq3A_172 = arith.constant 4 : i32
      %eq3A_173 = arith.cmpi eq, %select_n3A_128, %eq3A_172 : i32
      %select_n3A_174 = arith.select %eq3A_173, %while3A_99, %while3A_104 : i32
      %eq3A_175 = arith.constant 5 : i32
      %eq3A_176 = arith.cmpi eq, %select_n3A_128, %eq3A_175 : i32
      %select_n3A_177 = arith.select %eq3A_176, %while3A_99, %while3A_105 : i32
      %eq3A_178 = arith.constant 0 : i32
      %eq3A_179 = arith.cmpi eq, %select_n3A_128, %eq3A_178 : i32
      %select_n3A_180 = arith.select %eq3A_179, %while3A_159, %while3A_106 : i32
      %eq3A_181 = arith.constant 1 : i32
      %eq3A_182 = arith.cmpi eq, %select_n3A_128, %eq3A_181 : i32
      %select_n3A_183 = arith.select %eq3A_182, %while3A_159, %while3A_107 : i32
      %eq3A_184 = arith.constant 2 : i32
      %eq3A_185 = arith.cmpi eq, %select_n3A_128, %eq3A_184 : i32
      %select_n3A_186 = arith.select %eq3A_185, %while3A_159, %while3A_108 : i32
      %eq3A_187 = arith.constant 3 : i32
      %eq3A_188 = arith.cmpi eq, %select_n3A_128, %eq3A_187 : i32
      %select_n3A_189 = arith.select %eq3A_188, %while3A_159, %while3A_109 : i32
      %eq3A_190 = arith.constant 4 : i32
      %eq3A_191 = arith.cmpi eq, %select_n3A_128, %eq3A_190 : i32
      %select_n3A_192 = arith.select %eq3A_191, %while3A_159, %while3A_110 : i32
      %eq3A_193 = arith.constant 5 : i32
      %eq3A_194 = arith.cmpi eq, %select_n3A_128, %eq3A_193 : i32
      %select_n3A_195 = arith.select %eq3A_194, %while3A_159, %while3A_111 : i32
      scf.yield %while3A_159, %select_n3A_162, %select_n3A_165, %select_n3A_168, %select_n3A_171, %select_n3A_174, %select_n3A_177, %select_n3A_180, %select_n3A_183, %select_n3A_186, %select_n3A_189, %select_n3A_192, %select_n3A_195 : i32, i32, i32, i32, i32, i32, i32, i32, i32, i32, i32, i32, i32
    }
    %while3A_56 = arith.constant 1 : i32
    %while3A_57:13 = scf.for %while3A_98 = %while3A_53 to %while3A_49 step %while3A_56 iter_args(%while3A_99 = %while3A_55#0, %while3A_100 = %while3A_55#1, %while3A_101 = %while3A_55#2, %while3A_102 = %while3A_55#3, %while3A_103 = %while3A_55#4, %while3A_104 = %while3A_55#5, %while3A_105 = %while3A_55#6, %while3A_106 = %while3A_55#7, %while3A_107 = %while3A_55#8, %while3A_108 = %while3A_55#9, %while3A_109 = %while3A_55#10, %while3A_110 = %while3A_55#11, %while3A_111 = %while3A_55#12) -> (i32, i32, i32, i32, i32, i32, i32, i32, i32, i32, i32, i32, i32)  : i32 {
      %mul3A_112 = arith.constant 16 : i32
      %mul3A_113 = arith.muli %while3A_98, %mul3A_112 : i32
      %add3A_114 = arith.addi %mul3A_8, %mul3A_113 : i32
      %jit3A_115 = arith.constant 6 : i32
      %eq3A_116 = arith.constant 0 : i32
      %eq3A_117 = arith.cmpi eq, %jit3A_115, %eq3A_116 : i32
      %jit3A_118 = arith.constant 1 : i32
      %select_n3A_119 = arith.select %eq3A_117, %jit3A_118, %jit3A_115 : i32
      %rem3A = arith.remsi %while3A_98, %select_n3A_119 : i32
      %ne3A = arith.constant 0 : i32
      %ne3A_120 = arith.cmpi ne, %rem3A, %ne3A : i32
      %lt3A_121 = arith.constant 0 : i32
      %lt3A_122 = arith.cmpi slt, %rem3A, %lt3A_121 : i32
      %lt3A_123 = arith.constant 0 : i32
      %lt3A_124 = arith.cmpi slt, %select_n3A_119, %lt3A_123 : i32
      %ne3A_125 = arith.xori %lt3A_122, %lt3A_124 : i1
      %and3A_126 = arith.andi %ne3A_125, %ne3A_120 : i1
      %add3A_127 = arith.addi %rem3A, %select_n3A_119 : i32
      %select_n3A_128 = arith.select %and3A_126, %add3A_127, %rem3A : i32
      %eq3A_129 = arith.constant 0 : i32
      %eq3A_130 = arith.cmpi eq, %select_n3A_128, %eq3A_129 : i32
      %convert_element_type3A_131 = arith.extui %eq3A_130 : i1 to i32
      %cond3A_132 = arith.constant 0 : i32
      %cond3A_133 = arith.cmpi ne, %convert_element_type3A_131, %cond3A_132 : i32
      scf.if %cond3A_133 {
        %ge3A = arith.constant 6 : i32
        %ge3A_196 = arith.cmpi sge, %while3A_98, %ge3A : i32
        %convert_element_type3A_197 = arith.extui %ge3A_196 : i1 to i32
        %cond3A_198 = arith.constant 0 : i32
        %cond3A_199 = arith.cmpi ne, %convert_element_type3A_197, %cond3A_198 : i32
        scf.if %cond3A_199 {
          %sub3A = arith.constant 96 : i32
          %sub3A_206 = arith.subi %add3A_114, %sub3A : i32
          %multiple_of3A_207 = tpu.assume_multiple %sub3A_206, 8 : i32
          %dma_wait3A_208 = arith.constant 0 : i32
          %dma_wait3A_209 = tpu.memref_slice %arg5[%multiple_of3A_207, %dma_wait3A_208] : memref<50000x1024xf32, #tpu.memory_space<hbm>> -> memref<16x1024xf32, #tpu.memory_space<hbm>>
          %dma_wait3A_210 = arith.constant 0 : i32
          %dma_wait3A_211 = tpu.memref_slice %arg5[%multiple_of3A_207, %dma_wait3A_210] : memref<50000x1024xf32, #tpu.memory_space<hbm>> -> memref<16x1024xf32, #tpu.memory_space<hbm>>
          tpu.wait_dma2 semaphore(%arg18 : memref<!tpu.dma_semaphore, #tpu.memory_space<semaphore_mem>>) src(%arg6 : memref<16x1024xf32, #tpu.memory_space<vmem>>) dst(%dma_wait3A_211 : memref<16x1024xf32, #tpu.memory_space<hbm>>)
          %sub3A_212 = arith.constant 96 : i32
          %sub3A_213 = arith.subi %add3A_114, %sub3A_212 : i32
          %while3A_214 = arith.subi %while3A_106, %while3A_100 : i32
          %while3A_215 = arith.addi %while3A_100, %while3A_214 : i32
          %while3A_216 = arith.constant 1 : i32
          %while3A_217 = arith.divsi %while3A_214, %while3A_216 : i32
          %while3A_218 = arith.muli %while3A_217, %while3A_216 : i32
          %while3A_219 = arith.addi %while3A_100, %while3A_218 : i32
          %while3A_220 = arith.constant 1 : i32
          scf.for %while3A_222 = %while3A_100 to %while3A_219 step %while3A_220  : i32 {
            %get3A_223 = arith.index_cast %while3A_222 : i32 to index
            %get3A_224 = tpu.vector_load %arg15[%get3A_223] {strides = array<i32>} : memref<544xi32, #tpu.memory_space<vmem>>, vector<16xi32>,
            %slice3A_225 = vector.extract_strided_slice %get3A_224 {offsets = [0], sizes = [1], strides = [1]} : vector<16xi32> to vector<1xi32>
            %squeeze3A_226 = vector.extract %slice3A_225[0] : i32 from vector<1xi32>
            %sub3A_227 = arith.subi %squeeze3A_226, %sub3A_213 : i32
            %scan3A_228 = arith.constant 0 : i32
            %scan3A_229 = arith.constant 64 : i32
            %scan3A_230 = arith.addi %scan3A_228, %scan3A_229 : i32
            %scan3A_231 = arith.constant 1 : i32
            scf.for %scan3A_233 = %scan3A_228 to %scan3A_230 step %scan3A_231  : i32 {
              %mul3A_234 = arith.constant 16 : i32
              %mul3A_235 = arith.muli %scan3A_233, %mul3A_234 : i32
              %swap3A = arith.index_cast %sub3A_227 : i32 to index
              %swap3A_236 = arith.index_cast %mul3A_235 : i32 to index
              %swap3A_237 = tpu.vector_load %arg6[%swap3A, %swap3A_236] {strides = array<i32>} : memref<16x1024xf32, #tpu.memory_space<vmem>>, vector<16xf32>,
              tpu.vector_store %arg6[%swap3A, %swap3A_236], %broadcast_in_dim3A_9 {strides = array<i32>} : memref<16x1024xf32, #tpu.memory_space<vmem>>, vector<16xf32>,
            }
            %scan3A_232 = arith.constant 64 : i32
          }
          %while3A_221 = arith.constant 1 : i32
          scf.for %while3A_222 = %while3A_219 to %while3A_215 step %while3A_221  : i32 {
            %get3A_223 = arith.index_cast %while3A_222 : i32 to index
            %get3A_224 = tpu.vector_load %arg15[%get3A_223] {strides = array<i32>} : memref<544xi32, #tpu.memory_space<vmem>>, vector<16xi32>,
            %slice3A_225 = vector.extract_strided_slice %get3A_224 {offsets = [0], sizes = [1], strides = [1]} : vector<16xi32> to vector<1xi32>
            %squeeze3A_226 = vector.extract %slice3A_225[0] : i32 from vector<1xi32>
            %sub3A_227 = arith.subi %squeeze3A_226, %sub3A_213 : i32
            %scan3A_228 = arith.constant 0 : i32
            %scan3A_229 = arith.constant 64 : i32
            %scan3A_230 = arith.addi %scan3A_228, %scan3A_229 : i32
            %scan3A_231 = arith.constant 1 : i32
            scf.for %scan3A_233 = %scan3A_228 to %scan3A_230 step %scan3A_231  : i32 {
              %mul3A_234 = arith.constant 16 : i32
              %mul3A_235 = arith.muli %scan3A_233, %mul3A_234 : i32
              %swap3A = arith.index_cast %sub3A_227 : i32 to index
              %swap3A_236 = arith.index_cast %mul3A_235 : i32 to index
              %swap3A_237 = tpu.vector_load %arg6[%swap3A, %swap3A_236] {strides = array<i32>} : memref<16x1024xf32, #tpu.memory_space<vmem>>, vector<16xf32>,
              tpu.vector_store %arg6[%swap3A, %swap3A_236], %broadcast_in_dim3A_9 {strides = array<i32>} : memref<16x1024xf32, #tpu.memory_space<vmem>>, vector<16xf32>,
            }
            %scan3A_232 = arith.constant 64 : i32
          }
        } else {
        }
        %while3A_200 = scf.while (%while3A_206 = %while3A_99) : (i32) -> i32 {
          %get3A_207 = arith.index_cast %while3A_206 : i32 to index
          %get3A_208 = tpu.vector_load %arg15[%get3A_207] {strides = array<i32>} : memref<544xi32, #tpu.memory_space<vmem>>, vector<16xi32>,
          %slice3A_209 = vector.extract_strided_slice %get3A_208 {offsets = [0], sizes = [1], strides = [1]} : vector<16xi32> to vector<1xi32>
          %squeeze3A_210 = vector.extract %slice3A_209[0] : i32 from vector<1xi32>
          %add3A_211 = arith.constant 16 : i32
          %add3A_212 = arith.addi %add3A_114, %add3A_211 : i32
          %lt3A_213 = arith.cmpi slt, %squeeze3A_210, %add3A_212 : i32
          scf.condition(%lt3A_213) %while3A_206 : i32
        } do {
        ^bb0(%while3A_206: i32):
          %get3A_207 = arith.index_cast %while3A_206 : i32 to index
          %get3A_208 = tpu.vector_load %arg15[%get3A_207] {strides = array<i32>} : memref<544xi32, #tpu.memory_space<vmem>>, vector<16xi32>,
          %slice3A_209 = vector.extract_strided_slice %get3A_208 {offsets = [0], sizes = [1], strides = [1]} : vector<16xi32> to vector<1xi32>
          %squeeze3A_210 = vector.extract %slice3A_209[0] : i32 from vector<1xi32>
          %get3A_211 = arith.index_cast %while3A_206 : i32 to index
          %get3A_212 = tpu.vector_load %arg16[%get3A_211] {strides = array<i32>} : memref<544xi32, #tpu.memory_space<vmem>>, vector<16xi32>,
          %slice3A_213 = vector.extract_strided_slice %get3A_212 {offsets = [0], sizes = [1], strides = [1]} : vector<16xi32> to vector<1xi32>
          %squeeze3A_214 = vector.extract %slice3A_213[0] : i32 from vector<1xi32>
          %add3A_215 = arith.constant 1 : i32
          %add3A_216 = arith.addi %while3A_206, %add3A_215 : i32
          %get3A_217 = arith.index_cast %add3A_216 : i32 to index
          %get3A_218 = tpu.vector_load %arg16[%get3A_217] {strides = array<i32>} : memref<544xi32, #tpu.memory_space<vmem>>, vector<16xi32>,
          %slice3A_219 = vector.extract_strided_slice %get3A_218 {offsets = [0], sizes = [1], strides = [1]} : vector<16xi32> to vector<1xi32>
          %squeeze3A_220 = vector.extract %slice3A_219[0] : i32 from vector<1xi32>
          %get3A_221 = arith.index_cast %squeeze3A_214 : i32 to index
          %get3A_222 = tpu.vector_load %arg17[%get3A_221] {strides = array<i32>} : memref<528xf32, #tpu.memory_space<vmem>>, vector<16xf32>,
          %slice3A_223 = vector.extract_strided_slice %get3A_222 {offsets = [0], sizes = [1], strides = [1]} : vector<16xf32> to vector<1xf32>
          %squeeze3A_224 = vector.extract %slice3A_223[0] : f32 from vector<1xf32>
          %sub3A = arith.subi %squeeze3A_210, %add3A_114 : i32
          %and3A_225 = arith.constant 7 : i32
          %and3A_226 = arith.andi %squeeze3A_214, %and3A_225 : i32
          %and3A_227 = arith.constant 1 : i32
          %and3A_228 = arith.andi %while3A_206, %and3A_227 : i32
          %eq3A_229 = arith.constant 0 : i32
          %eq3A_230 = arith.cmpi eq, %and3A_228, %eq3A_229 : i32
          %convert_element_type3A_231 = arith.extui %eq3A_230 : i1 to i32
          %cond3A_232 = arith.constant 0 : i32
          %cond3A_233 = arith.cmpi ne, %convert_element_type3A_231, %cond3A_232 : i32
          scf.if %cond3A_233 {
            %and3A_243 = arith.constant -8 : i32
            %and3A_244 = arith.andi %squeeze3A_214, %and3A_243 : i32
            %multiple_of3A_245 = tpu.assume_multiple %and3A_244, 8 : i32
            %dma_wait3A_246 = arith.constant 0 : i32
            %dma_wait3A_247 = tpu.memref_slice %arg2[%multiple_of3A_245, %dma_wait3A_246] : memref<512x1024xf32, #tpu.memory_space<hbm>> -> memref<8x1024xf32, #tpu.memory_space<hbm>>
            %dma_wait3A_248 = arith.constant 0 : i32
            %dma_wait3A_249 = tpu.memref_slice %arg2[%multiple_of3A_245, %dma_wait3A_248] : memref<512x1024xf32, #tpu.memory_space<hbm>> -> memref<8x1024xf32, #tpu.memory_space<hbm>>
            tpu.wait_dma2 semaphore(%arg24 : memref<!tpu.dma_semaphore, #tpu.memory_space<semaphore_mem>>) src(%dma_wait3A_249 : memref<8x1024xf32, #tpu.memory_space<hbm>>) dst(%arg12 : memref<8x1024xf32, #tpu.memory_space<vmem>>)
            %and3A_250 = arith.constant -8 : i32
            %and3A_251 = arith.andi %squeeze3A_220, %and3A_250 : i32
            %multiple_of3A_252 = tpu.assume_multiple %and3A_251, 8 : i32
            %dma_start3A_253 = arith.constant 0 : i32
            %dma_start3A_254 = tpu.memref_slice %arg2[%multiple_of3A_252, %dma_start3A_253] : memref<512x1024xf32, #tpu.memory_space<hbm>> -> memref<8x1024xf32, #tpu.memory_space<hbm>>
            %dma_start3A_255 = arith.constant 0 : i32
            %dma_start3A_256 = tpu.memref_slice %arg2[%multiple_of3A_252, %dma_start3A_255] : memref<512x1024xf32, #tpu.memory_space<hbm>> -> memref<8x1024xf32, #tpu.memory_space<hbm>>
            tpu.enqueue_dma source(%dma_start3A_256 : memref<8x1024xf32, #tpu.memory_space<hbm>>) target(%arg13 : memref<8x1024xf32, #tpu.memory_space<vmem>>) target_semaphore(%arg24 : memref<!tpu.dma_semaphore, #tpu.memory_space<semaphore_mem>>)
            %scan3A_257 = arith.constant 0 : i32
            %scan3A_258 = arith.constant 64 : i32
            %scan3A_259 = arith.addi %scan3A_257, %scan3A_258 : i32
            %scan3A_260 = arith.constant 1 : i32
            scf.for %scan3A_262 = %scan3A_257 to %scan3A_259 step %scan3A_260  : i32 {
              %mul3A_263 = arith.constant 16 : i32
              %mul3A_264 = arith.muli %scan3A_262, %mul3A_263 : i32
              %get3A_265 = arith.index_cast %and3A_226 : i32 to index
              %get3A_266 = arith.index_cast %mul3A_264 : i32 to index
              %get3A_267 = tpu.vector_load %arg12[%get3A_265, %get3A_266] {strides = array<i32>} : memref<8x1024xf32, #tpu.memory_space<vmem>>, vector<16xf32>,
              %mul3A_268 = vector.broadcast %squeeze3A_224 : f32 to vector<16xf32>
              %mul3A_269 = arith.mulf %get3A_267, %mul3A_268 : vector<16xf32>
              %swap3A = arith.index_cast %sub3A : i32 to index
              %swap3A_270 = arith.index_cast %mul3A_264 : i32 to index
              %swap3A_271 = tpu.vector_load %arg6[%swap3A, %swap3A_270] {strides = array<i32>} : memref<16x1024xf32, #tpu.memory_space<vmem>>, vector<16xf32>,
              tpu.vector_store %arg6[%swap3A, %swap3A_270], %mul3A_269 {strides = array<i32>} : memref<16x1024xf32, #tpu.memory_space<vmem>>, vector<16xf32>,
            }
            %scan3A_261 = arith.constant 64 : i32
          } else {
          }
          %and3A_234 = arith.constant 1 : i32
          %and3A_235 = arith.andi %while3A_206, %and3A_234 : i32
          %eq3A_236 = arith.constant 1 : i32
          %eq3A_237 = arith.cmpi eq, %and3A_235, %eq3A_236 : i32
          %convert_element_type3A_238 = arith.extui %eq3A_237 : i1 to i32
          %cond3A_239 = arith.constant 0 : i32
          %cond3A_240 = arith.cmpi ne, %convert_element_type3A_238, %cond3A_239 : i32
          scf.if %cond3A_240 {
            %and3A_243 = arith.constant -8 : i32
            %and3A_244 = arith.andi %squeeze3A_214, %and3A_243 : i32
            %multiple_of3A_245 = tpu.assume_multiple %and3A_244, 8 : i32
            %dma_wait3A_246 = arith.constant 0 : i32
            %dma_wait3A_247 = tpu.memref_slice %arg2[%multiple_of3A_245, %dma_wait3A_246] : memref<512x1024xf32, #tpu.memory_space<hbm>> -> memref<8x1024xf32, #tpu.memory_space<hbm>>
            %dma_wait3A_248 = arith.constant 0 : i32
            %dma_wait3A_249 = tpu.memref_slice %arg2[%multiple_of3A_245, %dma_wait3A_248] : memref<512x1024xf32, #tpu.memory_space<hbm>> -> memref<8x1024xf32, #tpu.memory_space<hbm>>
            tpu.wait_dma2 semaphore(%arg24 : memref<!tpu.dma_semaphore, #tpu.memory_space<semaphore_mem>>) src(%dma_wait3A_249 : memref<8x1024xf32, #tpu.memory_space<hbm>>) dst(%arg13 : memref<8x1024xf32, #tpu.memory_space<vmem>>)
            %and3A_250 = arith.constant -8 : i32
            %and3A_251 = arith.andi %squeeze3A_220, %and3A_250 : i32
            %multiple_of3A_252 = tpu.assume_multiple %and3A_251, 8 : i32
            %dma_start3A_253 = arith.constant 0 : i32
            %dma_start3A_254 = tpu.memref_slice %arg2[%multiple_of3A_252, %dma_start3A_253] : memref<512x1024xf32, #tpu.memory_space<hbm>> -> memref<8x1024xf32, #tpu.memory_space<hbm>>
            %dma_start3A_255 = arith.constant 0 : i32
            %dma_start3A_256 = tpu.memref_slice %arg2[%multiple_of3A_252, %dma_start3A_255] : memref<512x1024xf32, #tpu.memory_space<hbm>> -> memref<8x1024xf32, #tpu.memory_space<hbm>>
            tpu.enqueue_dma source(%dma_start3A_256 : memref<8x1024xf32, #tpu.memory_space<hbm>>) target(%arg12 : memref<8x1024xf32, #tpu.memory_space<vmem>>) target_semaphore(%arg24 : memref<!tpu.dma_semaphore, #tpu.memory_space<semaphore_mem>>)
            %scan3A_257 = arith.constant 0 : i32
            %scan3A_258 = arith.constant 64 : i32
            %scan3A_259 = arith.addi %scan3A_257, %scan3A_258 : i32
            %scan3A_260 = arith.constant 1 : i32
            scf.for %scan3A_262 = %scan3A_257 to %scan3A_259 step %scan3A_260  : i32 {
              %mul3A_263 = arith.constant 16 : i32
              %mul3A_264 = arith.muli %scan3A_262, %mul3A_263 : i32
              %get3A_265 = arith.index_cast %and3A_226 : i32 to index
              %get3A_266 = arith.index_cast %mul3A_264 : i32 to index
              %get3A_267 = tpu.vector_load %arg13[%get3A_265, %get3A_266] {strides = array<i32>} : memref<8x1024xf32, #tpu.memory_space<vmem>>, vector<16xf32>,
              %mul3A_268 = vector.broadcast %squeeze3A_224 : f32 to vector<16xf32>
              %mul3A_269 = arith.mulf %get3A_267, %mul3A_268 : vector<16xf32>
              %swap3A = arith.index_cast %sub3A : i32 to index
              %swap3A_270 = arith.index_cast %mul3A_264 : i32 to index
              %swap3A_271 = tpu.vector_load %arg6[%swap3A, %swap3A_270] {strides = array<i32>} : memref<16x1024xf32, #tpu.memory_space<vmem>>, vector<16xf32>,
              tpu.vector_store %arg6[%swap3A, %swap3A_270], %mul3A_269 {strides = array<i32>} : memref<16x1024xf32, #tpu.memory_space<vmem>>, vector<16xf32>,
            }
            %scan3A_261 = arith.constant 64 : i32
          } else {
          }
          %add3A_241 = arith.constant 1 : i32
          %add3A_242 = arith.addi %while3A_206, %add3A_241 : i32
          scf.yield %add3A_242 : i32
        }
        %multiple_of3A_201 = tpu.assume_multiple %add3A_114, 8 : i32
        %dma_start3A_202 = arith.constant 0 : i32
        %dma_start3A_203 = tpu.memref_slice %arg5[%multiple_of3A_201, %dma_start3A_202] : memref<50000x1024xf32, #tpu.memory_space<hbm>> -> memref<16x1024xf32, #tpu.memory_space<hbm>>
        %dma_start3A_204 = arith.constant 0 : i32
        %dma_start3A_205 = tpu.memref_slice %arg5[%multiple_of3A_201, %dma_start3A_204] : memref<50000x1024xf32, #tpu.memory_space<hbm>> -> memref<16x1024xf32, #tpu.memory_space<hbm>>
        tpu.enqueue_dma source(%arg6 : memref<16x1024xf32, #tpu.memory_space<vmem>>) target(%dma_start3A_205 : memref<16x1024xf32, #tpu.memory_space<hbm>>) target_semaphore(%arg18 : memref<!tpu.dma_semaphore, #tpu.memory_space<semaphore_mem>>)
      } else {
      }
      %eq3A_134 = arith.constant 1 : i32
      %eq3A_135 = arith.cmpi eq, %select_n3A_128, %eq3A_134 : i32
      %convert_element_type3A_136 = arith.extui %eq3A_135 : i1 to i32
      %cond3A_137 = arith.constant 0 : i32
      %cond3A_138 = arith.cmpi ne, %convert_element_type3A_136, %cond3A_137 : i32
      scf.if %cond3A_138 {
        %ge3A = arith.constant 6 : i32
        %ge3A_196 = arith.cmpi sge, %while3A_98, %ge3A : i32
        %convert_element_type3A_197 = arith.extui %ge3A_196 : i1 to i32
        %cond3A_198 = arith.constant 0 : i32
        %cond3A_199 = arith.cmpi ne, %convert_element_type3A_197, %cond3A_198 : i32
        scf.if %cond3A_199 {
          %sub3A = arith.constant 96 : i32
          %sub3A_206 = arith.subi %add3A_114, %sub3A : i32
          %multiple_of3A_207 = tpu.assume_multiple %sub3A_206, 8 : i32
          %dma_wait3A_208 = arith.constant 0 : i32
          %dma_wait3A_209 = tpu.memref_slice %arg5[%multiple_of3A_207, %dma_wait3A_208] : memref<50000x1024xf32, #tpu.memory_space<hbm>> -> memref<16x1024xf32, #tpu.memory_space<hbm>>
          %dma_wait3A_210 = arith.constant 0 : i32
          %dma_wait3A_211 = tpu.memref_slice %arg5[%multiple_of3A_207, %dma_wait3A_210] : memref<50000x1024xf32, #tpu.memory_space<hbm>> -> memref<16x1024xf32, #tpu.memory_space<hbm>>
          tpu.wait_dma2 semaphore(%arg19 : memref<!tpu.dma_semaphore, #tpu.memory_space<semaphore_mem>>) src(%arg7 : memref<16x1024xf32, #tpu.memory_space<vmem>>) dst(%dma_wait3A_211 : memref<16x1024xf32, #tpu.memory_space<hbm>>)
          %sub3A_212 = arith.constant 96 : i32
          %sub3A_213 = arith.subi %add3A_114, %sub3A_212 : i32
          %while3A_214 = arith.subi %while3A_107, %while3A_101 : i32
          %while3A_215 = arith.addi %while3A_101, %while3A_214 : i32
          %while3A_216 = arith.constant 1 : i32
          %while3A_217 = arith.divsi %while3A_214, %while3A_216 : i32
          %while3A_218 = arith.muli %while3A_217, %while3A_216 : i32
          %while3A_219 = arith.addi %while3A_101, %while3A_218 : i32
          %while3A_220 = arith.constant 1 : i32
          scf.for %while3A_222 = %while3A_101 to %while3A_219 step %while3A_220  : i32 {
            %get3A_223 = arith.index_cast %while3A_222 : i32 to index
            %get3A_224 = tpu.vector_load %arg15[%get3A_223] {strides = array<i32>} : memref<544xi32, #tpu.memory_space<vmem>>, vector<16xi32>,
            %slice3A_225 = vector.extract_strided_slice %get3A_224 {offsets = [0], sizes = [1], strides = [1]} : vector<16xi32> to vector<1xi32>
            %squeeze3A_226 = vector.extract %slice3A_225[0] : i32 from vector<1xi32>
            %sub3A_227 = arith.subi %squeeze3A_226, %sub3A_213 : i32
            %scan3A_228 = arith.constant 0 : i32
            %scan3A_229 = arith.constant 64 : i32
            %scan3A_230 = arith.addi %scan3A_228, %scan3A_229 : i32
            %scan3A_231 = arith.constant 1 : i32
            scf.for %scan3A_233 = %scan3A_228 to %scan3A_230 step %scan3A_231  : i32 {
              %mul3A_234 = arith.constant 16 : i32
              %mul3A_235 = arith.muli %scan3A_233, %mul3A_234 : i32
              %swap3A = arith.index_cast %sub3A_227 : i32 to index
              %swap3A_236 = arith.index_cast %mul3A_235 : i32 to index
              %swap3A_237 = tpu.vector_load %arg7[%swap3A, %swap3A_236] {strides = array<i32>} : memref<16x1024xf32, #tpu.memory_space<vmem>>, vector<16xf32>,
              tpu.vector_store %arg7[%swap3A, %swap3A_236], %broadcast_in_dim3A_9 {strides = array<i32>} : memref<16x1024xf32, #tpu.memory_space<vmem>>, vector<16xf32>,
            }
            %scan3A_232 = arith.constant 64 : i32
          }
          %while3A_221 = arith.constant 1 : i32
          scf.for %while3A_222 = %while3A_219 to %while3A_215 step %while3A_221  : i32 {
            %get3A_223 = arith.index_cast %while3A_222 : i32 to index
            %get3A_224 = tpu.vector_load %arg15[%get3A_223] {strides = array<i32>} : memref<544xi32, #tpu.memory_space<vmem>>, vector<16xi32>,
            %slice3A_225 = vector.extract_strided_slice %get3A_224 {offsets = [0], sizes = [1], strides = [1]} : vector<16xi32> to vector<1xi32>
            %squeeze3A_226 = vector.extract %slice3A_225[0] : i32 from vector<1xi32>
            %sub3A_227 = arith.subi %squeeze3A_226, %sub3A_213 : i32
            %scan3A_228 = arith.constant 0 : i32
            %scan3A_229 = arith.constant 64 : i32
            %scan3A_230 = arith.addi %scan3A_228, %scan3A_229 : i32
            %scan3A_231 = arith.constant 1 : i32
            scf.for %scan3A_233 = %scan3A_228 to %scan3A_230 step %scan3A_231  : i32 {
              %mul3A_234 = arith.constant 16 : i32
              %mul3A_235 = arith.muli %scan3A_233, %mul3A_234 : i32
              %swap3A = arith.index_cast %sub3A_227 : i32 to index
              %swap3A_236 = arith.index_cast %mul3A_235 : i32 to index
              %swap3A_237 = tpu.vector_load %arg7[%swap3A, %swap3A_236] {strides = array<i32>} : memref<16x1024xf32, #tpu.memory_space<vmem>>, vector<16xf32>,
              tpu.vector_store %arg7[%swap3A, %swap3A_236], %broadcast_in_dim3A_9 {strides = array<i32>} : memref<16x1024xf32, #tpu.memory_space<vmem>>, vector<16xf32>,
            }
            %scan3A_232 = arith.constant 64 : i32
          }
        } else {
        }
        %while3A_200 = scf.while (%while3A_206 = %while3A_99) : (i32) -> i32 {
          %get3A_207 = arith.index_cast %while3A_206 : i32 to index
          %get3A_208 = tpu.vector_load %arg15[%get3A_207] {strides = array<i32>} : memref<544xi32, #tpu.memory_space<vmem>>, vector<16xi32>,
          %slice3A_209 = vector.extract_strided_slice %get3A_208 {offsets = [0], sizes = [1], strides = [1]} : vector<16xi32> to vector<1xi32>
          %squeeze3A_210 = vector.extract %slice3A_209[0] : i32 from vector<1xi32>
          %add3A_211 = arith.constant 16 : i32
          %add3A_212 = arith.addi %add3A_114, %add3A_211 : i32
          %lt3A_213 = arith.cmpi slt, %squeeze3A_210, %add3A_212 : i32
          scf.condition(%lt3A_213) %while3A_206 : i32
        } do {
        ^bb0(%while3A_206: i32):
          %get3A_207 = arith.index_cast %while3A_206 : i32 to index
          %get3A_208 = tpu.vector_load %arg15[%get3A_207] {strides = array<i32>} : memref<544xi32, #tpu.memory_space<vmem>>, vector<16xi32>,
          %slice3A_209 = vector.extract_strided_slice %get3A_208 {offsets = [0], sizes = [1], strides = [1]} : vector<16xi32> to vector<1xi32>
          %squeeze3A_210 = vector.extract %slice3A_209[0] : i32 from vector<1xi32>
          %get3A_211 = arith.index_cast %while3A_206 : i32 to index
          %get3A_212 = tpu.vector_load %arg16[%get3A_211] {strides = array<i32>} : memref<544xi32, #tpu.memory_space<vmem>>, vector<16xi32>,
          %slice3A_213 = vector.extract_strided_slice %get3A_212 {offsets = [0], sizes = [1], strides = [1]} : vector<16xi32> to vector<1xi32>
          %squeeze3A_214 = vector.extract %slice3A_213[0] : i32 from vector<1xi32>
          %add3A_215 = arith.constant 1 : i32
          %add3A_216 = arith.addi %while3A_206, %add3A_215 : i32
          %get3A_217 = arith.index_cast %add3A_216 : i32 to index
          %get3A_218 = tpu.vector_load %arg16[%get3A_217] {strides = array<i32>} : memref<544xi32, #tpu.memory_space<vmem>>, vector<16xi32>,
          %slice3A_219 = vector.extract_strided_slice %get3A_218 {offsets = [0], sizes = [1], strides = [1]} : vector<16xi32> to vector<1xi32>
          %squeeze3A_220 = vector.extract %slice3A_219[0] : i32 from vector<1xi32>
          %get3A_221 = arith.index_cast %squeeze3A_214 : i32 to index
          %get3A_222 = tpu.vector_load %arg17[%get3A_221] {strides = array<i32>} : memref<528xf32, #tpu.memory_space<vmem>>, vector<16xf32>,
          %slice3A_223 = vector.extract_strided_slice %get3A_222 {offsets = [0], sizes = [1], strides = [1]} : vector<16xf32> to vector<1xf32>
          %squeeze3A_224 = vector.extract %slice3A_223[0] : f32 from vector<1xf32>
          %sub3A = arith.subi %squeeze3A_210, %add3A_114 : i32
          %and3A_225 = arith.constant 7 : i32
          %and3A_226 = arith.andi %squeeze3A_214, %and3A_225 : i32
          %and3A_227 = arith.constant 1 : i32
          %and3A_228 = arith.andi %while3A_206, %and3A_227 : i32
          %eq3A_229 = arith.constant 0 : i32
          %eq3A_230 = arith.cmpi eq, %and3A_228, %eq3A_229 : i32
          %convert_element_type3A_231 = arith.extui %eq3A_230 : i1 to i32
          %cond3A_232 = arith.constant 0 : i32
          %cond3A_233 = arith.cmpi ne, %convert_element_type3A_231, %cond3A_232 : i32
          scf.if %cond3A_233 {
            %and3A_243 = arith.constant -8 : i32
            %and3A_244 = arith.andi %squeeze3A_214, %and3A_243 : i32
            %multiple_of3A_245 = tpu.assume_multiple %and3A_244, 8 : i32
            %dma_wait3A_246 = arith.constant 0 : i32
            %dma_wait3A_247 = tpu.memref_slice %arg2[%multiple_of3A_245, %dma_wait3A_246] : memref<512x1024xf32, #tpu.memory_space<hbm>> -> memref<8x1024xf32, #tpu.memory_space<hbm>>
            %dma_wait3A_248 = arith.constant 0 : i32
            %dma_wait3A_249 = tpu.memref_slice %arg2[%multiple_of3A_245, %dma_wait3A_248] : memref<512x1024xf32, #tpu.memory_space<hbm>> -> memref<8x1024xf32, #tpu.memory_space<hbm>>
            tpu.wait_dma2 semaphore(%arg24 : memref<!tpu.dma_semaphore, #tpu.memory_space<semaphore_mem>>) src(%dma_wait3A_249 : memref<8x1024xf32, #tpu.memory_space<hbm>>) dst(%arg12 : memref<8x1024xf32, #tpu.memory_space<vmem>>)
            %and3A_250 = arith.constant -8 : i32
            %and3A_251 = arith.andi %squeeze3A_220, %and3A_250 : i32
            %multiple_of3A_252 = tpu.assume_multiple %and3A_251, 8 : i32
            %dma_start3A_253 = arith.constant 0 : i32
            %dma_start3A_254 = tpu.memref_slice %arg2[%multiple_of3A_252, %dma_start3A_253] : memref<512x1024xf32, #tpu.memory_space<hbm>> -> memref<8x1024xf32, #tpu.memory_space<hbm>>
            %dma_start3A_255 = arith.constant 0 : i32
            %dma_start3A_256 = tpu.memref_slice %arg2[%multiple_of3A_252, %dma_start3A_255] : memref<512x1024xf32, #tpu.memory_space<hbm>> -> memref<8x1024xf32, #tpu.memory_space<hbm>>
            tpu.enqueue_dma source(%dma_start3A_256 : memref<8x1024xf32, #tpu.memory_space<hbm>>) target(%arg13 : memref<8x1024xf32, #tpu.memory_space<vmem>>) target_semaphore(%arg24 : memref<!tpu.dma_semaphore, #tpu.memory_space<semaphore_mem>>)
            %scan3A_257 = arith.constant 0 : i32
            %scan3A_258 = arith.constant 64 : i32
            %scan3A_259 = arith.addi %scan3A_257, %scan3A_258 : i32
            %scan3A_260 = arith.constant 1 : i32
            scf.for %scan3A_262 = %scan3A_257 to %scan3A_259 step %scan3A_260  : i32 {
              %mul3A_263 = arith.constant 16 : i32
              %mul3A_264 = arith.muli %scan3A_262, %mul3A_263 : i32
              %get3A_265 = arith.index_cast %and3A_226 : i32 to index
              %get3A_266 = arith.index_cast %mul3A_264 : i32 to index
              %get3A_267 = tpu.vector_load %arg12[%get3A_265, %get3A_266] {strides = array<i32>} : memref<8x1024xf32, #tpu.memory_space<vmem>>, vector<16xf32>,
              %mul3A_268 = vector.broadcast %squeeze3A_224 : f32 to vector<16xf32>
              %mul3A_269 = arith.mulf %get3A_267, %mul3A_268 : vector<16xf32>
              %swap3A = arith.index_cast %sub3A : i32 to index
              %swap3A_270 = arith.index_cast %mul3A_264 : i32 to index
              %swap3A_271 = tpu.vector_load %arg7[%swap3A, %swap3A_270] {strides = array<i32>} : memref<16x1024xf32, #tpu.memory_space<vmem>>, vector<16xf32>,
              tpu.vector_store %arg7[%swap3A, %swap3A_270], %mul3A_269 {strides = array<i32>} : memref<16x1024xf32, #tpu.memory_space<vmem>>, vector<16xf32>,
            }
            %scan3A_261 = arith.constant 64 : i32
          } else {
          }
          %and3A_234 = arith.constant 1 : i32
          %and3A_235 = arith.andi %while3A_206, %and3A_234 : i32
          %eq3A_236 = arith.constant 1 : i32
          %eq3A_237 = arith.cmpi eq, %and3A_235, %eq3A_236 : i32
          %convert_element_type3A_238 = arith.extui %eq3A_237 : i1 to i32
          %cond3A_239 = arith.constant 0 : i32
          %cond3A_240 = arith.cmpi ne, %convert_element_type3A_238, %cond3A_239 : i32
          scf.if %cond3A_240 {
            %and3A_243 = arith.constant -8 : i32
            %and3A_244 = arith.andi %squeeze3A_214, %and3A_243 : i32
            %multiple_of3A_245 = tpu.assume_multiple %and3A_244, 8 : i32
            %dma_wait3A_246 = arith.constant 0 : i32
            %dma_wait3A_247 = tpu.memref_slice %arg2[%multiple_of3A_245, %dma_wait3A_246] : memref<512x1024xf32, #tpu.memory_space<hbm>> -> memref<8x1024xf32, #tpu.memory_space<hbm>>
            %dma_wait3A_248 = arith.constant 0 : i32
            %dma_wait3A_249 = tpu.memref_slice %arg2[%multiple_of3A_245, %dma_wait3A_248] : memref<512x1024xf32, #tpu.memory_space<hbm>> -> memref<8x1024xf32, #tpu.memory_space<hbm>>
            tpu.wait_dma2 semaphore(%arg24 : memref<!tpu.dma_semaphore, #tpu.memory_space<semaphore_mem>>) src(%dma_wait3A_249 : memref<8x1024xf32, #tpu.memory_space<hbm>>) dst(%arg13 : memref<8x1024xf32, #tpu.memory_space<vmem>>)
            %and3A_250 = arith.constant -8 : i32
            %and3A_251 = arith.andi %squeeze3A_220, %and3A_250 : i32
            %multiple_of3A_252 = tpu.assume_multiple %and3A_251, 8 : i32
            %dma_start3A_253 = arith.constant 0 : i32
            %dma_start3A_254 = tpu.memref_slice %arg2[%multiple_of3A_252, %dma_start3A_253] : memref<512x1024xf32, #tpu.memory_space<hbm>> -> memref<8x1024xf32, #tpu.memory_space<hbm>>
            %dma_start3A_255 = arith.constant 0 : i32
            %dma_start3A_256 = tpu.memref_slice %arg2[%multiple_of3A_252, %dma_start3A_255] : memref<512x1024xf32, #tpu.memory_space<hbm>> -> memref<8x1024xf32, #tpu.memory_space<hbm>>
            tpu.enqueue_dma source(%dma_start3A_256 : memref<8x1024xf32, #tpu.memory_space<hbm>>) target(%arg12 : memref<8x1024xf32, #tpu.memory_space<vmem>>) target_semaphore(%arg24 : memref<!tpu.dma_semaphore, #tpu.memory_space<semaphore_mem>>)
            %scan3A_257 = arith.constant 0 : i32
            %scan3A_258 = arith.constant 64 : i32
            %scan3A_259 = arith.addi %scan3A_257, %scan3A_258 : i32
            %scan3A_260 = arith.constant 1 : i32
            scf.for %scan3A_262 = %scan3A_257 to %scan3A_259 step %scan3A_260  : i32 {
              %mul3A_263 = arith.constant 16 : i32
              %mul3A_264 = arith.muli %scan3A_262, %mul3A_263 : i32
              %get3A_265 = arith.index_cast %and3A_226 : i32 to index
              %get3A_266 = arith.index_cast %mul3A_264 : i32 to index
              %get3A_267 = tpu.vector_load %arg13[%get3A_265, %get3A_266] {strides = array<i32>} : memref<8x1024xf32, #tpu.memory_space<vmem>>, vector<16xf32>,
              %mul3A_268 = vector.broadcast %squeeze3A_224 : f32 to vector<16xf32>
              %mul3A_269 = arith.mulf %get3A_267, %mul3A_268 : vector<16xf32>
              %swap3A = arith.index_cast %sub3A : i32 to index
              %swap3A_270 = arith.index_cast %mul3A_264 : i32 to index
              %swap3A_271 = tpu.vector_load %arg7[%swap3A, %swap3A_270] {strides = array<i32>} : memref<16x1024xf32, #tpu.memory_space<vmem>>, vector<16xf32>,
              tpu.vector_store %arg7[%swap3A, %swap3A_270], %mul3A_269 {strides = array<i32>} : memref<16x1024xf32, #tpu.memory_space<vmem>>, vector<16xf32>,
            }
            %scan3A_261 = arith.constant 64 : i32
          } else {
          }
          %add3A_241 = arith.constant 1 : i32
          %add3A_242 = arith.addi %while3A_206, %add3A_241 : i32
          scf.yield %add3A_242 : i32
        }
        %multiple_of3A_201 = tpu.assume_multiple %add3A_114, 8 : i32
        %dma_start3A_202 = arith.constant 0 : i32
        %dma_start3A_203 = tpu.memref_slice %arg5[%multiple_of3A_201, %dma_start3A_202] : memref<50000x1024xf32, #tpu.memory_space<hbm>> -> memref<16x1024xf32, #tpu.memory_space<hbm>>
        %dma_start3A_204 = arith.constant 0 : i32
        %dma_start3A_205 = tpu.memref_slice %arg5[%multiple_of3A_201, %dma_start3A_204] : memref<50000x1024xf32, #tpu.memory_space<hbm>> -> memref<16x1024xf32, #tpu.memory_space<hbm>>
        tpu.enqueue_dma source(%arg7 : memref<16x1024xf32, #tpu.memory_space<vmem>>) target(%dma_start3A_205 : memref<16x1024xf32, #tpu.memory_space<hbm>>) target_semaphore(%arg19 : memref<!tpu.dma_semaphore, #tpu.memory_space<semaphore_mem>>)
      } else {
      }
      %eq3A_139 = arith.constant 2 : i32
      %eq3A_140 = arith.cmpi eq, %select_n3A_128, %eq3A_139 : i32
      %convert_element_type3A_141 = arith.extui %eq3A_140 : i1 to i32
      %cond3A_142 = arith.constant 0 : i32
      %cond3A_143 = arith.cmpi ne, %convert_element_type3A_141, %cond3A_142 : i32
      scf.if %cond3A_143 {
        %ge3A = arith.constant 6 : i32
        %ge3A_196 = arith.cmpi sge, %while3A_98, %ge3A : i32
        %convert_element_type3A_197 = arith.extui %ge3A_196 : i1 to i32
        %cond3A_198 = arith.constant 0 : i32
        %cond3A_199 = arith.cmpi ne, %convert_element_type3A_197, %cond3A_198 : i32
        scf.if %cond3A_199 {
          %sub3A = arith.constant 96 : i32
          %sub3A_206 = arith.subi %add3A_114, %sub3A : i32
          %multiple_of3A_207 = tpu.assume_multiple %sub3A_206, 8 : i32
          %dma_wait3A_208 = arith.constant 0 : i32
          %dma_wait3A_209 = tpu.memref_slice %arg5[%multiple_of3A_207, %dma_wait3A_208] : memref<50000x1024xf32, #tpu.memory_space<hbm>> -> memref<16x1024xf32, #tpu.memory_space<hbm>>
          %dma_wait3A_210 = arith.constant 0 : i32
          %dma_wait3A_211 = tpu.memref_slice %arg5[%multiple_of3A_207, %dma_wait3A_210] : memref<50000x1024xf32, #tpu.memory_space<hbm>> -> memref<16x1024xf32, #tpu.memory_space<hbm>>
          tpu.wait_dma2 semaphore(%arg20 : memref<!tpu.dma_semaphore, #tpu.memory_space<semaphore_mem>>) src(%arg8 : memref<16x1024xf32, #tpu.memory_space<vmem>>) dst(%dma_wait3A_211 : memref<16x1024xf32, #tpu.memory_space<hbm>>)
          %sub3A_212 = arith.constant 96 : i32
          %sub3A_213 = arith.subi %add3A_114, %sub3A_212 : i32
          %while3A_214 = arith.subi %while3A_108, %while3A_102 : i32
          %while3A_215 = arith.addi %while3A_102, %while3A_214 : i32
          %while3A_216 = arith.constant 1 : i32
          %while3A_217 = arith.divsi %while3A_214, %while3A_216 : i32
          %while3A_218 = arith.muli %while3A_217, %while3A_216 : i32
          %while3A_219 = arith.addi %while3A_102, %while3A_218 : i32
          %while3A_220 = arith.constant 1 : i32
          scf.for %while3A_222 = %while3A_102 to %while3A_219 step %while3A_220  : i32 {
            %get3A_223 = arith.index_cast %while3A_222 : i32 to index
            %get3A_224 = tpu.vector_load %arg15[%get3A_223] {strides = array<i32>} : memref<544xi32, #tpu.memory_space<vmem>>, vector<16xi32>,
            %slice3A_225 = vector.extract_strided_slice %get3A_224 {offsets = [0], sizes = [1], strides = [1]} : vector<16xi32> to vector<1xi32>
            %squeeze3A_226 = vector.extract %slice3A_225[0] : i32 from vector<1xi32>
            %sub3A_227 = arith.subi %squeeze3A_226, %sub3A_213 : i32
            %scan3A_228 = arith.constant 0 : i32
            %scan3A_229 = arith.constant 64 : i32
            %scan3A_230 = arith.addi %scan3A_228, %scan3A_229 : i32
            %scan3A_231 = arith.constant 1 : i32
            scf.for %scan3A_233 = %scan3A_228 to %scan3A_230 step %scan3A_231  : i32 {
              %mul3A_234 = arith.constant 16 : i32
              %mul3A_235 = arith.muli %scan3A_233, %mul3A_234 : i32
              %swap3A = arith.index_cast %sub3A_227 : i32 to index
              %swap3A_236 = arith.index_cast %mul3A_235 : i32 to index
              %swap3A_237 = tpu.vector_load %arg8[%swap3A, %swap3A_236] {strides = array<i32>} : memref<16x1024xf32, #tpu.memory_space<vmem>>, vector<16xf32>,
              tpu.vector_store %arg8[%swap3A, %swap3A_236], %broadcast_in_dim3A_9 {strides = array<i32>} : memref<16x1024xf32, #tpu.memory_space<vmem>>, vector<16xf32>,
            }
            %scan3A_232 = arith.constant 64 : i32
          }
          %while3A_221 = arith.constant 1 : i32
          scf.for %while3A_222 = %while3A_219 to %while3A_215 step %while3A_221  : i32 {
            %get3A_223 = arith.index_cast %while3A_222 : i32 to index
            %get3A_224 = tpu.vector_load %arg15[%get3A_223] {strides = array<i32>} : memref<544xi32, #tpu.memory_space<vmem>>, vector<16xi32>,
            %slice3A_225 = vector.extract_strided_slice %get3A_224 {offsets = [0], sizes = [1], strides = [1]} : vector<16xi32> to vector<1xi32>
            %squeeze3A_226 = vector.extract %slice3A_225[0] : i32 from vector<1xi32>
            %sub3A_227 = arith.subi %squeeze3A_226, %sub3A_213 : i32
            %scan3A_228 = arith.constant 0 : i32
            %scan3A_229 = arith.constant 64 : i32
            %scan3A_230 = arith.addi %scan3A_228, %scan3A_229 : i32
            %scan3A_231 = arith.constant 1 : i32
            scf.for %scan3A_233 = %scan3A_228 to %scan3A_230 step %scan3A_231  : i32 {
              %mul3A_234 = arith.constant 16 : i32
              %mul3A_235 = arith.muli %scan3A_233, %mul3A_234 : i32
              %swap3A = arith.index_cast %sub3A_227 : i32 to index
              %swap3A_236 = arith.index_cast %mul3A_235 : i32 to index
              %swap3A_237 = tpu.vector_load %arg8[%swap3A, %swap3A_236] {strides = array<i32>} : memref<16x1024xf32, #tpu.memory_space<vmem>>, vector<16xf32>,
              tpu.vector_store %arg8[%swap3A, %swap3A_236], %broadcast_in_dim3A_9 {strides = array<i32>} : memref<16x1024xf32, #tpu.memory_space<vmem>>, vector<16xf32>,
            }
            %scan3A_232 = arith.constant 64 : i32
          }
        } else {
        }
        %while3A_200 = scf.while (%while3A_206 = %while3A_99) : (i32) -> i32 {
          %get3A_207 = arith.index_cast %while3A_206 : i32 to index
          %get3A_208 = tpu.vector_load %arg15[%get3A_207] {strides = array<i32>} : memref<544xi32, #tpu.memory_space<vmem>>, vector<16xi32>,
          %slice3A_209 = vector.extract_strided_slice %get3A_208 {offsets = [0], sizes = [1], strides = [1]} : vector<16xi32> to vector<1xi32>
          %squeeze3A_210 = vector.extract %slice3A_209[0] : i32 from vector<1xi32>
          %add3A_211 = arith.constant 16 : i32
          %add3A_212 = arith.addi %add3A_114, %add3A_211 : i32
          %lt3A_213 = arith.cmpi slt, %squeeze3A_210, %add3A_212 : i32
          scf.condition(%lt3A_213) %while3A_206 : i32
        } do {
        ^bb0(%while3A_206: i32):
          %get3A_207 = arith.index_cast %while3A_206 : i32 to index
          %get3A_208 = tpu.vector_load %arg15[%get3A_207] {strides = array<i32>} : memref<544xi32, #tpu.memory_space<vmem>>, vector<16xi32>,
          %slice3A_209 = vector.extract_strided_slice %get3A_208 {offsets = [0], sizes = [1], strides = [1]} : vector<16xi32> to vector<1xi32>
          %squeeze3A_210 = vector.extract %slice3A_209[0] : i32 from vector<1xi32>
          %get3A_211 = arith.index_cast %while3A_206 : i32 to index
          %get3A_212 = tpu.vector_load %arg16[%get3A_211] {strides = array<i32>} : memref<544xi32, #tpu.memory_space<vmem>>, vector<16xi32>,
          %slice3A_213 = vector.extract_strided_slice %get3A_212 {offsets = [0], sizes = [1], strides = [1]} : vector<16xi32> to vector<1xi32>
          %squeeze3A_214 = vector.extract %slice3A_213[0] : i32 from vector<1xi32>
          %add3A_215 = arith.constant 1 : i32
          %add3A_216 = arith.addi %while3A_206, %add3A_215 : i32
          %get3A_217 = arith.index_cast %add3A_216 : i32 to index
          %get3A_218 = tpu.vector_load %arg16[%get3A_217] {strides = array<i32>} : memref<544xi32, #tpu.memory_space<vmem>>, vector<16xi32>,
          %slice3A_219 = vector.extract_strided_slice %get3A_218 {offsets = [0], sizes = [1], strides = [1]} : vector<16xi32> to vector<1xi32>
          %squeeze3A_220 = vector.extract %slice3A_219[0] : i32 from vector<1xi32>
          %get3A_221 = arith.index_cast %squeeze3A_214 : i32 to index
          %get3A_222 = tpu.vector_load %arg17[%get3A_221] {strides = array<i32>} : memref<528xf32, #tpu.memory_space<vmem>>, vector<16xf32>,
          %slice3A_223 = vector.extract_strided_slice %get3A_222 {offsets = [0], sizes = [1], strides = [1]} : vector<16xf32> to vector<1xf32>
          %squeeze3A_224 = vector.extract %slice3A_223[0] : f32 from vector<1xf32>
          %sub3A = arith.subi %squeeze3A_210, %add3A_114 : i32
          %and3A_225 = arith.constant 7 : i32
          %and3A_226 = arith.andi %squeeze3A_214, %and3A_225 : i32
          %and3A_227 = arith.constant 1 : i32
          %and3A_228 = arith.andi %while3A_206, %and3A_227 : i32
          %eq3A_229 = arith.constant 0 : i32
          %eq3A_230 = arith.cmpi eq, %and3A_228, %eq3A_229 : i32
          %convert_element_type3A_231 = arith.extui %eq3A_230 : i1 to i32
          %cond3A_232 = arith.constant 0 : i32
          %cond3A_233 = arith.cmpi ne, %convert_element_type3A_231, %cond3A_232 : i32
          scf.if %cond3A_233 {
            %and3A_243 = arith.constant -8 : i32
            %and3A_244 = arith.andi %squeeze3A_214, %and3A_243 : i32
            %multiple_of3A_245 = tpu.assume_multiple %and3A_244, 8 : i32
            %dma_wait3A_246 = arith.constant 0 : i32
            %dma_wait3A_247 = tpu.memref_slice %arg2[%multiple_of3A_245, %dma_wait3A_246] : memref<512x1024xf32, #tpu.memory_space<hbm>> -> memref<8x1024xf32, #tpu.memory_space<hbm>>
            %dma_wait3A_248 = arith.constant 0 : i32
            %dma_wait3A_249 = tpu.memref_slice %arg2[%multiple_of3A_245, %dma_wait3A_248] : memref<512x1024xf32, #tpu.memory_space<hbm>> -> memref<8x1024xf32, #tpu.memory_space<hbm>>
            tpu.wait_dma2 semaphore(%arg24 : memref<!tpu.dma_semaphore, #tpu.memory_space<semaphore_mem>>) src(%dma_wait3A_249 : memref<8x1024xf32, #tpu.memory_space<hbm>>) dst(%arg12 : memref<8x1024xf32, #tpu.memory_space<vmem>>)
            %and3A_250 = arith.constant -8 : i32
            %and3A_251 = arith.andi %squeeze3A_220, %and3A_250 : i32
            %multiple_of3A_252 = tpu.assume_multiple %and3A_251, 8 : i32
            %dma_start3A_253 = arith.constant 0 : i32
            %dma_start3A_254 = tpu.memref_slice %arg2[%multiple_of3A_252, %dma_start3A_253] : memref<512x1024xf32, #tpu.memory_space<hbm>> -> memref<8x1024xf32, #tpu.memory_space<hbm>>
            %dma_start3A_255 = arith.constant 0 : i32
            %dma_start3A_256 = tpu.memref_slice %arg2[%multiple_of3A_252, %dma_start3A_255] : memref<512x1024xf32, #tpu.memory_space<hbm>> -> memref<8x1024xf32, #tpu.memory_space<hbm>>
            tpu.enqueue_dma source(%dma_start3A_256 : memref<8x1024xf32, #tpu.memory_space<hbm>>) target(%arg13 : memref<8x1024xf32, #tpu.memory_space<vmem>>) target_semaphore(%arg24 : memref<!tpu.dma_semaphore, #tpu.memory_space<semaphore_mem>>)
            %scan3A_257 = arith.constant 0 : i32
            %scan3A_258 = arith.constant 64 : i32
            %scan3A_259 = arith.addi %scan3A_257, %scan3A_258 : i32
            %scan3A_260 = arith.constant 1 : i32
            scf.for %scan3A_262 = %scan3A_257 to %scan3A_259 step %scan3A_260  : i32 {
              %mul3A_263 = arith.constant 16 : i32
              %mul3A_264 = arith.muli %scan3A_262, %mul3A_263 : i32
              %get3A_265 = arith.index_cast %and3A_226 : i32 to index
              %get3A_266 = arith.index_cast %mul3A_264 : i32 to index
              %get3A_267 = tpu.vector_load %arg12[%get3A_265, %get3A_266] {strides = array<i32>} : memref<8x1024xf32, #tpu.memory_space<vmem>>, vector<16xf32>,
              %mul3A_268 = vector.broadcast %squeeze3A_224 : f32 to vector<16xf32>
              %mul3A_269 = arith.mulf %get3A_267, %mul3A_268 : vector<16xf32>
              %swap3A = arith.index_cast %sub3A : i32 to index
              %swap3A_270 = arith.index_cast %mul3A_264 : i32 to index
              %swap3A_271 = tpu.vector_load %arg8[%swap3A, %swap3A_270] {strides = array<i32>} : memref<16x1024xf32, #tpu.memory_space<vmem>>, vector<16xf32>,
              tpu.vector_store %arg8[%swap3A, %swap3A_270], %mul3A_269 {strides = array<i32>} : memref<16x1024xf32, #tpu.memory_space<vmem>>, vector<16xf32>,
            }
            %scan3A_261 = arith.constant 64 : i32
          } else {
          }
          %and3A_234 = arith.constant 1 : i32
          %and3A_235 = arith.andi %while3A_206, %and3A_234 : i32
          %eq3A_236 = arith.constant 1 : i32
          %eq3A_237 = arith.cmpi eq, %and3A_235, %eq3A_236 : i32
          %convert_element_type3A_238 = arith.extui %eq3A_237 : i1 to i32
          %cond3A_239 = arith.constant 0 : i32
          %cond3A_240 = arith.cmpi ne, %convert_element_type3A_238, %cond3A_239 : i32
          scf.if %cond3A_240 {
            %and3A_243 = arith.constant -8 : i32
            %and3A_244 = arith.andi %squeeze3A_214, %and3A_243 : i32
            %multiple_of3A_245 = tpu.assume_multiple %and3A_244, 8 : i32
            %dma_wait3A_246 = arith.constant 0 : i32
            %dma_wait3A_247 = tpu.memref_slice %arg2[%multiple_of3A_245, %dma_wait3A_246] : memref<512x1024xf32, #tpu.memory_space<hbm>> -> memref<8x1024xf32, #tpu.memory_space<hbm>>
            %dma_wait3A_248 = arith.constant 0 : i32
            %dma_wait3A_249 = tpu.memref_slice %arg2[%multiple_of3A_245, %dma_wait3A_248] : memref<512x1024xf32, #tpu.memory_space<hbm>> -> memref<8x1024xf32, #tpu.memory_space<hbm>>
            tpu.wait_dma2 semaphore(%arg24 : memref<!tpu.dma_semaphore, #tpu.memory_space<semaphore_mem>>) src(%dma_wait3A_249 : memref<8x1024xf32, #tpu.memory_space<hbm>>) dst(%arg13 : memref<8x1024xf32, #tpu.memory_space<vmem>>)
            %and3A_250 = arith.constant -8 : i32
            %and3A_251 = arith.andi %squeeze3A_220, %and3A_250 : i32
            %multiple_of3A_252 = tpu.assume_multiple %and3A_251, 8 : i32
            %dma_start3A_253 = arith.constant 0 : i32
            %dma_start3A_254 = tpu.memref_slice %arg2[%multiple_of3A_252, %dma_start3A_253] : memref<512x1024xf32, #tpu.memory_space<hbm>> -> memref<8x1024xf32, #tpu.memory_space<hbm>>
            %dma_start3A_255 = arith.constant 0 : i32
            %dma_start3A_256 = tpu.memref_slice %arg2[%multiple_of3A_252, %dma_start3A_255] : memref<512x1024xf32, #tpu.memory_space<hbm>> -> memref<8x1024xf32, #tpu.memory_space<hbm>>
            tpu.enqueue_dma source(%dma_start3A_256 : memref<8x1024xf32, #tpu.memory_space<hbm>>) target(%arg12 : memref<8x1024xf32, #tpu.memory_space<vmem>>) target_semaphore(%arg24 : memref<!tpu.dma_semaphore, #tpu.memory_space<semaphore_mem>>)
            %scan3A_257 = arith.constant 0 : i32
            %scan3A_258 = arith.constant 64 : i32
            %scan3A_259 = arith.addi %scan3A_257, %scan3A_258 : i32
            %scan3A_260 = arith.constant 1 : i32
            scf.for %scan3A_262 = %scan3A_257 to %scan3A_259 step %scan3A_260  : i32 {
              %mul3A_263 = arith.constant 16 : i32
              %mul3A_264 = arith.muli %scan3A_262, %mul3A_263 : i32
              %get3A_265 = arith.index_cast %and3A_226 : i32 to index
              %get3A_266 = arith.index_cast %mul3A_264 : i32 to index
              %get3A_267 = tpu.vector_load %arg13[%get3A_265, %get3A_266] {strides = array<i32>} : memref<8x1024xf32, #tpu.memory_space<vmem>>, vector<16xf32>,
              %mul3A_268 = vector.broadcast %squeeze3A_224 : f32 to vector<16xf32>
              %mul3A_269 = arith.mulf %get3A_267, %mul3A_268 : vector<16xf32>
              %swap3A = arith.index_cast %sub3A : i32 to index
              %swap3A_270 = arith.index_cast %mul3A_264 : i32 to index
              %swap3A_271 = tpu.vector_load %arg8[%swap3A, %swap3A_270] {strides = array<i32>} : memref<16x1024xf32, #tpu.memory_space<vmem>>, vector<16xf32>,
              tpu.vector_store %arg8[%swap3A, %swap3A_270], %mul3A_269 {strides = array<i32>} : memref<16x1024xf32, #tpu.memory_space<vmem>>, vector<16xf32>,
            }
            %scan3A_261 = arith.constant 64 : i32
          } else {
          }
          %add3A_241 = arith.constant 1 : i32
          %add3A_242 = arith.addi %while3A_206, %add3A_241 : i32
          scf.yield %add3A_242 : i32
        }
        %multiple_of3A_201 = tpu.assume_multiple %add3A_114, 8 : i32
        %dma_start3A_202 = arith.constant 0 : i32
        %dma_start3A_203 = tpu.memref_slice %arg5[%multiple_of3A_201, %dma_start3A_202] : memref<50000x1024xf32, #tpu.memory_space<hbm>> -> memref<16x1024xf32, #tpu.memory_space<hbm>>
        %dma_start3A_204 = arith.constant 0 : i32
        %dma_start3A_205 = tpu.memref_slice %arg5[%multiple_of3A_201, %dma_start3A_204] : memref<50000x1024xf32, #tpu.memory_space<hbm>> -> memref<16x1024xf32, #tpu.memory_space<hbm>>
        tpu.enqueue_dma source(%arg8 : memref<16x1024xf32, #tpu.memory_space<vmem>>) target(%dma_start3A_205 : memref<16x1024xf32, #tpu.memory_space<hbm>>) target_semaphore(%arg20 : memref<!tpu.dma_semaphore, #tpu.memory_space<semaphore_mem>>)
      } else {
      }
      %eq3A_144 = arith.constant 3 : i32
      %eq3A_145 = arith.cmpi eq, %select_n3A_128, %eq3A_144 : i32
      %convert_element_type3A_146 = arith.extui %eq3A_145 : i1 to i32
      %cond3A_147 = arith.constant 0 : i32
      %cond3A_148 = arith.cmpi ne, %convert_element_type3A_146, %cond3A_147 : i32
      scf.if %cond3A_148 {
        %ge3A = arith.constant 6 : i32
        %ge3A_196 = arith.cmpi sge, %while3A_98, %ge3A : i32
        %convert_element_type3A_197 = arith.extui %ge3A_196 : i1 to i32
        %cond3A_198 = arith.constant 0 : i32
        %cond3A_199 = arith.cmpi ne, %convert_element_type3A_197, %cond3A_198 : i32
        scf.if %cond3A_199 {
          %sub3A = arith.constant 96 : i32
          %sub3A_206 = arith.subi %add3A_114, %sub3A : i32
          %multiple_of3A_207 = tpu.assume_multiple %sub3A_206, 8 : i32
          %dma_wait3A_208 = arith.constant 0 : i32
          %dma_wait3A_209 = tpu.memref_slice %arg5[%multiple_of3A_207, %dma_wait3A_208] : memref<50000x1024xf32, #tpu.memory_space<hbm>> -> memref<16x1024xf32, #tpu.memory_space<hbm>>
          %dma_wait3A_210 = arith.constant 0 : i32
          %dma_wait3A_211 = tpu.memref_slice %arg5[%multiple_of3A_207, %dma_wait3A_210] : memref<50000x1024xf32, #tpu.memory_space<hbm>> -> memref<16x1024xf32, #tpu.memory_space<hbm>>
          tpu.wait_dma2 semaphore(%arg21 : memref<!tpu.dma_semaphore, #tpu.memory_space<semaphore_mem>>) src(%arg9 : memref<16x1024xf32, #tpu.memory_space<vmem>>) dst(%dma_wait3A_211 : memref<16x1024xf32, #tpu.memory_space<hbm>>)
          %sub3A_212 = arith.constant 96 : i32
          %sub3A_213 = arith.subi %add3A_114, %sub3A_212 : i32
          %while3A_214 = arith.subi %while3A_109, %while3A_103 : i32
          %while3A_215 = arith.addi %while3A_103, %while3A_214 : i32
          %while3A_216 = arith.constant 1 : i32
          %while3A_217 = arith.divsi %while3A_214, %while3A_216 : i32
          %while3A_218 = arith.muli %while3A_217, %while3A_216 : i32
          %while3A_219 = arith.addi %while3A_103, %while3A_218 : i32
          %while3A_220 = arith.constant 1 : i32
          scf.for %while3A_222 = %while3A_103 to %while3A_219 step %while3A_220  : i32 {
            %get3A_223 = arith.index_cast %while3A_222 : i32 to index
            %get3A_224 = tpu.vector_load %arg15[%get3A_223] {strides = array<i32>} : memref<544xi32, #tpu.memory_space<vmem>>, vector<16xi32>,
            %slice3A_225 = vector.extract_strided_slice %get3A_224 {offsets = [0], sizes = [1], strides = [1]} : vector<16xi32> to vector<1xi32>
            %squeeze3A_226 = vector.extract %slice3A_225[0] : i32 from vector<1xi32>
            %sub3A_227 = arith.subi %squeeze3A_226, %sub3A_213 : i32
            %scan3A_228 = arith.constant 0 : i32
            %scan3A_229 = arith.constant 64 : i32
            %scan3A_230 = arith.addi %scan3A_228, %scan3A_229 : i32
            %scan3A_231 = arith.constant 1 : i32
            scf.for %scan3A_233 = %scan3A_228 to %scan3A_230 step %scan3A_231  : i32 {
              %mul3A_234 = arith.constant 16 : i32
              %mul3A_235 = arith.muli %scan3A_233, %mul3A_234 : i32
              %swap3A = arith.index_cast %sub3A_227 : i32 to index
              %swap3A_236 = arith.index_cast %mul3A_235 : i32 to index
              %swap3A_237 = tpu.vector_load %arg9[%swap3A, %swap3A_236] {strides = array<i32>} : memref<16x1024xf32, #tpu.memory_space<vmem>>, vector<16xf32>,
              tpu.vector_store %arg9[%swap3A, %swap3A_236], %broadcast_in_dim3A_9 {strides = array<i32>} : memref<16x1024xf32, #tpu.memory_space<vmem>>, vector<16xf32>,
            }
            %scan3A_232 = arith.constant 64 : i32
          }
          %while3A_221 = arith.constant 1 : i32
          scf.for %while3A_222 = %while3A_219 to %while3A_215 step %while3A_221  : i32 {
            %get3A_223 = arith.index_cast %while3A_222 : i32 to index
            %get3A_224 = tpu.vector_load %arg15[%get3A_223] {strides = array<i32>} : memref<544xi32, #tpu.memory_space<vmem>>, vector<16xi32>,
            %slice3A_225 = vector.extract_strided_slice %get3A_224 {offsets = [0], sizes = [1], strides = [1]} : vector<16xi32> to vector<1xi32>
            %squeeze3A_226 = vector.extract %slice3A_225[0] : i32 from vector<1xi32>
            %sub3A_227 = arith.subi %squeeze3A_226, %sub3A_213 : i32
            %scan3A_228 = arith.constant 0 : i32
            %scan3A_229 = arith.constant 64 : i32
            %scan3A_230 = arith.addi %scan3A_228, %scan3A_229 : i32
            %scan3A_231 = arith.constant 1 : i32
            scf.for %scan3A_233 = %scan3A_228 to %scan3A_230 step %scan3A_231  : i32 {
              %mul3A_234 = arith.constant 16 : i32
              %mul3A_235 = arith.muli %scan3A_233, %mul3A_234 : i32
              %swap3A = arith.index_cast %sub3A_227 : i32 to index
              %swap3A_236 = arith.index_cast %mul3A_235 : i32 to index
              %swap3A_237 = tpu.vector_load %arg9[%swap3A, %swap3A_236] {strides = array<i32>} : memref<16x1024xf32, #tpu.memory_space<vmem>>, vector<16xf32>,
              tpu.vector_store %arg9[%swap3A, %swap3A_236], %broadcast_in_dim3A_9 {strides = array<i32>} : memref<16x1024xf32, #tpu.memory_space<vmem>>, vector<16xf32>,
            }
            %scan3A_232 = arith.constant 64 : i32
          }
        } else {
        }
        %while3A_200 = scf.while (%while3A_206 = %while3A_99) : (i32) -> i32 {
          %get3A_207 = arith.index_cast %while3A_206 : i32 to index
          %get3A_208 = tpu.vector_load %arg15[%get3A_207] {strides = array<i32>} : memref<544xi32, #tpu.memory_space<vmem>>, vector<16xi32>,
          %slice3A_209 = vector.extract_strided_slice %get3A_208 {offsets = [0], sizes = [1], strides = [1]} : vector<16xi32> to vector<1xi32>
          %squeeze3A_210 = vector.extract %slice3A_209[0] : i32 from vector<1xi32>
          %add3A_211 = arith.constant 16 : i32
          %add3A_212 = arith.addi %add3A_114, %add3A_211 : i32
          %lt3A_213 = arith.cmpi slt, %squeeze3A_210, %add3A_212 : i32
          scf.condition(%lt3A_213) %while3A_206 : i32
        } do {
        ^bb0(%while3A_206: i32):
          %get3A_207 = arith.index_cast %while3A_206 : i32 to index
          %get3A_208 = tpu.vector_load %arg15[%get3A_207] {strides = array<i32>} : memref<544xi32, #tpu.memory_space<vmem>>, vector<16xi32>,
          %slice3A_209 = vector.extract_strided_slice %get3A_208 {offsets = [0], sizes = [1], strides = [1]} : vector<16xi32> to vector<1xi32>
          %squeeze3A_210 = vector.extract %slice3A_209[0] : i32 from vector<1xi32>
          %get3A_211 = arith.index_cast %while3A_206 : i32 to index
          %get3A_212 = tpu.vector_load %arg16[%get3A_211] {strides = array<i32>} : memref<544xi32, #tpu.memory_space<vmem>>, vector<16xi32>,
          %slice3A_213 = vector.extract_strided_slice %get3A_212 {offsets = [0], sizes = [1], strides = [1]} : vector<16xi32> to vector<1xi32>
          %squeeze3A_214 = vector.extract %slice3A_213[0] : i32 from vector<1xi32>
          %add3A_215 = arith.constant 1 : i32
          %add3A_216 = arith.addi %while3A_206, %add3A_215 : i32
          %get3A_217 = arith.index_cast %add3A_216 : i32 to index
          %get3A_218 = tpu.vector_load %arg16[%get3A_217] {strides = array<i32>} : memref<544xi32, #tpu.memory_space<vmem>>, vector<16xi32>,
          %slice3A_219 = vector.extract_strided_slice %get3A_218 {offsets = [0], sizes = [1], strides = [1]} : vector<16xi32> to vector<1xi32>
          %squeeze3A_220 = vector.extract %slice3A_219[0] : i32 from vector<1xi32>
          %get3A_221 = arith.index_cast %squeeze3A_214 : i32 to index
          %get3A_222 = tpu.vector_load %arg17[%get3A_221] {strides = array<i32>} : memref<528xf32, #tpu.memory_space<vmem>>, vector<16xf32>,
          %slice3A_223 = vector.extract_strided_slice %get3A_222 {offsets = [0], sizes = [1], strides = [1]} : vector<16xf32> to vector<1xf32>
          %squeeze3A_224 = vector.extract %slice3A_223[0] : f32 from vector<1xf32>
          %sub3A = arith.subi %squeeze3A_210, %add3A_114 : i32
          %and3A_225 = arith.constant 7 : i32
          %and3A_226 = arith.andi %squeeze3A_214, %and3A_225 : i32
          %and3A_227 = arith.constant 1 : i32
          %and3A_228 = arith.andi %while3A_206, %and3A_227 : i32
          %eq3A_229 = arith.constant 0 : i32
          %eq3A_230 = arith.cmpi eq, %and3A_228, %eq3A_229 : i32
          %convert_element_type3A_231 = arith.extui %eq3A_230 : i1 to i32
          %cond3A_232 = arith.constant 0 : i32
          %cond3A_233 = arith.cmpi ne, %convert_element_type3A_231, %cond3A_232 : i32
          scf.if %cond3A_233 {
            %and3A_243 = arith.constant -8 : i32
            %and3A_244 = arith.andi %squeeze3A_214, %and3A_243 : i32
            %multiple_of3A_245 = tpu.assume_multiple %and3A_244, 8 : i32
            %dma_wait3A_246 = arith.constant 0 : i32
            %dma_wait3A_247 = tpu.memref_slice %arg2[%multiple_of3A_245, %dma_wait3A_246] : memref<512x1024xf32, #tpu.memory_space<hbm>> -> memref<8x1024xf32, #tpu.memory_space<hbm>>
            %dma_wait3A_248 = arith.constant 0 : i32
            %dma_wait3A_249 = tpu.memref_slice %arg2[%multiple_of3A_245, %dma_wait3A_248] : memref<512x1024xf32, #tpu.memory_space<hbm>> -> memref<8x1024xf32, #tpu.memory_space<hbm>>
            tpu.wait_dma2 semaphore(%arg24 : memref<!tpu.dma_semaphore, #tpu.memory_space<semaphore_mem>>) src(%dma_wait3A_249 : memref<8x1024xf32, #tpu.memory_space<hbm>>) dst(%arg12 : memref<8x1024xf32, #tpu.memory_space<vmem>>)
            %and3A_250 = arith.constant -8 : i32
            %and3A_251 = arith.andi %squeeze3A_220, %and3A_250 : i32
            %multiple_of3A_252 = tpu.assume_multiple %and3A_251, 8 : i32
            %dma_start3A_253 = arith.constant 0 : i32
            %dma_start3A_254 = tpu.memref_slice %arg2[%multiple_of3A_252, %dma_start3A_253] : memref<512x1024xf32, #tpu.memory_space<hbm>> -> memref<8x1024xf32, #tpu.memory_space<hbm>>
            %dma_start3A_255 = arith.constant 0 : i32
            %dma_start3A_256 = tpu.memref_slice %arg2[%multiple_of3A_252, %dma_start3A_255] : memref<512x1024xf32, #tpu.memory_space<hbm>> -> memref<8x1024xf32, #tpu.memory_space<hbm>>
            tpu.enqueue_dma source(%dma_start3A_256 : memref<8x1024xf32, #tpu.memory_space<hbm>>) target(%arg13 : memref<8x1024xf32, #tpu.memory_space<vmem>>) target_semaphore(%arg24 : memref<!tpu.dma_semaphore, #tpu.memory_space<semaphore_mem>>)
            %scan3A_257 = arith.constant 0 : i32
            %scan3A_258 = arith.constant 64 : i32
            %scan3A_259 = arith.addi %scan3A_257, %scan3A_258 : i32
            %scan3A_260 = arith.constant 1 : i32
            scf.for %scan3A_262 = %scan3A_257 to %scan3A_259 step %scan3A_260  : i32 {
              %mul3A_263 = arith.constant 16 : i32
              %mul3A_264 = arith.muli %scan3A_262, %mul3A_263 : i32
              %get3A_265 = arith.index_cast %and3A_226 : i32 to index
              %get3A_266 = arith.index_cast %mul3A_264 : i32 to index
              %get3A_267 = tpu.vector_load %arg12[%get3A_265, %get3A_266] {strides = array<i32>} : memref<8x1024xf32, #tpu.memory_space<vmem>>, vector<16xf32>,
              %mul3A_268 = vector.broadcast %squeeze3A_224 : f32 to vector<16xf32>
              %mul3A_269 = arith.mulf %get3A_267, %mul3A_268 : vector<16xf32>
              %swap3A = arith.index_cast %sub3A : i32 to index
              %swap3A_270 = arith.index_cast %mul3A_264 : i32 to index
              %swap3A_271 = tpu.vector_load %arg9[%swap3A, %swap3A_270] {strides = array<i32>} : memref<16x1024xf32, #tpu.memory_space<vmem>>, vector<16xf32>,
              tpu.vector_store %arg9[%swap3A, %swap3A_270], %mul3A_269 {strides = array<i32>} : memref<16x1024xf32, #tpu.memory_space<vmem>>, vector<16xf32>,
            }
            %scan3A_261 = arith.constant 64 : i32
          } else {
          }
          %and3A_234 = arith.constant 1 : i32
          %and3A_235 = arith.andi %while3A_206, %and3A_234 : i32
          %eq3A_236 = arith.constant 1 : i32
          %eq3A_237 = arith.cmpi eq, %and3A_235, %eq3A_236 : i32
          %convert_element_type3A_238 = arith.extui %eq3A_237 : i1 to i32
          %cond3A_239 = arith.constant 0 : i32
          %cond3A_240 = arith.cmpi ne, %convert_element_type3A_238, %cond3A_239 : i32
          scf.if %cond3A_240 {
            %and3A_243 = arith.constant -8 : i32
            %and3A_244 = arith.andi %squeeze3A_214, %and3A_243 : i32
            %multiple_of3A_245 = tpu.assume_multiple %and3A_244, 8 : i32
            %dma_wait3A_246 = arith.constant 0 : i32
            %dma_wait3A_247 = tpu.memref_slice %arg2[%multiple_of3A_245, %dma_wait3A_246] : memref<512x1024xf32, #tpu.memory_space<hbm>> -> memref<8x1024xf32, #tpu.memory_space<hbm>>
            %dma_wait3A_248 = arith.constant 0 : i32
            %dma_wait3A_249 = tpu.memref_slice %arg2[%multiple_of3A_245, %dma_wait3A_248] : memref<512x1024xf32, #tpu.memory_space<hbm>> -> memref<8x1024xf32, #tpu.memory_space<hbm>>
            tpu.wait_dma2 semaphore(%arg24 : memref<!tpu.dma_semaphore, #tpu.memory_space<semaphore_mem>>) src(%dma_wait3A_249 : memref<8x1024xf32, #tpu.memory_space<hbm>>) dst(%arg13 : memref<8x1024xf32, #tpu.memory_space<vmem>>)
            %and3A_250 = arith.constant -8 : i32
            %and3A_251 = arith.andi %squeeze3A_220, %and3A_250 : i32
            %multiple_of3A_252 = tpu.assume_multiple %and3A_251, 8 : i32
            %dma_start3A_253 = arith.constant 0 : i32
            %dma_start3A_254 = tpu.memref_slice %arg2[%multiple_of3A_252, %dma_start3A_253] : memref<512x1024xf32, #tpu.memory_space<hbm>> -> memref<8x1024xf32, #tpu.memory_space<hbm>>
            %dma_start3A_255 = arith.constant 0 : i32
            %dma_start3A_256 = tpu.memref_slice %arg2[%multiple_of3A_252, %dma_start3A_255] : memref<512x1024xf32, #tpu.memory_space<hbm>> -> memref<8x1024xf32, #tpu.memory_space<hbm>>
            tpu.enqueue_dma source(%dma_start3A_256 : memref<8x1024xf32, #tpu.memory_space<hbm>>) target(%arg12 : memref<8x1024xf32, #tpu.memory_space<vmem>>) target_semaphore(%arg24 : memref<!tpu.dma_semaphore, #tpu.memory_space<semaphore_mem>>)
            %scan3A_257 = arith.constant 0 : i32
            %scan3A_258 = arith.constant 64 : i32
            %scan3A_259 = arith.addi %scan3A_257, %scan3A_258 : i32
            %scan3A_260 = arith.constant 1 : i32
            scf.for %scan3A_262 = %scan3A_257 to %scan3A_259 step %scan3A_260  : i32 {
              %mul3A_263 = arith.constant 16 : i32
              %mul3A_264 = arith.muli %scan3A_262, %mul3A_263 : i32
              %get3A_265 = arith.index_cast %and3A_226 : i32 to index
              %get3A_266 = arith.index_cast %mul3A_264 : i32 to index
              %get3A_267 = tpu.vector_load %arg13[%get3A_265, %get3A_266] {strides = array<i32>} : memref<8x1024xf32, #tpu.memory_space<vmem>>, vector<16xf32>,
              %mul3A_268 = vector.broadcast %squeeze3A_224 : f32 to vector<16xf32>
              %mul3A_269 = arith.mulf %get3A_267, %mul3A_268 : vector<16xf32>
              %swap3A = arith.index_cast %sub3A : i32 to index
              %swap3A_270 = arith.index_cast %mul3A_264 : i32 to index
              %swap3A_271 = tpu.vector_load %arg9[%swap3A, %swap3A_270] {strides = array<i32>} : memref<16x1024xf32, #tpu.memory_space<vmem>>, vector<16xf32>,
              tpu.vector_store %arg9[%swap3A, %swap3A_270], %mul3A_269 {strides = array<i32>} : memref<16x1024xf32, #tpu.memory_space<vmem>>, vector<16xf32>,
            }
            %scan3A_261 = arith.constant 64 : i32
          } else {
          }
          %add3A_241 = arith.constant 1 : i32
          %add3A_242 = arith.addi %while3A_206, %add3A_241 : i32
          scf.yield %add3A_242 : i32
        }
        %multiple_of3A_201 = tpu.assume_multiple %add3A_114, 8 : i32
        %dma_start3A_202 = arith.constant 0 : i32
        %dma_start3A_203 = tpu.memref_slice %arg5[%multiple_of3A_201, %dma_start3A_202] : memref<50000x1024xf32, #tpu.memory_space<hbm>> -> memref<16x1024xf32, #tpu.memory_space<hbm>>
        %dma_start3A_204 = arith.constant 0 : i32
        %dma_start3A_205 = tpu.memref_slice %arg5[%multiple_of3A_201, %dma_start3A_204] : memref<50000x1024xf32, #tpu.memory_space<hbm>> -> memref<16x1024xf32, #tpu.memory_space<hbm>>
        tpu.enqueue_dma source(%arg9 : memref<16x1024xf32, #tpu.memory_space<vmem>>) target(%dma_start3A_205 : memref<16x1024xf32, #tpu.memory_space<hbm>>) target_semaphore(%arg21 : memref<!tpu.dma_semaphore, #tpu.memory_space<semaphore_mem>>)
      } else {
      }
      %eq3A_149 = arith.constant 4 : i32
      %eq3A_150 = arith.cmpi eq, %select_n3A_128, %eq3A_149 : i32
      %convert_element_type3A_151 = arith.extui %eq3A_150 : i1 to i32
      %cond3A_152 = arith.constant 0 : i32
      %cond3A_153 = arith.cmpi ne, %convert_element_type3A_151, %cond3A_152 : i32
      scf.if %cond3A_153 {
        %ge3A = arith.constant 6 : i32
        %ge3A_196 = arith.cmpi sge, %while3A_98, %ge3A : i32
        %convert_element_type3A_197 = arith.extui %ge3A_196 : i1 to i32
        %cond3A_198 = arith.constant 0 : i32
        %cond3A_199 = arith.cmpi ne, %convert_element_type3A_197, %cond3A_198 : i32
        scf.if %cond3A_199 {
          %sub3A = arith.constant 96 : i32
          %sub3A_206 = arith.subi %add3A_114, %sub3A : i32
          %multiple_of3A_207 = tpu.assume_multiple %sub3A_206, 8 : i32
          %dma_wait3A_208 = arith.constant 0 : i32
          %dma_wait3A_209 = tpu.memref_slice %arg5[%multiple_of3A_207, %dma_wait3A_208] : memref<50000x1024xf32, #tpu.memory_space<hbm>> -> memref<16x1024xf32, #tpu.memory_space<hbm>>
          %dma_wait3A_210 = arith.constant 0 : i32
          %dma_wait3A_211 = tpu.memref_slice %arg5[%multiple_of3A_207, %dma_wait3A_210] : memref<50000x1024xf32, #tpu.memory_space<hbm>> -> memref<16x1024xf32, #tpu.memory_space<hbm>>
          tpu.wait_dma2 semaphore(%arg22 : memref<!tpu.dma_semaphore, #tpu.memory_space<semaphore_mem>>) src(%arg10 : memref<16x1024xf32, #tpu.memory_space<vmem>>) dst(%dma_wait3A_211 : memref<16x1024xf32, #tpu.memory_space<hbm>>)
          %sub3A_212 = arith.constant 96 : i32
          %sub3A_213 = arith.subi %add3A_114, %sub3A_212 : i32
          %while3A_214 = arith.subi %while3A_110, %while3A_104 : i32
          %while3A_215 = arith.addi %while3A_104, %while3A_214 : i32
          %while3A_216 = arith.constant 1 : i32
          %while3A_217 = arith.divsi %while3A_214, %while3A_216 : i32
          %while3A_218 = arith.muli %while3A_217, %while3A_216 : i32
          %while3A_219 = arith.addi %while3A_104, %while3A_218 : i32
          %while3A_220 = arith.constant 1 : i32
          scf.for %while3A_222 = %while3A_104 to %while3A_219 step %while3A_220  : i32 {
            %get3A_223 = arith.index_cast %while3A_222 : i32 to index
            %get3A_224 = tpu.vector_load %arg15[%get3A_223] {strides = array<i32>} : memref<544xi32, #tpu.memory_space<vmem>>, vector<16xi32>,
            %slice3A_225 = vector.extract_strided_slice %get3A_224 {offsets = [0], sizes = [1], strides = [1]} : vector<16xi32> to vector<1xi32>
            %squeeze3A_226 = vector.extract %slice3A_225[0] : i32 from vector<1xi32>
            %sub3A_227 = arith.subi %squeeze3A_226, %sub3A_213 : i32
            %scan3A_228 = arith.constant 0 : i32
            %scan3A_229 = arith.constant 64 : i32
            %scan3A_230 = arith.addi %scan3A_228, %scan3A_229 : i32
            %scan3A_231 = arith.constant 1 : i32
            scf.for %scan3A_233 = %scan3A_228 to %scan3A_230 step %scan3A_231  : i32 {
              %mul3A_234 = arith.constant 16 : i32
              %mul3A_235 = arith.muli %scan3A_233, %mul3A_234 : i32
              %swap3A = arith.index_cast %sub3A_227 : i32 to index
              %swap3A_236 = arith.index_cast %mul3A_235 : i32 to index
              %swap3A_237 = tpu.vector_load %arg10[%swap3A, %swap3A_236] {strides = array<i32>} : memref<16x1024xf32, #tpu.memory_space<vmem>>, vector<16xf32>,
              tpu.vector_store %arg10[%swap3A, %swap3A_236], %broadcast_in_dim3A_9 {strides = array<i32>} : memref<16x1024xf32, #tpu.memory_space<vmem>>, vector<16xf32>,
            }
            %scan3A_232 = arith.constant 64 : i32
          }
          %while3A_221 = arith.constant 1 : i32
          scf.for %while3A_222 = %while3A_219 to %while3A_215 step %while3A_221  : i32 {
            %get3A_223 = arith.index_cast %while3A_222 : i32 to index
            %get3A_224 = tpu.vector_load %arg15[%get3A_223] {strides = array<i32>} : memref<544xi32, #tpu.memory_space<vmem>>, vector<16xi32>,
            %slice3A_225 = vector.extract_strided_slice %get3A_224 {offsets = [0], sizes = [1], strides = [1]} : vector<16xi32> to vector<1xi32>
            %squeeze3A_226 = vector.extract %slice3A_225[0] : i32 from vector<1xi32>
            %sub3A_227 = arith.subi %squeeze3A_226, %sub3A_213 : i32
            %scan3A_228 = arith.constant 0 : i32
            %scan3A_229 = arith.constant 64 : i32
            %scan3A_230 = arith.addi %scan3A_228, %scan3A_229 : i32
            %scan3A_231 = arith.constant 1 : i32
            scf.for %scan3A_233 = %scan3A_228 to %scan3A_230 step %scan3A_231  : i32 {
              %mul3A_234 = arith.constant 16 : i32
              %mul3A_235 = arith.muli %scan3A_233, %mul3A_234 : i32
              %swap3A = arith.index_cast %sub3A_227 : i32 to index
              %swap3A_236 = arith.index_cast %mul3A_235 : i32 to index
              %swap3A_237 = tpu.vector_load %arg10[%swap3A, %swap3A_236] {strides = array<i32>} : memref<16x1024xf32, #tpu.memory_space<vmem>>, vector<16xf32>,
              tpu.vector_store %arg10[%swap3A, %swap3A_236], %broadcast_in_dim3A_9 {strides = array<i32>} : memref<16x1024xf32, #tpu.memory_space<vmem>>, vector<16xf32>,
            }
            %scan3A_232 = arith.constant 64 : i32
          }
        } else {
        }
        %while3A_200 = scf.while (%while3A_206 = %while3A_99) : (i32) -> i32 {
          %get3A_207 = arith.index_cast %while3A_206 : i32 to index
          %get3A_208 = tpu.vector_load %arg15[%get3A_207] {strides = array<i32>} : memref<544xi32, #tpu.memory_space<vmem>>, vector<16xi32>,
          %slice3A_209 = vector.extract_strided_slice %get3A_208 {offsets = [0], sizes = [1], strides = [1]} : vector<16xi32> to vector<1xi32>
          %squeeze3A_210 = vector.extract %slice3A_209[0] : i32 from vector<1xi32>
          %add3A_211 = arith.constant 16 : i32
          %add3A_212 = arith.addi %add3A_114, %add3A_211 : i32
          %lt3A_213 = arith.cmpi slt, %squeeze3A_210, %add3A_212 : i32
          scf.condition(%lt3A_213) %while3A_206 : i32
        } do {
        ^bb0(%while3A_206: i32):
          %get3A_207 = arith.index_cast %while3A_206 : i32 to index
          %get3A_208 = tpu.vector_load %arg15[%get3A_207] {strides = array<i32>} : memref<544xi32, #tpu.memory_space<vmem>>, vector<16xi32>,
          %slice3A_209 = vector.extract_strided_slice %get3A_208 {offsets = [0], sizes = [1], strides = [1]} : vector<16xi32> to vector<1xi32>
          %squeeze3A_210 = vector.extract %slice3A_209[0] : i32 from vector<1xi32>
          %get3A_211 = arith.index_cast %while3A_206 : i32 to index
          %get3A_212 = tpu.vector_load %arg16[%get3A_211] {strides = array<i32>} : memref<544xi32, #tpu.memory_space<vmem>>, vector<16xi32>,
          %slice3A_213 = vector.extract_strided_slice %get3A_212 {offsets = [0], sizes = [1], strides = [1]} : vector<16xi32> to vector<1xi32>
          %squeeze3A_214 = vector.extract %slice3A_213[0] : i32 from vector<1xi32>
          %add3A_215 = arith.constant 1 : i32
          %add3A_216 = arith.addi %while3A_206, %add3A_215 : i32
          %get3A_217 = arith.index_cast %add3A_216 : i32 to index
          %get3A_218 = tpu.vector_load %arg16[%get3A_217] {strides = array<i32>} : memref<544xi32, #tpu.memory_space<vmem>>, vector<16xi32>,
          %slice3A_219 = vector.extract_strided_slice %get3A_218 {offsets = [0], sizes = [1], strides = [1]} : vector<16xi32> to vector<1xi32>
          %squeeze3A_220 = vector.extract %slice3A_219[0] : i32 from vector<1xi32>
          %get3A_221 = arith.index_cast %squeeze3A_214 : i32 to index
          %get3A_222 = tpu.vector_load %arg17[%get3A_221] {strides = array<i32>} : memref<528xf32, #tpu.memory_space<vmem>>, vector<16xf32>,
          %slice3A_223 = vector.extract_strided_slice %get3A_222 {offsets = [0], sizes = [1], strides = [1]} : vector<16xf32> to vector<1xf32>
          %squeeze3A_224 = vector.extract %slice3A_223[0] : f32 from vector<1xf32>
          %sub3A = arith.subi %squeeze3A_210, %add3A_114 : i32
          %and3A_225 = arith.constant 7 : i32
          %and3A_226 = arith.andi %squeeze3A_214, %and3A_225 : i32
          %and3A_227 = arith.constant 1 : i32
          %and3A_228 = arith.andi %while3A_206, %and3A_227 : i32
          %eq3A_229 = arith.constant 0 : i32
          %eq3A_230 = arith.cmpi eq, %and3A_228, %eq3A_229 : i32
          %convert_element_type3A_231 = arith.extui %eq3A_230 : i1 to i32
          %cond3A_232 = arith.constant 0 : i32
          %cond3A_233 = arith.cmpi ne, %convert_element_type3A_231, %cond3A_232 : i32
          scf.if %cond3A_233 {
            %and3A_243 = arith.constant -8 : i32
            %and3A_244 = arith.andi %squeeze3A_214, %and3A_243 : i32
            %multiple_of3A_245 = tpu.assume_multiple %and3A_244, 8 : i32
            %dma_wait3A_246 = arith.constant 0 : i32
            %dma_wait3A_247 = tpu.memref_slice %arg2[%multiple_of3A_245, %dma_wait3A_246] : memref<512x1024xf32, #tpu.memory_space<hbm>> -> memref<8x1024xf32, #tpu.memory_space<hbm>>
            %dma_wait3A_248 = arith.constant 0 : i32
            %dma_wait3A_249 = tpu.memref_slice %arg2[%multiple_of3A_245, %dma_wait3A_248] : memref<512x1024xf32, #tpu.memory_space<hbm>> -> memref<8x1024xf32, #tpu.memory_space<hbm>>
            tpu.wait_dma2 semaphore(%arg24 : memref<!tpu.dma_semaphore, #tpu.memory_space<semaphore_mem>>) src(%dma_wait3A_249 : memref<8x1024xf32, #tpu.memory_space<hbm>>) dst(%arg12 : memref<8x1024xf32, #tpu.memory_space<vmem>>)
            %and3A_250 = arith.constant -8 : i32
            %and3A_251 = arith.andi %squeeze3A_220, %and3A_250 : i32
            %multiple_of3A_252 = tpu.assume_multiple %and3A_251, 8 : i32
            %dma_start3A_253 = arith.constant 0 : i32
            %dma_start3A_254 = tpu.memref_slice %arg2[%multiple_of3A_252, %dma_start3A_253] : memref<512x1024xf32, #tpu.memory_space<hbm>> -> memref<8x1024xf32, #tpu.memory_space<hbm>>
            %dma_start3A_255 = arith.constant 0 : i32
            %dma_start3A_256 = tpu.memref_slice %arg2[%multiple_of3A_252, %dma_start3A_255] : memref<512x1024xf32, #tpu.memory_space<hbm>> -> memref<8x1024xf32, #tpu.memory_space<hbm>>
            tpu.enqueue_dma source(%dma_start3A_256 : memref<8x1024xf32, #tpu.memory_space<hbm>>) target(%arg13 : memref<8x1024xf32, #tpu.memory_space<vmem>>) target_semaphore(%arg24 : memref<!tpu.dma_semaphore, #tpu.memory_space<semaphore_mem>>)
            %scan3A_257 = arith.constant 0 : i32
            %scan3A_258 = arith.constant 64 : i32
            %scan3A_259 = arith.addi %scan3A_257, %scan3A_258 : i32
            %scan3A_260 = arith.constant 1 : i32
            scf.for %scan3A_262 = %scan3A_257 to %scan3A_259 step %scan3A_260  : i32 {
              %mul3A_263 = arith.constant 16 : i32
              %mul3A_264 = arith.muli %scan3A_262, %mul3A_263 : i32
              %get3A_265 = arith.index_cast %and3A_226 : i32 to index
              %get3A_266 = arith.index_cast %mul3A_264 : i32 to index
              %get3A_267 = tpu.vector_load %arg12[%get3A_265, %get3A_266] {strides = array<i32>} : memref<8x1024xf32, #tpu.memory_space<vmem>>, vector<16xf32>,
              %mul3A_268 = vector.broadcast %squeeze3A_224 : f32 to vector<16xf32>
              %mul3A_269 = arith.mulf %get3A_267, %mul3A_268 : vector<16xf32>
              %swap3A = arith.index_cast %sub3A : i32 to index
              %swap3A_270 = arith.index_cast %mul3A_264 : i32 to index
              %swap3A_271 = tpu.vector_load %arg10[%swap3A, %swap3A_270] {strides = array<i32>} : memref<16x1024xf32, #tpu.memory_space<vmem>>, vector<16xf32>,
              tpu.vector_store %arg10[%swap3A, %swap3A_270], %mul3A_269 {strides = array<i32>} : memref<16x1024xf32, #tpu.memory_space<vmem>>, vector<16xf32>,
            }
            %scan3A_261 = arith.constant 64 : i32
          } else {
          }
          %and3A_234 = arith.constant 1 : i32
          %and3A_235 = arith.andi %while3A_206, %and3A_234 : i32
          %eq3A_236 = arith.constant 1 : i32
          %eq3A_237 = arith.cmpi eq, %and3A_235, %eq3A_236 : i32
          %convert_element_type3A_238 = arith.extui %eq3A_237 : i1 to i32
          %cond3A_239 = arith.constant 0 : i32
          %cond3A_240 = arith.cmpi ne, %convert_element_type3A_238, %cond3A_239 : i32
          scf.if %cond3A_240 {
            %and3A_243 = arith.constant -8 : i32
            %and3A_244 = arith.andi %squeeze3A_214, %and3A_243 : i32
            %multiple_of3A_245 = tpu.assume_multiple %and3A_244, 8 : i32
            %dma_wait3A_246 = arith.constant 0 : i32
            %dma_wait3A_247 = tpu.memref_slice %arg2[%multiple_of3A_245, %dma_wait3A_246] : memref<512x1024xf32, #tpu.memory_space<hbm>> -> memref<8x1024xf32, #tpu.memory_space<hbm>>
            %dma_wait3A_248 = arith.constant 0 : i32
            %dma_wait3A_249 = tpu.memref_slice %arg2[%multiple_of3A_245, %dma_wait3A_248] : memref<512x1024xf32, #tpu.memory_space<hbm>> -> memref<8x1024xf32, #tpu.memory_space<hbm>>
            tpu.wait_dma2 semaphore(%arg24 : memref<!tpu.dma_semaphore, #tpu.memory_space<semaphore_mem>>) src(%dma_wait3A_249 : memref<8x1024xf32, #tpu.memory_space<hbm>>) dst(%arg13 : memref<8x1024xf32, #tpu.memory_space<vmem>>)
            %and3A_250 = arith.constant -8 : i32
            %and3A_251 = arith.andi %squeeze3A_220, %and3A_250 : i32
            %multiple_of3A_252 = tpu.assume_multiple %and3A_251, 8 : i32
            %dma_start3A_253 = arith.constant 0 : i32
            %dma_start3A_254 = tpu.memref_slice %arg2[%multiple_of3A_252, %dma_start3A_253] : memref<512x1024xf32, #tpu.memory_space<hbm>> -> memref<8x1024xf32, #tpu.memory_space<hbm>>
            %dma_start3A_255 = arith.constant 0 : i32
            %dma_start3A_256 = tpu.memref_slice %arg2[%multiple_of3A_252, %dma_start3A_255] : memref<512x1024xf32, #tpu.memory_space<hbm>> -> memref<8x1024xf32, #tpu.memory_space<hbm>>
            tpu.enqueue_dma source(%dma_start3A_256 : memref<8x1024xf32, #tpu.memory_space<hbm>>) target(%arg12 : memref<8x1024xf32, #tpu.memory_space<vmem>>) target_semaphore(%arg24 : memref<!tpu.dma_semaphore, #tpu.memory_space<semaphore_mem>>)
            %scan3A_257 = arith.constant 0 : i32
            %scan3A_258 = arith.constant 64 : i32
            %scan3A_259 = arith.addi %scan3A_257, %scan3A_258 : i32
            %scan3A_260 = arith.constant 1 : i32
            scf.for %scan3A_262 = %scan3A_257 to %scan3A_259 step %scan3A_260  : i32 {
              %mul3A_263 = arith.constant 16 : i32
              %mul3A_264 = arith.muli %scan3A_262, %mul3A_263 : i32
              %get3A_265 = arith.index_cast %and3A_226 : i32 to index
              %get3A_266 = arith.index_cast %mul3A_264 : i32 to index
              %get3A_267 = tpu.vector_load %arg13[%get3A_265, %get3A_266] {strides = array<i32>} : memref<8x1024xf32, #tpu.memory_space<vmem>>, vector<16xf32>,
              %mul3A_268 = vector.broadcast %squeeze3A_224 : f32 to vector<16xf32>
              %mul3A_269 = arith.mulf %get3A_267, %mul3A_268 : vector<16xf32>
              %swap3A = arith.index_cast %sub3A : i32 to index
              %swap3A_270 = arith.index_cast %mul3A_264 : i32 to index
              %swap3A_271 = tpu.vector_load %arg10[%swap3A, %swap3A_270] {strides = array<i32>} : memref<16x1024xf32, #tpu.memory_space<vmem>>, vector<16xf32>,
              tpu.vector_store %arg10[%swap3A, %swap3A_270], %mul3A_269 {strides = array<i32>} : memref<16x1024xf32, #tpu.memory_space<vmem>>, vector<16xf32>,
            }
            %scan3A_261 = arith.constant 64 : i32
          } else {
          }
          %add3A_241 = arith.constant 1 : i32
          %add3A_242 = arith.addi %while3A_206, %add3A_241 : i32
          scf.yield %add3A_242 : i32
        }
        %multiple_of3A_201 = tpu.assume_multiple %add3A_114, 8 : i32
        %dma_start3A_202 = arith.constant 0 : i32
        %dma_start3A_203 = tpu.memref_slice %arg5[%multiple_of3A_201, %dma_start3A_202] : memref<50000x1024xf32, #tpu.memory_space<hbm>> -> memref<16x1024xf32, #tpu.memory_space<hbm>>
        %dma_start3A_204 = arith.constant 0 : i32
        %dma_start3A_205 = tpu.memref_slice %arg5[%multiple_of3A_201, %dma_start3A_204] : memref<50000x1024xf32, #tpu.memory_space<hbm>> -> memref<16x1024xf32, #tpu.memory_space<hbm>>
        tpu.enqueue_dma source(%arg10 : memref<16x1024xf32, #tpu.memory_space<vmem>>) target(%dma_start3A_205 : memref<16x1024xf32, #tpu.memory_space<hbm>>) target_semaphore(%arg22 : memref<!tpu.dma_semaphore, #tpu.memory_space<semaphore_mem>>)
      } else {
      }
      %eq3A_154 = arith.constant 5 : i32
      %eq3A_155 = arith.cmpi eq, %select_n3A_128, %eq3A_154 : i32
      %convert_element_type3A_156 = arith.extui %eq3A_155 : i1 to i32
      %cond3A_157 = arith.constant 0 : i32
      %cond3A_158 = arith.cmpi ne, %convert_element_type3A_156, %cond3A_157 : i32
      scf.if %cond3A_158 {
        %ge3A = arith.constant 6 : i32
        %ge3A_196 = arith.cmpi sge, %while3A_98, %ge3A : i32
        %convert_element_type3A_197 = arith.extui %ge3A_196 : i1 to i32
        %cond3A_198 = arith.constant 0 : i32
        %cond3A_199 = arith.cmpi ne, %convert_element_type3A_197, %cond3A_198 : i32
        scf.if %cond3A_199 {
          %sub3A = arith.constant 96 : i32
          %sub3A_206 = arith.subi %add3A_114, %sub3A : i32
          %multiple_of3A_207 = tpu.assume_multiple %sub3A_206, 8 : i32
          %dma_wait3A_208 = arith.constant 0 : i32
          %dma_wait3A_209 = tpu.memref_slice %arg5[%multiple_of3A_207, %dma_wait3A_208] : memref<50000x1024xf32, #tpu.memory_space<hbm>> -> memref<16x1024xf32, #tpu.memory_space<hbm>>
          %dma_wait3A_210 = arith.constant 0 : i32
          %dma_wait3A_211 = tpu.memref_slice %arg5[%multiple_of3A_207, %dma_wait3A_210] : memref<50000x1024xf32, #tpu.memory_space<hbm>> -> memref<16x1024xf32, #tpu.memory_space<hbm>>
          tpu.wait_dma2 semaphore(%arg23 : memref<!tpu.dma_semaphore, #tpu.memory_space<semaphore_mem>>) src(%arg11 : memref<16x1024xf32, #tpu.memory_space<vmem>>) dst(%dma_wait3A_211 : memref<16x1024xf32, #tpu.memory_space<hbm>>)
          %sub3A_212 = arith.constant 96 : i32
          %sub3A_213 = arith.subi %add3A_114, %sub3A_212 : i32
          %while3A_214 = arith.subi %while3A_111, %while3A_105 : i32
          %while3A_215 = arith.addi %while3A_105, %while3A_214 : i32
          %while3A_216 = arith.constant 1 : i32
          %while3A_217 = arith.divsi %while3A_214, %while3A_216 : i32
          %while3A_218 = arith.muli %while3A_217, %while3A_216 : i32
          %while3A_219 = arith.addi %while3A_105, %while3A_218 : i32
          %while3A_220 = arith.constant 1 : i32
          scf.for %while3A_222 = %while3A_105 to %while3A_219 step %while3A_220  : i32 {
            %get3A_223 = arith.index_cast %while3A_222 : i32 to index
            %get3A_224 = tpu.vector_load %arg15[%get3A_223] {strides = array<i32>} : memref<544xi32, #tpu.memory_space<vmem>>, vector<16xi32>,
            %slice3A_225 = vector.extract_strided_slice %get3A_224 {offsets = [0], sizes = [1], strides = [1]} : vector<16xi32> to vector<1xi32>
            %squeeze3A_226 = vector.extract %slice3A_225[0] : i32 from vector<1xi32>
            %sub3A_227 = arith.subi %squeeze3A_226, %sub3A_213 : i32
            %scan3A_228 = arith.constant 0 : i32
            %scan3A_229 = arith.constant 64 : i32
            %scan3A_230 = arith.addi %scan3A_228, %scan3A_229 : i32
            %scan3A_231 = arith.constant 1 : i32
            scf.for %scan3A_233 = %scan3A_228 to %scan3A_230 step %scan3A_231  : i32 {
              %mul3A_234 = arith.constant 16 : i32
              %mul3A_235 = arith.muli %scan3A_233, %mul3A_234 : i32
              %swap3A = arith.index_cast %sub3A_227 : i32 to index
              %swap3A_236 = arith.index_cast %mul3A_235 : i32 to index
              %swap3A_237 = tpu.vector_load %arg11[%swap3A, %swap3A_236] {strides = array<i32>} : memref<16x1024xf32, #tpu.memory_space<vmem>>, vector<16xf32>,
              tpu.vector_store %arg11[%swap3A, %swap3A_236], %broadcast_in_dim3A_9 {strides = array<i32>} : memref<16x1024xf32, #tpu.memory_space<vmem>>, vector<16xf32>,
            }
            %scan3A_232 = arith.constant 64 : i32
          }
          %while3A_221 = arith.constant 1 : i32
          scf.for %while3A_222 = %while3A_219 to %while3A_215 step %while3A_221  : i32 {
            %get3A_223 = arith.index_cast %while3A_222 : i32 to index
            %get3A_224 = tpu.vector_load %arg15[%get3A_223] {strides = array<i32>} : memref<544xi32, #tpu.memory_space<vmem>>, vector<16xi32>,
            %slice3A_225 = vector.extract_strided_slice %get3A_224 {offsets = [0], sizes = [1], strides = [1]} : vector<16xi32> to vector<1xi32>
            %squeeze3A_226 = vector.extract %slice3A_225[0] : i32 from vector<1xi32>
            %sub3A_227 = arith.subi %squeeze3A_226, %sub3A_213 : i32
            %scan3A_228 = arith.constant 0 : i32
            %scan3A_229 = arith.constant 64 : i32
            %scan3A_230 = arith.addi %scan3A_228, %scan3A_229 : i32
            %scan3A_231 = arith.constant 1 : i32
            scf.for %scan3A_233 = %scan3A_228 to %scan3A_230 step %scan3A_231  : i32 {
              %mul3A_234 = arith.constant 16 : i32
              %mul3A_235 = arith.muli %scan3A_233, %mul3A_234 : i32
              %swap3A = arith.index_cast %sub3A_227 : i32 to index
              %swap3A_236 = arith.index_cast %mul3A_235 : i32 to index
              %swap3A_237 = tpu.vector_load %arg11[%swap3A, %swap3A_236] {strides = array<i32>} : memref<16x1024xf32, #tpu.memory_space<vmem>>, vector<16xf32>,
              tpu.vector_store %arg11[%swap3A, %swap3A_236], %broadcast_in_dim3A_9 {strides = array<i32>} : memref<16x1024xf32, #tpu.memory_space<vmem>>, vector<16xf32>,
            }
            %scan3A_232 = arith.constant 64 : i32
          }
        } else {
        }
        %while3A_200 = scf.while (%while3A_206 = %while3A_99) : (i32) -> i32 {
          %get3A_207 = arith.index_cast %while3A_206 : i32 to index
          %get3A_208 = tpu.vector_load %arg15[%get3A_207] {strides = array<i32>} : memref<544xi32, #tpu.memory_space<vmem>>, vector<16xi32>,
          %slice3A_209 = vector.extract_strided_slice %get3A_208 {offsets = [0], sizes = [1], strides = [1]} : vector<16xi32> to vector<1xi32>
          %squeeze3A_210 = vector.extract %slice3A_209[0] : i32 from vector<1xi32>
          %add3A_211 = arith.constant 16 : i32
          %add3A_212 = arith.addi %add3A_114, %add3A_211 : i32
          %lt3A_213 = arith.cmpi slt, %squeeze3A_210, %add3A_212 : i32
          scf.condition(%lt3A_213) %while3A_206 : i32
        } do {
        ^bb0(%while3A_206: i32):
          %get3A_207 = arith.index_cast %while3A_206 : i32 to index
          %get3A_208 = tpu.vector_load %arg15[%get3A_207] {strides = array<i32>} : memref<544xi32, #tpu.memory_space<vmem>>, vector<16xi32>,
          %slice3A_209 = vector.extract_strided_slice %get3A_208 {offsets = [0], sizes = [1], strides = [1]} : vector<16xi32> to vector<1xi32>
          %squeeze3A_210 = vector.extract %slice3A_209[0] : i32 from vector<1xi32>
          %get3A_211 = arith.index_cast %while3A_206 : i32 to index
          %get3A_212 = tpu.vector_load %arg16[%get3A_211] {strides = array<i32>} : memref<544xi32, #tpu.memory_space<vmem>>, vector<16xi32>,
          %slice3A_213 = vector.extract_strided_slice %get3A_212 {offsets = [0], sizes = [1], strides = [1]} : vector<16xi32> to vector<1xi32>
          %squeeze3A_214 = vector.extract %slice3A_213[0] : i32 from vector<1xi32>
          %add3A_215 = arith.constant 1 : i32
          %add3A_216 = arith.addi %while3A_206, %add3A_215 : i32
          %get3A_217 = arith.index_cast %add3A_216 : i32 to index
          %get3A_218 = tpu.vector_load %arg16[%get3A_217] {strides = array<i32>} : memref<544xi32, #tpu.memory_space<vmem>>, vector<16xi32>,
          %slice3A_219 = vector.extract_strided_slice %get3A_218 {offsets = [0], sizes = [1], strides = [1]} : vector<16xi32> to vector<1xi32>
          %squeeze3A_220 = vector.extract %slice3A_219[0] : i32 from vector<1xi32>
          %get3A_221 = arith.index_cast %squeeze3A_214 : i32 to index
          %get3A_222 = tpu.vector_load %arg17[%get3A_221] {strides = array<i32>} : memref<528xf32, #tpu.memory_space<vmem>>, vector<16xf32>,
          %slice3A_223 = vector.extract_strided_slice %get3A_222 {offsets = [0], sizes = [1], strides = [1]} : vector<16xf32> to vector<1xf32>
          %squeeze3A_224 = vector.extract %slice3A_223[0] : f32 from vector<1xf32>
          %sub3A = arith.subi %squeeze3A_210, %add3A_114 : i32
          %and3A_225 = arith.constant 7 : i32
          %and3A_226 = arith.andi %squeeze3A_214, %and3A_225 : i32
          %and3A_227 = arith.constant 1 : i32
          %and3A_228 = arith.andi %while3A_206, %and3A_227 : i32
          %eq3A_229 = arith.constant 0 : i32
          %eq3A_230 = arith.cmpi eq, %and3A_228, %eq3A_229 : i32
          %convert_element_type3A_231 = arith.extui %eq3A_230 : i1 to i32
          %cond3A_232 = arith.constant 0 : i32
          %cond3A_233 = arith.cmpi ne, %convert_element_type3A_231, %cond3A_232 : i32
          scf.if %cond3A_233 {
            %and3A_243 = arith.constant -8 : i32
            %and3A_244 = arith.andi %squeeze3A_214, %and3A_243 : i32
            %multiple_of3A_245 = tpu.assume_multiple %and3A_244, 8 : i32
            %dma_wait3A_246 = arith.constant 0 : i32
            %dma_wait3A_247 = tpu.memref_slice %arg2[%multiple_of3A_245, %dma_wait3A_246] : memref<512x1024xf32, #tpu.memory_space<hbm>> -> memref<8x1024xf32, #tpu.memory_space<hbm>>
            %dma_wait3A_248 = arith.constant 0 : i32
            %dma_wait3A_249 = tpu.memref_slice %arg2[%multiple_of3A_245, %dma_wait3A_248] : memref<512x1024xf32, #tpu.memory_space<hbm>> -> memref<8x1024xf32, #tpu.memory_space<hbm>>
            tpu.wait_dma2 semaphore(%arg24 : memref<!tpu.dma_semaphore, #tpu.memory_space<semaphore_mem>>) src(%dma_wait3A_249 : memref<8x1024xf32, #tpu.memory_space<hbm>>) dst(%arg12 : memref<8x1024xf32, #tpu.memory_space<vmem>>)
            %and3A_250 = arith.constant -8 : i32
            %and3A_251 = arith.andi %squeeze3A_220, %and3A_250 : i32
            %multiple_of3A_252 = tpu.assume_multiple %and3A_251, 8 : i32
            %dma_start3A_253 = arith.constant 0 : i32
            %dma_start3A_254 = tpu.memref_slice %arg2[%multiple_of3A_252, %dma_start3A_253] : memref<512x1024xf32, #tpu.memory_space<hbm>> -> memref<8x1024xf32, #tpu.memory_space<hbm>>
            %dma_start3A_255 = arith.constant 0 : i32
            %dma_start3A_256 = tpu.memref_slice %arg2[%multiple_of3A_252, %dma_start3A_255] : memref<512x1024xf32, #tpu.memory_space<hbm>> -> memref<8x1024xf32, #tpu.memory_space<hbm>>
            tpu.enqueue_dma source(%dma_start3A_256 : memref<8x1024xf32, #tpu.memory_space<hbm>>) target(%arg13 : memref<8x1024xf32, #tpu.memory_space<vmem>>) target_semaphore(%arg24 : memref<!tpu.dma_semaphore, #tpu.memory_space<semaphore_mem>>)
            %scan3A_257 = arith.constant 0 : i32
            %scan3A_258 = arith.constant 64 : i32
            %scan3A_259 = arith.addi %scan3A_257, %scan3A_258 : i32
            %scan3A_260 = arith.constant 1 : i32
            scf.for %scan3A_262 = %scan3A_257 to %scan3A_259 step %scan3A_260  : i32 {
              %mul3A_263 = arith.constant 16 : i32
              %mul3A_264 = arith.muli %scan3A_262, %mul3A_263 : i32
              %get3A_265 = arith.index_cast %and3A_226 : i32 to index
              %get3A_266 = arith.index_cast %mul3A_264 : i32 to index
              %get3A_267 = tpu.vector_load %arg12[%get3A_265, %get3A_266] {strides = array<i32>} : memref<8x1024xf32, #tpu.memory_space<vmem>>, vector<16xf32>,
              %mul3A_268 = vector.broadcast %squeeze3A_224 : f32 to vector<16xf32>
              %mul3A_269 = arith.mulf %get3A_267, %mul3A_268 : vector<16xf32>
              %swap3A = arith.index_cast %sub3A : i32 to index
              %swap3A_270 = arith.index_cast %mul3A_264 : i32 to index
              %swap3A_271 = tpu.vector_load %arg11[%swap3A, %swap3A_270] {strides = array<i32>} : memref<16x1024xf32, #tpu.memory_space<vmem>>, vector<16xf32>,
              tpu.vector_store %arg11[%swap3A, %swap3A_270], %mul3A_269 {strides = array<i32>} : memref<16x1024xf32, #tpu.memory_space<vmem>>, vector<16xf32>,
            }
            %scan3A_261 = arith.constant 64 : i32
          } else {
          }
          %and3A_234 = arith.constant 1 : i32
          %and3A_235 = arith.andi %while3A_206, %and3A_234 : i32
          %eq3A_236 = arith.constant 1 : i32
          %eq3A_237 = arith.cmpi eq, %and3A_235, %eq3A_236 : i32
          %convert_element_type3A_238 = arith.extui %eq3A_237 : i1 to i32
          %cond3A_239 = arith.constant 0 : i32
          %cond3A_240 = arith.cmpi ne, %convert_element_type3A_238, %cond3A_239 : i32
          scf.if %cond3A_240 {
            %and3A_243 = arith.constant -8 : i32
            %and3A_244 = arith.andi %squeeze3A_214, %and3A_243 : i32
            %multiple_of3A_245 = tpu.assume_multiple %and3A_244, 8 : i32
            %dma_wait3A_246 = arith.constant 0 : i32
            %dma_wait3A_247 = tpu.memref_slice %arg2[%multiple_of3A_245, %dma_wait3A_246] : memref<512x1024xf32, #tpu.memory_space<hbm>> -> memref<8x1024xf32, #tpu.memory_space<hbm>>
            %dma_wait3A_248 = arith.constant 0 : i32
            %dma_wait3A_249 = tpu.memref_slice %arg2[%multiple_of3A_245, %dma_wait3A_248] : memref<512x1024xf32, #tpu.memory_space<hbm>> -> memref<8x1024xf32, #tpu.memory_space<hbm>>
            tpu.wait_dma2 semaphore(%arg24 : memref<!tpu.dma_semaphore, #tpu.memory_space<semaphore_mem>>) src(%dma_wait3A_249 : memref<8x1024xf32, #tpu.memory_space<hbm>>) dst(%arg13 : memref<8x1024xf32, #tpu.memory_space<vmem>>)
            %and3A_250 = arith.constant -8 : i32
            %and3A_251 = arith.andi %squeeze3A_220, %and3A_250 : i32
            %multiple_of3A_252 = tpu.assume_multiple %and3A_251, 8 : i32
            %dma_start3A_253 = arith.constant 0 : i32
            %dma_start3A_254 = tpu.memref_slice %arg2[%multiple_of3A_252, %dma_start3A_253] : memref<512x1024xf32, #tpu.memory_space<hbm>> -> memref<8x1024xf32, #tpu.memory_space<hbm>>
            %dma_start3A_255 = arith.constant 0 : i32
            %dma_start3A_256 = tpu.memref_slice %arg2[%multiple_of3A_252, %dma_start3A_255] : memref<512x1024xf32, #tpu.memory_space<hbm>> -> memref<8x1024xf32, #tpu.memory_space<hbm>>
            tpu.enqueue_dma source(%dma_start3A_256 : memref<8x1024xf32, #tpu.memory_space<hbm>>) target(%arg12 : memref<8x1024xf32, #tpu.memory_space<vmem>>) target_semaphore(%arg24 : memref<!tpu.dma_semaphore, #tpu.memory_space<semaphore_mem>>)
            %scan3A_257 = arith.constant 0 : i32
            %scan3A_258 = arith.constant 64 : i32
            %scan3A_259 = arith.addi %scan3A_257, %scan3A_258 : i32
            %scan3A_260 = arith.constant 1 : i32
            scf.for %scan3A_262 = %scan3A_257 to %scan3A_259 step %scan3A_260  : i32 {
              %mul3A_263 = arith.constant 16 : i32
              %mul3A_264 = arith.muli %scan3A_262, %mul3A_263 : i32
              %get3A_265 = arith.index_cast %and3A_226 : i32 to index
              %get3A_266 = arith.index_cast %mul3A_264 : i32 to index
              %get3A_267 = tpu.vector_load %arg13[%get3A_265, %get3A_266] {strides = array<i32>} : memref<8x1024xf32, #tpu.memory_space<vmem>>, vector<16xf32>,
              %mul3A_268 = vector.broadcast %squeeze3A_224 : f32 to vector<16xf32>
              %mul3A_269 = arith.mulf %get3A_267, %mul3A_268 : vector<16xf32>
              %swap3A = arith.index_cast %sub3A : i32 to index
              %swap3A_270 = arith.index_cast %mul3A_264 : i32 to index
              %swap3A_271 = tpu.vector_load %arg11[%swap3A, %swap3A_270] {strides = array<i32>} : memref<16x1024xf32, #tpu.memory_space<vmem>>, vector<16xf32>,
              tpu.vector_store %arg11[%swap3A, %swap3A_270], %mul3A_269 {strides = array<i32>} : memref<16x1024xf32, #tpu.memory_space<vmem>>, vector<16xf32>,
            }
            %scan3A_261 = arith.constant 64 : i32
          } else {
          }
          %add3A_241 = arith.constant 1 : i32
          %add3A_242 = arith.addi %while3A_206, %add3A_241 : i32
          scf.yield %add3A_242 : i32
        }
        %multiple_of3A_201 = tpu.assume_multiple %add3A_114, 8 : i32
        %dma_start3A_202 = arith.constant 0 : i32
        %dma_start3A_203 = tpu.memref_slice %arg5[%multiple_of3A_201, %dma_start3A_202] : memref<50000x1024xf32, #tpu.memory_space<hbm>> -> memref<16x1024xf32, #tpu.memory_space<hbm>>
        %dma_start3A_204 = arith.constant 0 : i32
        %dma_start3A_205 = tpu.memref_slice %arg5[%multiple_of3A_201, %dma_start3A_204] : memref<50000x1024xf32, #tpu.memory_space<hbm>> -> memref<16x1024xf32, #tpu.memory_space<hbm>>
        tpu.enqueue_dma source(%arg11 : memref<16x1024xf32, #tpu.memory_space<vmem>>) target(%dma_start3A_205 : memref<16x1024xf32, #tpu.memory_space<hbm>>) target_semaphore(%arg23 : memref<!tpu.dma_semaphore, #tpu.memory_space<semaphore_mem>>)
      } else {
      }
      %while3A_159 = scf.while (%while3A_196 = %while3A_99) : (i32) -> i32 {
        %get3A_197 = arith.index_cast %while3A_196 : i32 to index
        %get3A_198 = tpu.vector_load %arg15[%get3A_197] {strides = array<i32>} : memref<544xi32, #tpu.memory_space<vmem>>, vector<16xi32>,
        %slice3A_199 = vector.extract_strided_slice %get3A_198 {offsets = [0], sizes = [1], strides = [1]} : vector<16xi32> to vector<1xi32>
        %squeeze3A_200 = vector.extract %slice3A_199[0] : i32 from vector<1xi32>
        %add3A_201 = arith.constant 16 : i32
        %add3A_202 = arith.addi %add3A_114, %add3A_201 : i32
        %lt3A_203 = arith.cmpi slt, %squeeze3A_200, %add3A_202 : i32
        scf.condition(%lt3A_203) %while3A_196 : i32
      } do {
      ^bb0(%while3A_196: i32):
        %add3A_197 = arith.constant 1 : i32
        %add3A_198 = arith.addi %while3A_196, %add3A_197 : i32
        scf.yield %add3A_198 : i32
      }
      %eq3A_160 = arith.constant 0 : i32
      %eq3A_161 = arith.cmpi eq, %select_n3A_128, %eq3A_160 : i32
      %select_n3A_162 = arith.select %eq3A_161, %while3A_99, %while3A_100 : i32
      %eq3A_163 = arith.constant 1 : i32
      %eq3A_164 = arith.cmpi eq, %select_n3A_128, %eq3A_163 : i32
      %select_n3A_165 = arith.select %eq3A_164, %while3A_99, %while3A_101 : i32
      %eq3A_166 = arith.constant 2 : i32
      %eq3A_167 = arith.cmpi eq, %select_n3A_128, %eq3A_166 : i32
      %select_n3A_168 = arith.select %eq3A_167, %while3A_99, %while3A_102 : i32
      %eq3A_169 = arith.constant 3 : i32
      %eq3A_170 = arith.cmpi eq, %select_n3A_128, %eq3A_169 : i32
      %select_n3A_171 = arith.select %eq3A_170, %while3A_99, %while3A_103 : i32
      %eq3A_172 = arith.constant 4 : i32
      %eq3A_173 = arith.cmpi eq, %select_n3A_128, %eq3A_172 : i32
      %select_n3A_174 = arith.select %eq3A_173, %while3A_99, %while3A_104 : i32
      %eq3A_175 = arith.constant 5 : i32
      %eq3A_176 = arith.cmpi eq, %select_n3A_128, %eq3A_175 : i32
      %select_n3A_177 = arith.select %eq3A_176, %while3A_99, %while3A_105 : i32
      %eq3A_178 = arith.constant 0 : i32
      %eq3A_179 = arith.cmpi eq, %select_n3A_128, %eq3A_178 : i32
      %select_n3A_180 = arith.select %eq3A_179, %while3A_159, %while3A_106 : i32
      %eq3A_181 = arith.constant 1 : i32
      %eq3A_182 = arith.cmpi eq, %select_n3A_128, %eq3A_181 : i32
      %select_n3A_183 = arith.select %eq3A_182, %while3A_159, %while3A_107 : i32
      %eq3A_184 = arith.constant 2 : i32
      %eq3A_185 = arith.cmpi eq, %select_n3A_128, %eq3A_184 : i32
      %select_n3A_186 = arith.select %eq3A_185, %while3A_159, %while3A_108 : i32
      %eq3A_187 = arith.constant 3 : i32
      %eq3A_188 = arith.cmpi eq, %select_n3A_128, %eq3A_187 : i32
      %select_n3A_189 = arith.select %eq3A_188, %while3A_159, %while3A_109 : i32
      %eq3A_190 = arith.constant 4 : i32
      %eq3A_191 = arith.cmpi eq, %select_n3A_128, %eq3A_190 : i32
      %select_n3A_192 = arith.select %eq3A_191, %while3A_159, %while3A_110 : i32
      %eq3A_193 = arith.constant 5 : i32
      %eq3A_194 = arith.cmpi eq, %select_n3A_128, %eq3A_193 : i32
      %select_n3A_195 = arith.select %eq3A_194, %while3A_159, %while3A_111 : i32
      scf.yield %while3A_159, %select_n3A_162, %select_n3A_165, %select_n3A_168, %select_n3A_171, %select_n3A_174, %select_n3A_177, %select_n3A_180, %select_n3A_183, %select_n3A_186, %select_n3A_189, %select_n3A_192, %select_n3A_195 : i32, i32, i32, i32, i32, i32, i32, i32, i32, i32, i32, i32, i32
    }
    %and3A_58 = arith.constant 1 : i32
    %and3A_59 = arith.andi %while3A_57#0, %and3A_58 : i32
    %eq3A = arith.constant 0 : i32
    %eq3A_60 = arith.cmpi eq, %and3A_59, %eq3A : i32
    %convert_element_type3A = arith.extui %eq3A_60 : i1 to i32
    %cond3A = arith.constant 0 : i32
    %cond3A_61 = arith.cmpi ne, %convert_element_type3A, %cond3A : i32
    scf.if %cond3A_61 {
      %get3A_98 = arith.index_cast %while3A_57#0 : i32 to index
      %get3A_99 = tpu.vector_load %arg16[%get3A_98] {strides = array<i32>} : memref<544xi32, #tpu.memory_space<vmem>>, vector<16xi32>,
      %slice3A_100 = vector.extract_strided_slice %get3A_99 {offsets = [0], sizes = [1], strides = [1]} : vector<16xi32> to vector<1xi32>
      %squeeze3A_101 = vector.extract %slice3A_100[0] : i32 from vector<1xi32>
      %and3A_102 = arith.constant -8 : i32
      %and3A_103 = arith.andi %squeeze3A_101, %and3A_102 : i32
      %multiple_of3A_104 = tpu.assume_multiple %and3A_103, 8 : i32
      %dma_wait3A_105 = arith.constant 0 : i32
      %dma_wait3A_106 = tpu.memref_slice %arg2[%multiple_of3A_104, %dma_wait3A_105] : memref<512x1024xf32, #tpu.memory_space<hbm>> -> memref<8x1024xf32, #tpu.memory_space<hbm>>
      %dma_wait3A_107 = arith.constant 0 : i32
      %dma_wait3A_108 = tpu.memref_slice %arg2[%multiple_of3A_104, %dma_wait3A_107] : memref<512x1024xf32, #tpu.memory_space<hbm>> -> memref<8x1024xf32, #tpu.memory_space<hbm>>
      tpu.wait_dma2 semaphore(%arg24 : memref<!tpu.dma_semaphore, #tpu.memory_space<semaphore_mem>>) src(%dma_wait3A_108 : memref<8x1024xf32, #tpu.memory_space<hbm>>) dst(%arg12 : memref<8x1024xf32, #tpu.memory_space<vmem>>)
    } else {
    }
    %and3A_62 = arith.constant 1 : i32
    %and3A_63 = arith.andi %while3A_57#0, %and3A_62 : i32
    %eq3A_64 = arith.constant 1 : i32
    %eq3A_65 = arith.cmpi eq, %and3A_63, %eq3A_64 : i32
    %convert_element_type3A_66 = arith.extui %eq3A_65 : i1 to i32
    %cond3A_67 = arith.constant 0 : i32
    %cond3A_68 = arith.cmpi ne, %convert_element_type3A_66, %cond3A_67 : i32
    scf.if %cond3A_68 {
      %get3A_98 = arith.index_cast %while3A_57#0 : i32 to index
      %get3A_99 = tpu.vector_load %arg16[%get3A_98] {strides = array<i32>} : memref<544xi32, #tpu.memory_space<vmem>>, vector<16xi32>,
      %slice3A_100 = vector.extract_strided_slice %get3A_99 {offsets = [0], sizes = [1], strides = [1]} : vector<16xi32> to vector<1xi32>
      %squeeze3A_101 = vector.extract %slice3A_100[0] : i32 from vector<1xi32>
      %and3A_102 = arith.constant -8 : i32
      %and3A_103 = arith.andi %squeeze3A_101, %and3A_102 : i32
      %multiple_of3A_104 = tpu.assume_multiple %and3A_103, 8 : i32
      %dma_wait3A_105 = arith.constant 0 : i32
      %dma_wait3A_106 = tpu.memref_slice %arg2[%multiple_of3A_104, %dma_wait3A_105] : memref<512x1024xf32, #tpu.memory_space<hbm>> -> memref<8x1024xf32, #tpu.memory_space<hbm>>
      %dma_wait3A_107 = arith.constant 0 : i32
      %dma_wait3A_108 = tpu.memref_slice %arg2[%multiple_of3A_104, %dma_wait3A_107] : memref<512x1024xf32, #tpu.memory_space<hbm>> -> memref<8x1024xf32, #tpu.memory_space<hbm>>
      tpu.wait_dma2 semaphore(%arg24 : memref<!tpu.dma_semaphore, #tpu.memory_space<semaphore_mem>>) src(%dma_wait3A_108 : memref<8x1024xf32, #tpu.memory_space<hbm>>) dst(%arg13 : memref<8x1024xf32, #tpu.memory_space<vmem>>)
    } else {
    }
    %multiple_of3A_69 = tpu.assume_multiple %mul3A_8, 8 : i32
    %dma_wait3A = arith.constant 0 : i32
    %dma_wait3A_70 = tpu.memref_slice %arg5[%multiple_of3A_69, %dma_wait3A] : memref<50000x1024xf32, #tpu.memory_space<hbm>> -> memref<16x1024xf32, #tpu.memory_space<hbm>>
    %dma_wait3A_71 = arith.constant 0 : i32
    %dma_wait3A_72 = tpu.memref_slice %arg5[%multiple_of3A_69, %dma_wait3A_71] : memref<50000x1024xf32, #tpu.memory_space<hbm>> -> memref<16x1024xf32, #tpu.memory_space<hbm>>
    tpu.wait_dma2 semaphore(%arg18 : memref<!tpu.dma_semaphore, #tpu.memory_space<semaphore_mem>>) src(%arg6 : memref<16x1024xf32, #tpu.memory_space<vmem>>) dst(%dma_wait3A_72 : memref<16x1024xf32, #tpu.memory_space<hbm>>)
    %multiple_of3A_73 = tpu.assume_multiple %mul3A_8, 8 : i32
    %dma_wait3A_74 = arith.constant 0 : i32
    %dma_wait3A_75 = tpu.memref_slice %arg5[%multiple_of3A_73, %dma_wait3A_74] : memref<50000x1024xf32, #tpu.memory_space<hbm>> -> memref<16x1024xf32, #tpu.memory_space<hbm>>
    %dma_wait3A_76 = arith.constant 0 : i32
    %dma_wait3A_77 = tpu.memref_slice %arg5[%multiple_of3A_73, %dma_wait3A_76] : memref<50000x1024xf32, #tpu.memory_space<hbm>> -> memref<16x1024xf32, #tpu.memory_space<hbm>>
    tpu.wait_dma2 semaphore(%arg19 : memref<!tpu.dma_semaphore, #tpu.memory_space<semaphore_mem>>) src(%arg7 : memref<16x1024xf32, #tpu.memory_space<vmem>>) dst(%dma_wait3A_77 : memref<16x1024xf32, #tpu.memory_space<hbm>>)
    %multiple_of3A_78 = tpu.assume_multiple %mul3A_8, 8 : i32
    %dma_wait3A_79 = arith.constant 0 : i32
    %dma_wait3A_80 = tpu.memref_slice %arg5[%multiple_of3A_78, %dma_wait3A_79] : memref<50000x1024xf32, #tpu.memory_space<hbm>> -> memref<16x1024xf32, #tpu.memory_space<hbm>>
    %dma_wait3A_81 = arith.constant 0 : i32
    %dma_wait3A_82 = tpu.memref_slice %arg5[%multiple_of3A_78, %dma_wait3A_81] : memref<50000x1024xf32, #tpu.memory_space<hbm>> -> memref<16x1024xf32, #tpu.memory_space<hbm>>
    tpu.wait_dma2 semaphore(%arg20 : memref<!tpu.dma_semaphore, #tpu.memory_space<semaphore_mem>>) src(%arg8 : memref<16x1024xf32, #tpu.memory_space<vmem>>) dst(%dma_wait3A_82 : memref<16x1024xf32, #tpu.memory_space<hbm>>)
    %multiple_of3A_83 = tpu.assume_multiple %mul3A_8, 8 : i32
    %dma_wait3A_84 = arith.constant 0 : i32
    %dma_wait3A_85 = tpu.memref_slice %arg5[%multiple_of3A_83, %dma_wait3A_84] : memref<50000x1024xf32, #tpu.memory_space<hbm>> -> memref<16x1024xf32, #tpu.memory_space<hbm>>
    %dma_wait3A_86 = arith.constant 0 : i32
    %dma_wait3A_87 = tpu.memref_slice %arg5[%multiple_of3A_83, %dma_wait3A_86] : memref<50000x1024xf32, #tpu.memory_space<hbm>> -> memref<16x1024xf32, #tpu.memory_space<hbm>>
    tpu.wait_dma2 semaphore(%arg21 : memref<!tpu.dma_semaphore, #tpu.memory_space<semaphore_mem>>) src(%arg9 : memref<16x1024xf32, #tpu.memory_space<vmem>>) dst(%dma_wait3A_87 : memref<16x1024xf32, #tpu.memory_space<hbm>>)
    %multiple_of3A_88 = tpu.assume_multiple %mul3A_8, 8 : i32
    %dma_wait3A_89 = arith.constant 0 : i32
    %dma_wait3A_90 = tpu.memref_slice %arg5[%multiple_of3A_88, %dma_wait3A_89] : memref<50000x1024xf32, #tpu.memory_space<hbm>> -> memref<16x1024xf32, #tpu.memory_space<hbm>>
    %dma_wait3A_91 = arith.constant 0 : i32
    %dma_wait3A_92 = tpu.memref_slice %arg5[%multiple_of3A_88, %dma_wait3A_91] : memref<50000x1024xf32, #tpu.memory_space<hbm>> -> memref<16x1024xf32, #tpu.memory_space<hbm>>
    tpu.wait_dma2 semaphore(%arg22 : memref<!tpu.dma_semaphore, #tpu.memory_space<semaphore_mem>>) src(%arg10 : memref<16x1024xf32, #tpu.memory_space<vmem>>) dst(%dma_wait3A_92 : memref<16x1024xf32, #tpu.memory_space<hbm>>)
    %multiple_of3A_93 = tpu.assume_multiple %mul3A_8, 8 : i32
    %dma_wait3A_94 = arith.constant 0 : i32
    %dma_wait3A_95 = tpu.memref_slice %arg5[%multiple_of3A_93, %dma_wait3A_94] : memref<50000x1024xf32, #tpu.memory_space<hbm>> -> memref<16x1024xf32, #tpu.memory_space<hbm>>
    %dma_wait3A_96 = arith.constant 0 : i32
    %dma_wait3A_97 = tpu.memref_slice %arg5[%multiple_of3A_93, %dma_wait3A_96] : memref<50000x1024xf32, #tpu.memory_space<hbm>> -> memref<16x1024xf32, #tpu.memory_space<hbm>>
    tpu.wait_dma2 semaphore(%arg23 : memref<!tpu.dma_semaphore, #tpu.memory_space<semaphore_mem>>) src(%arg11 : memref<16x1024xf32, #tpu.memory_space<vmem>>) dst(%dma_wait3A_97 : memref<16x1024xf32, #tpu.memory_space<hbm>>)
    return
  }
}

</mosaic_0001>

<sc_bundles>
// kernel: kernel.3.cloned.1.call-start
scs
__scs_entry_jumppad:
0x0: {  	(pc) =	sbr.rel $0x88, $3  }
0x1: {  	(tag) =	ssettag $0x0;
	lr =	simm.s32 $0x1  }
0x2: {  	[smem:$0x3F9E] =	sst lr;
	_ =	strace $0xD0000000  }
0x3: {  	_ = 	snop  }
0x4: {  	_ = 	snop  }
0x5: {  	_ = 	snop  }
0x6: {  	_ = 	snop  }
0x7: {  	_ = 	snop  }
__scs_overlays_trampoline_lowered:
0x8: {  	[smem:$0x3FAD] =	sst s0  }
0x9: {  	[smem:$0x3FAE] =	sst s1  }
0xa: {  	[smem:$0x3FAF] =	sst s2  }
0xb: {  	[smem:$0x3FB0] =	sst s3  }
0xc: {  	[smem:$0x3FB1] =	sst s4  }
0xd: {  	[smem:$0x3FB2] =	sst s5  }
0xe: {  	[smem:$0x3FB3] =	sst s6  }
0xf: {  	[smem:$0x3FB4] =	sst s7  }
0x10: {  	[smem:$0x3FB5] =	sst s8  }
0x11: {  	[smem:$0x3FB6] =	sst s9;
	s0 =	simm.s32 @!p0 $0x0  }
0x12: {  	s1 =	sld [smem:$0x3F9C];
	s0 =	simm.s32 @p0 $0x1  }
0x13: {  	[smem:$0x3FB7] =	sst s0;
	s0 =	simm.s32 @!p1 $0x0  }
0x14: {  	s2 =	sld [smem:$0x3F9B];
	s0 =	simm.s32 @p1 $0x1  }
0x15: {  	[smem:$0x3FB8] =	sst s0;
	s0 =	simm.s32 @!p2 $0x0  }
0x16: {  	s3 =	sld [smem:$0x3FDB];
	s0 =	simm.s32 @p2 $0x1  }
0x17: {  	s4 =	simm.s32 $0x1BF5;
	[smem:$0x3FBA] =	sst s0  }
0x18: {  	s0 =	sld [smem:$0x3F9D];
	_ =	swait.ge [sflag:s4], $0x0  }
0x19: {  	s7 =	sld [smem:$0x3F9E]  }
0x1a: {  	s8 =	sadd.s32 $0xFFFFE003, lr  }
0x1b: {  	s9 =	sadd.s32 $0xFFFFFEF7, lr;
	s5 =	simm.s32 $0xFFFFFFFF;
	p2 =	slt.u32 s8, $0xFFFFF086  }
0x1c: {  	p1 =	slt.u32 s9, $0xF7A;
	s5 =	simm.s32 @!p2 $0x0  }
0x1d: {  	s5 =	simm.s32 @p1 $0x1;
	p0 =	seq.s32 s7, s2  }
0x1e: {  	s7 =	smul.u32 @!p0 $0xF7A, s2;
	p2 =	seq.s32 @!p0 s5, $0x0  }
0x1f: {  	s9 =	smul.u32 $0xF7A, s1;
	s8 =	simm.s32 @!p0 $0x1BF5;
	p2 =	por !p2, p0  }
0x20: {  	[sflag:s8] =	ssyncset.s32 @!p0 $0xFFFFF086;
	s6 =	sadd.s32 @!p0 s3, s7;
	s7 =	simm.s32 @!p0 $0x108  }
0x21: {  	s3 =	sadd.s32 s3, s9;
	s6 =	sadd.s32 @!p0 $0x88, s6;
	s7 =	simm.s32 @p2 $0x1082  }
0x22: {  	[simem:s7], [sflag:s8] =	dma.local @!p0 [hbm:s6], $0xF7A  }
0x23: {  	s9 =	sor.u32 $0xD0000000, s2;
	s6 =	simm.s32 $0x108;
	_ =	swait.ge @!p0 [sflag:s8], $0x0  }
0x24: {  	s3 =	sadd.s32 $0x88, s3;
	s6 =	simm.s32 @!p1 $0x1082;
	[sflag:s4] =	ssyncset.s32 $0xFFFFF086  }
0x25: {  	[simem:s6], [sflag:s4] =	dma.local [hbm:s3], $0xF7A  }
0x26: {  	[smem:$0x3F9E] =	sst s1;
	(tag) =	ssettag s2;
	_ =	strace s9  }
0x27: {  	s1 =	sld [smem:$0x3FAE]  }
0x28: {  	s2 =	sld [smem:$0x3FAF]  }
0x29: {  	s4 =	sld [smem:$0x3FB1]  }
0x2a: {  	p0 =	seq.s32 s5, $0x0;
	s5 =	sld [smem:$0x3FB2]  }
0x2b: {  	s6 =	sld [smem:$0x3FB3]  }
0x2c: {  	s7 =	sld [smem:$0x3FB4]  }
0x2d: {  	s3 =	simm.s32 $0x108;
	s8 =	sld [smem:$0x3FB5]  }
0x2e: {  	s3 =	simm.s32 @!p0 $0x1082;
	s9 =	sld [smem:$0x3FB6]  }
0x2f: {  	lr =	sadd.s32 s0, s3;
	s0 =	sld [smem:$0x3FAD]  }
0x30: {  	s3 =	sld [smem:$0x3FB0]  }
0x31: {  	[smem:$0x3FB9] =	sst s10  }
0x32: {  	s10 =	sld [smem:$0x3FB7];
	_ =	sdelay $0x3  }
0x33: {  	p0 =	seq.s32 s10, $0x1;
	s10 =	sld [smem:$0x3FB9];
	_ =	sdelay $0x3  }
0x34: {  	[smem:$0x3FB9] =	sst s10  }
0x35: {  	s10 =	sld [smem:$0x3FB8];
	_ =	sdelay $0x3  }
0x36: {  	p1 =	seq.s32 s10, $0x1;
	s10 =	sld [smem:$0x3FB9];
	_ =	sdelay $0x3  }
0x37: {  	[smem:$0x3FB9] =	sst s10  }
0x38: {  	s10 =	sld [smem:$0x3FBA]  }
0x39: {  	_ = 	snop;
	(pc) =	sbr.ind lr, $3  }
0x3a: {  	_ = 	snop  }
0x3b: {  	_ = 	snop  }
0x3c: {  	p2 =	seq.s32 s10, $0x1;
	s10 =	sld [smem:$0x3FB9]  }
0x3d: {  	_ =	shalt  }
0x3e: {  	_ =	shalt  }
0x3f: {  	_ =	shalt  }
0x40: {  	_ =	shalt  }
0x41: {  	_ =	shalt  }
0x42: {  	_ =	shalt  }
0x43: {  	_ =	shalt  }
0x44: {  	_ =	shalt  }
0x45: {  	_ =	shalt  }
0x46: {  	_ =	shalt  }
0x47: {  	_ =	shalt  }
0x48: {  	_ =	shalt  }
0x49: {  	_ =	shalt  }
0x4a: {  	_ =	shalt  }
0x4b: {  	_ =	shalt  }
0x4c: {  	_ =	shalt  }
0x4d: {  	_ =	shalt  }
0x4e: {  	_ =	shalt  }
0x4f: {  	_ =	shalt  }
0x50: {  	_ =	shalt  }
0x51: {  	_ =	shalt  }
0x52: {  	_ =	shalt  }
0x53: {  	_ =	shalt  }
0x54: {  	_ =	shalt  }
0x55: {  	_ =	shalt  }
0x56: {  	_ =	shalt  }
0x57: {  	_ =	shalt  }
0x58: {  	_ =	shalt  }
0x59: {  	_ =	shalt  }
0x5a: {  	_ =	shalt  }
0x5b: {  	_ =	shalt  }
0x5c: {  	_ =	shalt  }
0x5d: {  	_ =	shalt  }
0x5e: {  	_ =	shalt  }
0x5f: {  	_ =	shalt  }
0x60: {  	_ =	shalt  }
0x61: {  	_ =	shalt  }
0x62: {  	_ =	shalt  }
0x63: {  	_ =	shalt  }
0x64: {  	_ =	shalt  }
0x65: {  	_ =	shalt  }
0x66: {  	_ =	shalt  }
0x67: {  	_ =	shalt  }
0x68: {  	_ =	shalt  }
0x69: {  	_ =	shalt  }
0x6a: {  	_ =	shalt  }
0x6b: {  	_ =	shalt  }
0x6c: {  	_ =	shalt  }
0x6d: {  	_ =	shalt  }
0x6e: {  	_ =	shalt  }
0x6f: {  	_ =	shalt  }
0x70: {  	_ =	shalt  }
0x71: {  	_ =	shalt  }
0x72: {  	_ =	shalt  }
0x73: {  	_ =	shalt  }
0x74: {  	_ =	shalt  }
0x75: {  	_ =	shalt  }
0x76: {  	_ =	shalt  }
0x77: {  	_ =	shalt  }
0x78: {  	_ =	shalt  }
0x79: {  	_ =	shalt  }
0x7a: {  	_ =	shalt  }
0x7b: {  	_ =	shalt  }
0x7c: {  	_ =	shalt  }
0x7d: {  	_ =	shalt  }
0x7e: {  	_ =	shalt  }
0x7f: {  	_ =	shalt  }
0x80: {  	_ =	shalt  }
0x81: {  	_ =	shalt  }
0x82: {  	_ =	shalt  }
0x83: {  	_ =	shalt  }
0x84: {  	_ =	shalt  }
0x85: {  	_ =	shalt  }
0x86: {  	_ =	shalt  }
0x87: {  	_ =	shalt  }
.Lfunc_end0:
.L_simem_size_0:
called_computation_lowered:
.L_overlay_start_0:
0x88: {  	s2 =	sld [smem:$0x3FD9]  }
0x89: {  	s3 =	sld [smem:$0x3FFE];
	_ =	sdelay $0x1  }
0x8a: {  	s1 =	srdreg.scid  }
0x8b: {  	s0 =	sand.u32 $0x1, s1  }
0x8c: {  	s17 =	sshll.u32 s0, $0xA;
	s2 =	sadd.s32 s3, s2  }
0x8d: {  	s2 =	sadd.s32 s2, s17  }
0x8e: {  	[smem:$0x3FC5] =	sst s2  }
0x8f: {  	_ = 	snop  }
0x90: {  	s2 =	sld [smem:$0x3FC8]  }
0x91: {  	s18 =	sld [smem:$0x3FC7]  }
0x92: {  	s4 =	sld [smem:$0x3FD0];
	(tm) =	ssettm $0x1  }
0x93: {  	s5 =	sld [smem:$0x3FFB];
	_ =	sdelay $0x3  }
0x94: {  	_ =	strace s5  }
0x95: {  	s5 =	sld [smem:$0x3FFC];
	_ =	sdelay $0x3  }
0x96: {  	_ =	strace s5  }
0x97: {  	s5 =	sld [smem:$0x3FFD];
	_ =	sdelay $0x3  }
0x98: {  	_ =	strace s5  }
0x99: {  	_ =	strace $0x8FFFFFFF  }
0x9a: {  	s19 =	sld [smem:$0x3FDB];
	_ =	sdelay $0x1  }
0x9b: {  	s6 =	simm.s32 $_scs_section_size  }
0x9c: {  	s7 =	simm.s32 $_size__tile_overlayer_lowered;
	s8 =	simm.s32 $_tile_overlayer_lowered  }
0x9d: {  	s22 =	simm.s32 $0x1BFF;
	s21 =	sshll.u32 s8, $0x1;
	s5 =	sadd.s32 s6, s19  }
0x9e: {  	s9 =	simm.s32 $0x0;
	s20 =	sshll.u32 s7, $0x1;
	s7 =	sadd.s32 s21, s5  }
0x9f: {  	[timem:s9], [sflag:s22] =	dma.local [hbm:s7], s20  }
0xa0: {  	_ =	swait.ge [sflag:s22], s20  }
0xa1: {  	s6 =	ssub.s32 $0x0, s20;
	[sflag:s22] =	ssyncset.done $0x0  }
0xa2: {  	[sflag:s22] =	ssyncadd.s32 s6;
	_ =	sdelay $0x1  }
0xa3: {  	s23 =	simm.s32 $0x1B8B  }
0xa4: {  	_ =	swait.ge [sflag:s23], $0x1  }
0xa5: {  	[sflag:s23] =	ssyncset.done $0x0  }
0xa6: {  	s25 =	simm.s32 $0x1B8E;
	s24 =	sld [smem:$0x3FFE];
	[sflag:s23] =	ssyncadd.s32 $0xFFFFFFFF  }
0xa7: {  	s26 =	simm.s32 $execute0_lowered;
	[smem:$0x3FD2] =	sst s25  }
0xa8: {  	s7 =	sshll.u32 s26, $0x1;
	_ =	strace $0x80000046;
	[dreg:$0x1] =	wrdreg $0xFFFFFFFF  }
0xa9: {  	s28 =	simm.s32 $_size_execute0_lowered;
	s5 =	sadd.s32 s5, s7;
	[dreg:$0x0] =	wrdreg $0x0  }
0xaa: {  	s7 =	sshll.u32 s28, $0x1;
	[dreg:$0x2] =	wrdreg s5  }
0xab: {  	[dreg:$0x3] =	wrdreg s7  }
0xac: {  	[dreg:$0x4] =	wrdreg $0xC0  }
0xad: {  	_ =	task [dreg:s9], $0x5FFFF  }
0xae: {  	[dreg:$0x1] =	wrdreg $0xFFFFFFFF  }
0xaf: {  	[dreg:$0x0] =	wrdreg $0x60  }
0xb0: {  	[dreg:$0x2] =	wrdreg s24  }
0xb1: {  	[dreg:$0x3] =	wrdreg s2  }
0xb2: {  	[dreg:$0x4] =	wrdreg s18  }
0xb3: {  	[dreg:$0x5] =	wrdreg s4  }
0xb4: {  	[dreg:$0x6] =	wrdreg $0x9  }
0xb5: {  	_ =	task.clear_ibuf [dreg:s9], $0x7FFFF;
	_ =	strace $0x90000046  }
0xb6: {  	s29 =	simm.s32 $0x9;
	_ =	strace $0x80000048  }
0xb7: {  	_ =	swait.ge [sflag:s29], $0x1  }
0xb8: {  	[sflag:s29] =	ssyncadd.s32 $0xFFFFFFFF  }
0xb9: {  	_ =	strace $0x90000048  }
0xba: {  	_ =	sfence  }
0xbb: {  	s30 =	sld [smem:$0x0];
	_ =	sdelay $0x2  }
0xbc: {  	s31 =	sshll.u32 s1, $0xD;
	s1 =	sshrl.u32 s1, $0x2  }
0xbd: {  	s3 =	sand.u32 $0x4000, s31;
	s1 =	sadd.s32 s1, s30  }
0xbe: {  	s0 =	sor.u32 s3, s0;
	s1 =	sshll.u32 s1, $0x11  }
0xbf: {  	s0 =	sor.u32 s1, s0  }
0xc0: {  	s0 =	sadd.s32 $0x8F2B, s0  }
0xc1: {  	[sflag:s0] =	ssyncadd.remote.s32 $0x1  }
0xc2: {  	_ =	sfence.sel $0xFFFF  }
0xc3: {  	[dreg:$0x0] =	wrdreg $0xFFFFFFFF;
	(pc) =	sbr.abs _section_cstart, $3  }
0xc4: {  	[dreg:$0x1] =	wrdreg $0xFFFFFFFF  }
0xc5: {  	_ =	task.clear_ibuf [dreg:s9], $0x2FFFF;
	_ =	strace $0x9FFFFFFF  }
0xc6: {  	(tm) =	ssettm $0x7FFFFFFF  }
0xc7: {  	_ =	shalt  }
tec
execute0_lowered:
.L_overlay_start_1:
0x0: {  	(tag) =	ssettag $0x1  }
0x1: {  	s0 =	rddreg [dreg:$0x0]  }
0x2: {  	s1 =	srdreg.scid;
	s2 =	stileid.u32  }
0x3: {  	s3 =	simm.s32 $0x0;
	s5 =	simm.s32 $0x62;
	s13 =	simm.s32 $0x18000  }
0x4: {  	s1 =	sand.u32 $0x1, s1;
	s2 =	sshll.u32 s2, $0x1;
	[smem:$0x7FF] =	sst s3  }
0x5: {  	s8 =	sadd.s32 $0x400, s0;
	s2 =	sor.u32 s1, s2;
	_ =	strace $0x80000047  }
0x6: {  	s1 =	ssub.s32 $0x2, s1;
	s29 =	smul.u32 $0x61, s2;
	p0 =	slt.u32 s2, $0x15  }
.Ltmp0:
0x7: {  	s2 =	smin.u32 s2, $0x15;
	s4 =	sshrl.u32 s1, $0x1;
	(pc) =	sbr.rel .LBB2_1-.Ltmp0, $4  }
0x8: {  	s5 =	simm.s32 @!p0 $0x61;
	s30 =	ssub.s32 s1, s4;
	s2 =	sadd.s32 s2, s29  }
0x9: {  	[dreg:$0x5] =	wrdreg s5;
	s0 =	smax.u32 s30, $0x1;
	s31 =	sadd.s32 s5, s2  }
0xa: {  	v2 =	vimm.f32 $0.0e+00;
	v3 =	vimm.s32 $0x40000000;
	v4 =	vimm.s32 $0x0;
	[dreg:$0x6] =	wrdreg s2;
	s2 =	sshll.u32 s2, $0x4;
	s1 =	sshll.u32 s31, $0x4  }
0xb: {  	s14 =	simm.s32 $0x7;
	v5 =	vlaneseq.u32;
	[dreg:$0x7] =	wrdreg s0;
	v0 =	vmov s2;
	s2 =	simm.s32 $0x0;
	v1 =	vmov s1  }
.LBB2_123:
0xc: {  	_ =	swait.ge [sflag:s14], $0x2000  }
0xd: {  	[sflag:s14] =	ssyncset.done $0x0  }
0xe: {  	s0 =	simm.s32 $0x1;
	[sflag:s14] =	ssyncadd.s32 $0xFFFFE000  }
0xf: {  	_ =	swait.ge [sflag:s0], $0x4000  }
0x10: {  	[sflag:s0] =	ssyncset.done $0x0  }
0x11: {  	s26 =	simm.s32 $0x2;
	[sflag:s0] =	ssyncadd.s32 $0xFFFFC000  }
0x12: {  	_ =	swait.ge [sflag:s26], $0x4000  }
0x13: {  	[sflag:s26] =	ssyncset.done $0x0  }
0x14: {  	s28 =	simm.s32 $0x3;
	[sflag:s26] =	ssyncadd.s32 $0xFFFFC000  }
0x15: {  	_ =	swait.ge [sflag:s28], $0x4000  }
0x16: {  	[sflag:s28] =	ssyncset.done $0x0  }
0x17: {  	s29 =	simm.s32 $0x4;
	[sflag:s28] =	ssyncadd.s32 $0xFFFFC000  }
0x18: {  	_ =	swait.ge [sflag:s29], $0x4000  }
0x19: {  	[sflag:s29] =	ssyncset.done $0x0  }
0x1a: {  	s30 =	simm.s32 $0x5;
	[sflag:s29] =	ssyncadd.s32 $0xFFFFC000  }
0x1b: {  	_ =	swait.ge [sflag:s30], $0x4000  }
0x1c: {  	[sflag:s30] =	ssyncset.done $0x0  }
0x1d: {  	s1 =	simm.s32 $0x6;
	[sflag:s30] =	ssyncadd.s32 $0xFFFFC000  }
0x1e: {  	_ =	swait.ge [sflag:s1], $0x4000  }
0x1f: {  	s2 =	rddreg [dreg:$0x8]  }
0x20: {  	s31 =	rddreg [dreg:$0x7];
	s2 =	sadd.s32 $0x1, s2  }
0x21: {  	p0 =	sne.s32 s2, s31  }
.Ltmp1:
0x22: {  	_ = 	snop;
	(pc) =	sbr.rel @!p0 .LBB2_124-.Ltmp1, $3  }
0x23: {  	_ =	sdelay $0x1  }
0x24: {  	[sflag:s1] =	ssyncset.done $0x0  }
0x25: {  	[sflag:s1] =	ssyncadd.s32 $0xFFFFC000  }
.LBB2_1:
0x26: {  	[dreg:$0x8] =	wrdreg s2  }
0x27: {  	s0 =	rddreg [dreg:$0x1]  }
0x28: {  	s1 =	simm.s32 $0x0;
	s29 =	simm.s32 $0x1C000;
	s30 =	simm.s32 $0x8  }
0x29: {  	[tilespmem:s29], [sflag:$0x8] =	stream.linear.gather [hbm4b:s0+s1], $0x200, $0x38;
	[tilespmem:$0x1C980] =	vst v63  }
0x2a: {  	_ =	swait.ge [sflag:s30], $0x200  }
0x2b: {  	[sflag:s30] =	ssyncset.done $0x0  }
0x2c: {  	[sflag:s30] =	ssyncadd.s32 $0xFFFFFE00  }
0x2d: {  	s3 =	simm.s32 $0x1C700;
	s31 =	rddreg [dreg:$0x2]  }
0x2e: {  	[tilespmem:s3], [sflag:$0x8] =	stream.linear.gather [hbm4b:s31+s1], $0x200, $0x38;
	[tilespmem:$0x1C980] =	vst v63  }
0x2f: {  	_ =	swait.ge [sflag:s30], $0x200  }
0x30: {  	[sflag:s30] =	ssyncset.done $0x0  }
0x31: {  	s1 =	simm.s32 $0x0;
	[sflag:s30] =	ssyncadd.s32 $0xFFFFFE00  }
.LBB2_2:
0x32: {  	s0 =	sshll.u32 s1, $0xA;
	s2 =	sshll.u32 s1, $0x7  }
0x33: {  	s3 =	simm.s32 $0x0;
	s0 =	sand.u32 $0x2000, s0;
	s2 =	sand.u32 $0x380, s2  }
0x34: {  	s31 =	sand.u32 $0x1C00, s3;
	s2 =	sor.u32 s0, s2  }
0x35: {  	s3 =	sand.u32 $0x70, s3;
	s0 =	sor.u32 s31, s2  }
0x36: {  	s0 =	sor.u32 s3, s0  }
0x37: {  	[tilespmem:s0+$0x14000] =	vst v2  }
0x38: {  	[tilespmem:s0+$0x0] =	vst v2  }
0x39: {  	s4 =	simm.s32 $0x80;
	s3 =	simm.s32 $0x10;
	[tilespmem:s0+$0x4000] =	vst v2  }
.LBB2_3:
0x3a: {  	s5 =	sand.u32 $0x1C00, s4  }
0x3b: {  	p0 =	sne.s32 s3, $0x3F0;
	[tilespmem:s0+$0x8000] =	vst v2;
	s6 =	smov.u32 s3;
	s3 =	sadd.s32 $0x10, s3  }
.Ltmp2:
0x3c: {  	s6 =	sand.u32 $0x70, s6;
	s5 =	sor.u32 s5, s2;
	[tilespmem:s0+$0xC000] =	vst v2;
	(pc) =	sbr.rel @p0 .LBB2_3-.Ltmp2, $4  }
0x3d: {  	[tilespmem:s0+$0x10000] =	vst v2;
	s0 =	sor.u32 s6, s5  }
0x3e: {  	[tilespmem:s0+$0x14000] =	vst v2  }
0x3f: {  	[tilespmem:s0+$0x0] =	vst v2  }
0x40: {  	s4 =	sadd.s32 $0x80, s4;
	[tilespmem:s0+$0x4000] =	vst v2  }
0x41: {  	s1 =	sadd.s32 $0x1, s1  }
0x42: {  	p0 =	sne.s32 s1, $0x10  }
.Ltmp3:
0x43: {  	_ = 	snop;
	(pc) =	sbr.rel @p0 .LBB2_2-.Ltmp3, $4  }
0x44: {  	_ = 	snop  }
0x45: {  	[tilespmem:s0+$0x8000] =	vst v2  }
0x46: {  	[tilespmem:s0+$0xC000] =	vst v2  }
0x47: {  	[tilespmem:s0+$0x10000] =	vst v2;
	s0 =	simm.s32 $0x0  }
0x48: {  	s1 =	simm.s32 $0x0  }
.LBB2_6:
0x49: {  	p0 =	sne.s32 s1, $0x840  }
.Ltmp4:
0x4a: {  	_ = 	snop;
	(pc) =	sbr.rel @p0 .LBB2_6-.Ltmp4, $4  }
0x4b: {  	_ = 	snop  }
0x4c: {  	s2 =	sshra.s32 s1, $0x2  }
0x4d: {  	[tilespmem:s2+$0x1C200] =	vst v3  }
0x4e: {  	s1 =	sadd.s32 $0x40, s1;
	[tilespmem:s2+$0x1C480] =	vst v4  }
0x4f: {  	s1 =	simm.s32 $0x1C000  }
0x50: {  	v6 =	vld [tilespmem:s1+$0x0];
	_ =	sdelay $0x4  }
0x51: {  	vm0 =	vge.s32 v6, v0;
	vm1 =	vlt.s32 v6, v1  }
0x52: {  	vm0 =	vmand vm0, vm1  }
0x53: {  	v7 =	vsel vm0, $0x1, v4  }
0x54: {  	(xrf0) =	vadd.scan.msk.s32 $0xffff, v7;
	_ =	sdelay $0x5  }
0x55: {  	v7, _, _ =	vpop (xrf0)  }
0x56: {  	[tilespmem:s0+$0x1C200] =	vst.msk vm0, v6;
	v6 =	vor.u32 s0, v5;
	(v2sf) =	vpush v7, $0xF  }
0x57: {  	s2 =	simm.s32 $0x1C010;
	[tilespmem:s0+$0x1C480] =	vst.msk vm0, v6  }
0x58: {  	s3 =	simm.s32 $0x20;
	s1 =	simm.s32 $0x10;
	v6 =	vld [tilespmem:s2+$0x0]  }
.LBB2_8:
0x59: {  	p0 =	sne.s32 s3, $0x1F0;
	_ =	sdelay $0x3  }
0x5a: {  	vm0 =	vge.s32 v6, v0;
	vm1 =	vlt.s32 v6, v1  }
0x5b: {  	vm0 =	vmand vm0, vm1  }
0x5c: {  	v7 =	vsel vm0, $0x1, v4  }
0x5d: {  	(xrf0) =	vadd.scan.msk.s32 $0xffff, v7;
	_ =	sdelay $0x4  }
.Ltmp5:
0x5e: {  	s4 =	spop (v2sf);
	(pc) =	sbr.rel @p0 .LBB2_8-.Ltmp5, $4  }
0x5f: {  	v7, _, _ =	vpop (xrf0);
	s0 =	sadd.s32 s0, s4  }
0x60: {  	[tilespmem:s0+$0x1C200] =	vst.msk vm0, v6;
	v6 =	vor.u32 s1, v5;
	(v2sf) =	vpush v7, $0xF;
	s1 =	smov.u32 s3  }
0x61: {  	s2 =	sadd.s32 $0x10, s2;
	[tilespmem:s0+$0x1C480] =	vst.msk vm0, v6  }
0x62: {  	s3 =	sadd.s32 $0x10, s3;
	v6 =	vld [tilespmem:s2+$0x0]  }
0x63: {  	_ =	sdelay $0x9  }
0x64: {  	vm0 =	vge.s32 v6, v0;
	vm1 =	vlt.s32 v6, v1  }
0x65: {  	vm0 =	vmand vm0, vm1  }
0x66: {  	v7 =	vsel vm0, $0x1, v4;
	s2 =	spop (v2sf)  }
0x67: {  	(xrf0) =	vadd.scan.msk.s32 $0xffff, v7;
	s0 =	sadd.s32 s0, s2  }
0x68: {  	[tilespmem:s0+$0x1C200] =	vst.msk vm0, v6;
	v6 =	vor.u32 s1, v5  }
0x69: {  	[tilespmem:s0+$0x1C480] =	vst.msk vm0, v6  }
0x6a: {  	v6 =	vld [tilespmem:$0x1C480];
	_ =	sdelay $0x2  }
0x6b: {  	v7, _, _ =	vpop (xrf0)  }
0x6c: {  	(v2sf) =	vpush v7, $0xF  }
0x6d: {  	(v2sf) =	vpush v6, $0x0;
	_ =	sdelay $0xc  }
0x6e: {  	s29 =	simm.s32 $0x0;
	s30 =	simm.s32 $0x0  }
0x6f: {  	s31 =	simm.s32 $0x0;
	s3 =	simm.s32 $0x0;
	s28 =	spop (v2sf)  }
0x70: {  	s10 =	simm.s32 $0x0;
	s12 =	simm.s32 $0x0;
	s0 =	spop (v2sf)  }
0x71: {  	s4 =	simm.s32 $0x0;
	s6 =	simm.s32 $0x0;
	s0 =	sshll.u32 s0, $0x7  }
0x72: {  	s7 =	simm.s32 $0x0;
	s17 =	simm.s32 $0x0;
	s0 =	sand.u32 $0xFFFFC00, s0  }
0x73: {  	s21 =	simm.s32 $0x0;
	[dreg:$0x9] =	wrdreg s4;
	s0 =	sadd.s32 s8, s0  }
0x74: {  	[tilespmem:s13], [sflag:$0x7] =	stream.linear.gather [hbm4b:s0+s29], $0x2000, $0x38;
	[tilespmem:$0x1C980] =	vst v63  }
0x75: {  	s2 =	simm.s32 $0x0;
	s1 =	simm.s32 $0x0;
	s0 =	simm.s32 $0x0  }
.LBB2_10:
0x76: {  	s4 =	smulhi.u32 $0xAAAAAAAB, s21;
	_ =	sdelay $0x1  }
0x77: {  	s4 =	sshrl.u32 s4, $0x2  }
0x78: {  	s4 =	smul.u32 $0x6, s4;
	_ =	sdelay $0x1  }
0x79: {  	s23 =	ssub.s32 s21, s4  }
0x7a: {  	p1 =	sgt.s32 s23, $0x2  }
.Ltmp6:
0x7b: {  	_ = 	snop;
	(pc) =	sbr.rel @p1 .LBB2_21-.Ltmp6, $4  }
0x7c: {  	s28 =	rddreg [dreg:$0x6]  }
0x7d: {  	[dreg:$0xa] =	wrdreg s6  }
0x7e: {  	[dreg:$0xb] =	wrdreg s7;
	s4 =	sadd.s32 s28, s21  }
0x7f: {  	[dreg:$0xc] =	wrdreg s4;
	s16 =	sshll.u32 s4, $0x4;
	p0 =	seq.s32 s23, $0x0  }
.Ltmp7:
0x80: {  	(pc) =	sbr.rel @p0 .LBB2_31-.Ltmp7, $1  }
0x81: {  	_ =	sdelay $0x3  }
0x82: {  	p1 =	seq.s32 s23, $0x1  }
.Ltmp8:
0x83: {  	_ = 	snop;
	(pc) =	sbr.rel @p1 .LBB2_51-.Ltmp8, $1  }
0x84: {  	_ =	sdelay $0x3  }
0x85: {  	p1 =	seq.s32 s23, $0x2  }
.Ltmp9:
0x86: {  	_ = 	snop;
	(pc) =	sbr.rel @!p1 .LBB2_111-.Ltmp9, $1  }
0x87: {  	_ =	sdelay $0x3  }
.LBB2_14:
0x88: {  	p1 =	slt.u32 s21, $0x6  }
0x89: {  	s4 =	simm.s32 @!p1 $0x3  }
0x8a: {  	_ =	swait.ge @!p1 [sflag:s4], $0x4000  }
0x8b: {  	s5 =	rddreg [dreg:$0x9]  }
0x8c: {  	p2 =	sge.s32 @!p1 s5, s2  }
0x8d: {  	p2 =	por p1, p2  }
.Ltmp10:
0x8e: {  	_ = 	snop;
	(pc) =	sbr.rel @p2 .LBB2_18-.Ltmp10, $3  }
0x8f: {  	_ =	sdelay $0x1  }
0x90: {  	[sflag:s4] =	ssyncset.done @!p1 $0x0  }
0x91: {  	[sflag:s4] =	ssyncadd.s32 @!p1 $0xFFFFC000;
	s4 =	smov.u32 s5  }
.LBB2_15:
0x92: {  	v6 =	vld [tilespmem:s4+$0x1C200];
	_ =	sdelay $0x4  }
0x93: {  	(v2sf) =	vpush v6, $0x0;
	_ =	sdelay $0xe  }
0x94: {  	s5 =	spop (v2sf)  }
0x95: {  	s6 =	ssub.s32 s5, s16  }
0x96: {  	s5 =	sshll.u32 s5, $0x7;
	s6 =	sshll.u32 s6, $0xA  }
0x97: {  	s5 =	sand.u32 $0x380, s5;
	s6 =	sand.u32 $0xFFFFE000, s6  }
0x98: {  	s6 =	sor.u32 s5, s6;
	s5 =	simm.s32 $0x0  }
0x99: {  	s6 =	sadd.s32 $0x20000, s6;
	s7 =	sand.u32 $0x1C00, s5  }
0x9a: {  	s9 =	sand.u32 $0x70, s5;
	s11 =	sadd.s32 s7, s6  }
0x9b: {  	s7 =	simm.s32 $0x10;
	s11 =	sadd.s32 s9, s11  }
.LBB2_16:
0x9c: {  	p1 =	sne.s32 s7, $0x3F0  }
0x9d: {  	[tilespmem:s11+$0x0] =	vst v2;
	s5 =	sadd.s32 $0x80, s5;
	s9 =	smov.u32 s7;
	s7 =	sadd.s32 $0x10, s7  }
.Ltmp11:
0x9e: {  	(pc) =	sbr.rel @p1 .LBB2_16-.Ltmp11, $4  }
0x9f: {  	_ = 	snop  }
0xa0: {  	s11 =	sand.u32 $0x1C00, s5  }
0xa1: {  	s9 =	sand.u32 $0x70, s9;
	s11 =	sadd.s32 s11, s6  }
0xa2: {  	s11 =	sadd.s32 s9, s11  }
0xa3: {  	s4 =	sadd.s32 $0x1, s4  }
0xa4: {  	p1 =	sne.s32 s4, s2  }
.Ltmp12:
0xa5: {  	_ = 	snop;
	(pc) =	sbr.rel @p1 .LBB2_15-.Ltmp12, $2  }
0xa6: {  	_ =	sdelay $0x2  }
0xa7: {  	[tilespmem:s11+$0x0] =	vst v2  }
.LBB2_18:
0xa8: {  	v6 =	vld [tilespmem:s17+$0x1C200];
	_ =	sdelay $0x4  }
0xa9: {  	(v2sf) =	vpush v6, $0x0;
	_ =	sdelay $0xe  }
0xaa: {  	s11 =	sadd.s32 $0x10, s16;
	s18 =	spop (v2sf)  }
0xab: {  	p1 =	sge.s32 s18, s11  }
.Ltmp13:
0xac: {  	_ = 	snop;
	(pc) =	sbr.rel @!p1 .LBB2_19-.Ltmp13, $2  }
0xad: {  	_ =	sdelay $0x2  }
0xae: {  	s22 =	smov.u32 s17  }
.LBB2_77:
0xaf: {  	p1 =	seq.s32 s23, $0x5  }
.Ltmp14:
0xb0: {  	s4 =	rddreg [dreg:$0xc];
	(pc) =	sbr.rel @p1 .LBB2_24-.Ltmp14, $4  }
0xb1: {  	s4 =	sshll.u32 s4, $0xB  }
0xb2: {  	s5 =	rddreg [dreg:$0x3];
	s4 =	sand.u32 $0x1FFFF800, s4  }
0xb3: {  	s28 =	simm.s32 $0x0;
	s6 =	simm.s32 $0x8000;
	s4 =	sadd.s32 s5, s4  }
0xb4: {  	[hbm4b:s4+s28] =	stream.linear.scatter [tilespmem:s6], [sflag:$0x3], $0x4000, $0x38;
	[tilespmem:$0x1C980] =	vst v63  }
0xb5: {  	p1 =	seq.s32 s23, $0x4  }
.Ltmp15:
0xb6: {  	_ = 	snop;
	(pc) =	sbr.rel @p1 .LBB2_96-.Ltmp15, $1  }
0xb7: {  	_ =	sdelay $0x3  }
0xb8: {  	p1 =	sne.s32 s23, $0x3  }
.Ltmp16:
0xb9: {  	_ = 	snop;
	(pc) =	sbr.rel @p1 .LBB2_111-.Ltmp16, $4  }
.Ltmp17:
0xba: {  	_ = 	snop;
	(pc) =	sbr.rel @!p1 .LBB2_80-.Ltmp17, $4  }
0xbb: {  	_ = 	snop  }
0xbc: {  	_ = 	snop  }
0xbd: {  	_ = 	snop  }
0xbe: {  	_ = 	snop  }
.LBB2_76:
0xbf: {  	s22 =	sadd.s32 $0x1, s22  }
0xc0: {  	v6 =	vld [tilespmem:s22+$0x1C200];
	_ =	sdelay $0x4  }
0xc1: {  	(v2sf) =	vpush v6, $0x0;
	_ =	sdelay $0xe  }
0xc2: {  	s18 =	spop (v2sf)  }
0xc3: {  	p1 =	slt.s32 s18, s11  }
.Ltmp18:
0xc4: {  	_ = 	snop;
	(pc) =	sbr.rel @!p1 .LBB2_77-.Ltmp18, $1  }
0xc5: {  	_ =	sdelay $0x3  }
.LBB2_19:
0xc6: {  	v6 =	vld [tilespmem:s22+$0x1C480]  }
0xc7: {  	v7 =	vld [tilespmem:s22+$0x1C481];
	_ =	sdelay $0x3  }
0xc8: {  	(v2sf) =	vpush v6, $0x0  }
0xc9: {  	(v2sf) =	vpush v7, $0x0;
	_ =	sdelay $0x8  }
0xca: {  	s4 =	sand.u32 $0x1, s22  }
0xcb: {  	p1 =	seq.s32 s4, $0x0  }
.Ltmp19:
0xcc: {  	_ = 	snop;
	(pc) =	sbr.rel @p1 .LBB2_70-.Ltmp19, $3  }
0xcd: {  	_ =	sdelay $0x1  }
0xce: {  	s7 =	spop (v2sf)  }
0xcf: {  	s6 =	ssub.s32 s18, s16;
	s5 =	spop (v2sf);
	v6 =	vld [tilespmem:s7+$0x1C700];
	s4 =	sand.u32 $0x7, s7  }
.Ltmp20:
0xd0: {  	_ = 	snop;
	(pc) =	sbr.rel .LBB2_73-.Ltmp20, $4  }
0xd1: {  	_ = 	snop  }
0xd2: {  	s5 =	sshll.u32 s5, $0x7;
	s20 =	sshll.u32 s6, $0xA  }
0xd3: {  	s24 =	sshll.u32 s18, $0x7;
	s25 =	sshll.u32 s4, $0x9;
	s5 =	sand.u32 $0xFFFFC00, s5  }
0xd4: {  	s28 =	sand.u32 $0xFFFFE000, s20;
	s18 =	sand.u32 $0x380, s24;
	s26 =	sadd.s32 s8, s5;
	v6 =	vbroadcast v6, $0x0  }
.LBB2_70:
0xd5: {  	_ =	swait.ge [sflag:s14], $0x2000;
	s5 =	sshll.u32 s5, $0x7;
	s15 =	simm.s32 $0x0  }
0xd6: {  	s7 =	simm.s32 $0x1A000;
	s25 =	sshll.u32 s4, $0x9;
	[sflag:s14] =	ssyncset.done $0x0  }
0xd7: {  	s5 =	sand.u32 $0xFFFFC00, s5;
	s4 =	sshrl.u32 s25, $0x2;
	s9 =	sand.u32 $0x1C00, s15  }
0xd8: {  	[sflag:s14] =	ssyncadd.s32 $0xFFFFE000;
	s26 =	sadd.s32 s8, s5;
	s4 =	sor.u32 $0x18000, s4  }
0xd9: {  	[tilespmem:s7], [sflag:$0x7] =	stream.linear.gather [hbm4b:s26+s15], $0x2000, $0x38;
	[tilespmem:$0x1C980] =	vst v63  }
0xda: {  	s5 =	sand.u32 $0x70, s15;
	s19 =	sadd.s32 s9, s4  }
0xdb: {  	s7 =	sadd.s32 s5, s19  }
0xdc: {  	v7 =	vld [tilespmem:s7+$0x0]  }
0xdd: {  	s6 =	sshll.u32 s6, $0xA;
	s20 =	sshll.u32 s18, $0x7  }
0xde: {  	s28 =	sand.u32 $0xFFFFE000, s6;
	s18 =	sand.u32 $0x380, s20  }
0xdf: {  	s24 =	simm.s32 $0x10;
	s6 =	sor.u32 s18, s28;
	v6 =	vbroadcast v6, $0x0  }
0xe0: {  	s24 =	sand.u32 $0x70, s24;
	s6 =	sadd.s32 $0x8000, s6;
	s15 =	simm.s32 $0x80  }
0xe1: {  	s20 =	simm.s32 $0x20;
	s19 =	sadd.s32 s9, s6;
	s7 =	sand.u32 $0x1C00, s15;
	v7 =	vmul.f32 v7, v6  }
.LBB2_71:
0xe2: {  	p2 =	sne.s32 s20, $0x3F0;
	s9 =	sadd.s32 s7, s4;
	s5 =	sadd.s32 s5, s19  }
0xe3: {  	s9 =	sadd.s32 s24, s9;
	[tilespmem:s5+$0x0] =	vst v7;
	s5 =	smov.u32 s24  }
0xe4: {  	v7 =	vld [tilespmem:s9+$0x0]  }
.Ltmp21:
0xe5: {  	(pc) =	sbr.rel @p2 .LBB2_71-.Ltmp21, $3  }
0xe6: {  	_ =	sdelay $0x1  }
0xe7: {  	s15 =	sadd.s32 $0x80, s15;
	s24 =	sand.u32 $0x70, s20  }
0xe8: {  	s19 =	sadd.s32 s7, s6;
	s20 =	sadd.s32 $0x10, s20;
	s7 =	sand.u32 $0x1C00, s15;
	v7 =	vmul.f32 v7, v6  }
0xe9: {  	s4 =	sadd.s32 s7, s4;
	s5 =	sadd.s32 s5, s19  }
0xea: {  	s4 =	sadd.s32 s24, s4;
	[tilespmem:s5+$0x0] =	vst v7  }
0xeb: {  	v7 =	vld [tilespmem:s4+$0x0];
	_ =	sdelay $0x2  }
.Ltmp22:
0xec: {  	_ = 	snop;
	(pc) =	sbr.rel @p1 .LBB2_76-.Ltmp22, $4  }
0xed: {  	_ = 	snop  }
0xee: {  	s20 =	sadd.s32 s7, s6;
	v7 =	vmul.f32 v7, v6  }
0xef: {  	s4 =	sadd.s32 s24, s20  }
0xf0: {  	[tilespmem:s4+$0x0] =	vst v7  }
.LBB2_73:
0xf1: {  	_ =	swait.ge [sflag:s14], $0x2000  }
0xf2: {  	s5 =	simm.s32 $0x0;
	s4 =	sshrl.u32 s25, $0x2;
	[sflag:s14] =	ssyncset.done $0x0  }
0xf3: {  	s4 =	sor.u32 $0x1A000, s4;
	s9 =	sand.u32 $0x1C00, s5;
	[sflag:s14] =	ssyncadd.s32 $0xFFFFE000  }
0xf4: {  	[tilespmem:s13], [sflag:$0x7] =	stream.linear.gather [hbm4b:s26+s5], $0x2000, $0x38;
	[tilespmem:$0x1C980] =	vst v63  }
0xf5: {  	s6 =	sand.u32 $0x70, s5;
	s26 =	sadd.s32 s9, s4  }
0xf6: {  	s5 =	sadd.s32 s6, s26  }
0xf7: {  	v7 =	vld [tilespmem:s5+$0x0];
	_ =	sdelay $0x2  }
0xf8: {  	s28 =	sadd.s32 s18, s28;
	s7 =	simm.s32 $0x10  }
0xf9: {  	s15 =	simm.s32 $0x80;
	s20 =	simm.s32 $0x20;
	s5 =	sadd.s32 $0x8000, s28  }
0xfa: {  	s18 =	sand.u32 $0x70, s7;
	s7 =	sand.u32 $0x1C00, s15;
	s19 =	sadd.s32 s9, s5;
	v7 =	vmul.f32 v7, v6  }
.LBB2_74:
0xfb: {  	p1 =	sne.s32 s20, $0x3F0;
	s9 =	sadd.s32 s7, s4;
	s6 =	sadd.s32 s6, s19  }
0xfc: {  	s9 =	sadd.s32 s18, s9;
	[tilespmem:s6+$0x0] =	vst v7;
	s6 =	smov.u32 s18  }
0xfd: {  	v7 =	vld [tilespmem:s9+$0x0]  }
.Ltmp23:
0xfe: {  	(pc) =	sbr.rel @p1 .LBB2_74-.Ltmp23, $3  }
0xff: {  	_ =	sdelay $0x1  }
0x100: {  	s15 =	sadd.s32 $0x80, s15;
	s18 =	sand.u32 $0x70, s20  }
0x101: {  	s19 =	sadd.s32 s7, s5;
	s20 =	sadd.s32 $0x10, s20;
	s7 =	sand.u32 $0x1C00, s15;
	v7 =	vmul.f32 v7, v6  }
0x102: {  	s4 =	sadd.s32 s7, s4;
	s6 =	sadd.s32 s6, s19  }
0x103: {  	s4 =	sadd.s32 s18, s4;
	[tilespmem:s6+$0x0] =	vst v7  }
0x104: {  	v7 =	vld [tilespmem:s4+$0x0];
	_ =	sdelay $0x2  }
.Ltmp24:
0x105: {  	_ = 	snop;
	(pc) =	sbr.rel .LBB2_76-.Ltmp24, $4  }
0x106: {  	_ = 	snop  }
0x107: {  	s28 =	sadd.s32 s7, s5;
	v6 =	vmul.f32 v7, v6  }
0x108: {  	s4 =	sadd.s32 s18, s28  }
0x109: {  	[tilespmem:s4+$0x0] =	vst v6  }
.LBB2_21:
0x10a: {  	p1 =	seq.s32 s23, $0x3  }
.Ltmp25:
0x10b: {  	_ = 	snop;
	(pc) =	sbr.rel @p1 .LBB2_80-.Ltmp25, $1  }
0x10c: {  	_ =	sdelay $0x3  }
0x10d: {  	p1 =	seq.s32 s23, $0x4  }
.Ltmp26:
0x10e: {  	_ = 	snop;
	(pc) =	sbr.rel @p1 .LBB2_96-.Ltmp26, $1  }
0x10f: {  	_ =	sdelay $0x3  }
0x110: {  	p1 =	seq.s32 s23, $0x5  }
.Ltmp27:
0x111: {  	_ = 	snop;
	(pc) =	sbr.rel @p1 .LBB2_24-.Ltmp27, $4  }
.Ltmp28:
0x112: {  	_ = 	snop;
	(pc) =	sbr.rel @!p1 .LBB2_111-.Ltmp28, $4  }
0x113: {  	_ = 	snop  }
0x114: {  	_ = 	snop  }
0x115: {  	_ = 	snop  }
0x116: {  	_ = 	snop  }
.LBB2_31:
0x117: {  	p2 =	slt.u32 s21, $0x6  }
0x118: {  	p3 =	sge.s32 @!p2 s7, s3  }
0x119: {  	p3 =	por p2, p3  }
.Ltmp29:
0x11a: {  	_ = 	snop;
	(pc) =	sbr.rel @p3 .LBB2_35-.Ltmp29, $4  }
0x11b: {  	s4 =	simm.s32 @!p2 $0x1  }
0x11c: {  	_ =	swait.ge @!p2 [sflag:s4], $0x4000  }
0x11d: {  	[sflag:s4] =	ssyncset.done @!p2 $0x0  }
0x11e: {  	[sflag:s4] =	ssyncadd.s32 @!p2 $0xFFFFC000;
	s4 =	smov.u32 s7  }
.LBB2_32:
0x11f: {  	v6 =	vld [tilespmem:s4+$0x1C200];
	_ =	sdelay $0x4  }
0x120: {  	(v2sf) =	vpush v6, $0x0;
	_ =	sdelay $0xe  }
0x121: {  	s5 =	spop (v2sf)  }
0x122: {  	s6 =	ssub.s32 s5, s16  }
0x123: {  	s5 =	sshll.u32 s5, $0x7;
	s6 =	sshll.u32 s6, $0xA  }
0x124: {  	s5 =	sand.u32 $0x380, s5;
	s6 =	sand.u32 $0xFFFFE000, s6  }
0x125: {  	s6 =	sor.u32 s5, s6;
	s5 =	simm.s32 $0x0  }
0x126: {  	s6 =	sadd.s32 $0x18000, s6;
	s7 =	sand.u32 $0x1C00, s5  }
0x127: {  	s11 =	sand.u32 $0x70, s5;
	s15 =	sadd.s32 s7, s6  }
0x128: {  	s7 =	simm.s32 $0x10;
	s11 =	sadd.s32 s11, s15  }
.LBB2_33:
0x129: {  	p2 =	sne.s32 s7, $0x3F0  }
0x12a: {  	[tilespmem:s11+$0x0] =	vst v2;
	s5 =	sadd.s32 $0x80, s5;
	s11 =	smov.u32 s7;
	s7 =	sadd.s32 $0x10, s7  }
.Ltmp30:
0x12b: {  	(pc) =	sbr.rel @p2 .LBB2_33-.Ltmp30, $4  }
0x12c: {  	_ = 	snop  }
0x12d: {  	s15 =	sand.u32 $0x1C00, s5  }
0x12e: {  	s11 =	sand.u32 $0x70, s11;
	s15 =	sadd.s32 s15, s6  }
0x12f: {  	s11 =	sadd.s32 s11, s15  }
0x130: {  	s4 =	sadd.s32 $0x1, s4  }
0x131: {  	p2 =	sne.s32 s4, s3  }
.Ltmp31:
0x132: {  	_ = 	snop;
	(pc) =	sbr.rel @p2 .LBB2_32-.Ltmp31, $2  }
0x133: {  	_ =	sdelay $0x2  }
0x134: {  	[tilespmem:s11+$0x0] =	vst v2  }
.LBB2_35:
0x135: {  	v6 =	vld [tilespmem:s17+$0x1C200];
	_ =	sdelay $0x4  }
0x136: {  	(v2sf) =	vpush v6, $0x0;
	_ =	sdelay $0xe  }
0x137: {  	s11 =	sadd.s32 $0x10, s16;
	s18 =	spop (v2sf)  }
0x138: {  	p2 =	sge.s32 s18, s11  }
.Ltmp32:
0x139: {  	_ = 	snop;
	(pc) =	sbr.rel @!p2 .LBB2_36-.Ltmp32, $2  }
0x13a: {  	_ =	sdelay $0x2  }
0x13b: {  	s22 =	smov.u32 s17  }
.LBB2_45:
.Ltmp33:
0x13c: {  	s4 =	rddreg [dreg:$0xc];
	(pc) =	sbr.rel @!p1 .LBB2_46-.Ltmp33, $4  }
0x13d: {  	s4 =	sshll.u32 s4, $0xB  }
0x13e: {  	s5 =	rddreg [dreg:$0x3];
	s4 =	sand.u32 $0x1FFFF800, s4  }
0x13f: {  	s28 =	simm.s32 $0x0;
	s4 =	sadd.s32 s5, s4  }
0x140: {  	[hbm4b:s4+s28] =	stream.linear.scatter [tilespmem:s28], [sflag:$0x1], $0x4000, $0x38;
	[tilespmem:$0x1C980] =	vst v63  }
0x141: {  	p1 =	seq.s32 s23, $0x3  }
.Ltmp34:
0x142: {  	_ = 	snop;
	(pc) =	sbr.rel @p1 .LBB2_80-.Ltmp34, $1  }
0x143: {  	_ =	sdelay $0x3  }
0x144: {  	p1 =	seq.s32 s23, $0x4  }
.Ltmp35:
0x145: {  	_ = 	snop;
	(pc) =	sbr.rel @p1 .LBB2_96-.Ltmp35, $1  }
0x146: {  	_ =	sdelay $0x3  }
0x147: {  	p1 =	seq.s32 s23, $0x5  }
.Ltmp36:
0x148: {  	_ = 	snop;
	(pc) =	sbr.rel @p1 .LBB2_24-.Ltmp36, $4  }
.Ltmp37:
0x149: {  	_ = 	snop;
	(pc) =	sbr.rel @!p1 .LBB2_111-.Ltmp37, $4  }
0x14a: {  	_ = 	snop  }
0x14b: {  	_ = 	snop  }
0x14c: {  	_ = 	snop  }
0x14d: {  	_ = 	snop  }
.LBB2_44:
0x14e: {  	s22 =	sadd.s32 $0x1, s22  }
0x14f: {  	v6 =	vld [tilespmem:s22+$0x1C200];
	_ =	sdelay $0x4  }
0x150: {  	(v2sf) =	vpush v6, $0x0;
	_ =	sdelay $0xe  }
0x151: {  	s18 =	spop (v2sf)  }
0x152: {  	p2 =	slt.s32 s18, s11  }
.Ltmp38:
0x153: {  	_ = 	snop;
	(pc) =	sbr.rel @!p2 .LBB2_45-.Ltmp38, $1  }
0x154: {  	_ =	sdelay $0x3  }
.LBB2_36:
0x155: {  	v6 =	vld [tilespmem:s22+$0x1C480]  }
0x156: {  	v7 =	vld [tilespmem:s22+$0x1C481];
	_ =	sdelay $0x3  }
0x157: {  	(v2sf) =	vpush v6, $0x0  }
0x158: {  	(v2sf) =	vpush v7, $0x0;
	_ =	sdelay $0x9  }
0x159: {  	s5 =	sand.u32 $0x1, s22  }
0x15a: {  	p2 =	seq.s32 s5, $0x0  }
.Ltmp39:
0x15b: {  	_ = 	snop;
	(pc) =	sbr.rel @p2 .LBB2_38-.Ltmp39, $4  }
0x15c: {  	_ = 	snop  }
0x15d: {  	s4 =	spop (v2sf)  }
0x15e: {  	s7 =	spop (v2sf);
	s15 =	sand.u32 $0x7, s4  }
0x15f: {  	s6 =	ssub.s32 s18, s16;
	v6 =	vld [tilespmem:s4+$0x1C700];
	s4 =	sshll.u32 s7, $0x7;
	s26 =	sshll.u32 s15, $0x9  }
.Ltmp40:
0x160: {  	_ = 	snop;
	(pc) =	sbr.rel .LBB2_41-.Ltmp40, $3  }
0x161: {  	_ =	sdelay $0x1  }
0x162: {  	s4 =	sand.u32 $0xFFFFC00, s4;
	s5 =	sshll.u32 s6, $0xA;
	s24 =	sshll.u32 s18, $0x7  }
0x163: {  	s25 =	sadd.s32 s8, s4;
	s28 =	sand.u32 $0xFFFFE000, s5;
	s18 =	sand.u32 $0x380, s24;
	v6 =	vbroadcast v6, $0x0  }
.LBB2_38:
0x164: {  	_ =	swait.ge [sflag:s14], $0x2000  }
0x165: {  	s4 =	sand.u32 $0xFFFFC00, s4;
	s5 =	simm.s32 $0x0;
	s15 =	simm.s32 $0x1A000  }
0x166: {  	s19 =	sshrl.u32 s26, $0x2;
	[sflag:s14] =	ssyncset.done $0x0;
	s25 =	sadd.s32 s8, s4  }
0x167: {  	s4 =	sor.u32 $0x18000, s19;
	s19 =	sand.u32 $0x1C00, s5;
	[sflag:s14] =	ssyncadd.s32 $0xFFFFE000  }
0x168: {  	[tilespmem:s15], [sflag:$0x7] =	stream.linear.gather [hbm4b:s25+s5], $0x2000, $0x38;
	[tilespmem:$0x1C980] =	vst v63  }
0x169: {  	s7 =	sadd.s32 s19, s4;
	s5 =	sand.u32 $0x70, s5  }
0x16a: {  	s7 =	sadd.s32 s5, s7  }
0x16b: {  	v7 =	vld [tilespmem:s7+$0x0];
	_ =	sdelay $0x1  }
0x16c: {  	s6 =	sshll.u32 s6, $0xA;
	s20 =	sshll.u32 s18, $0x7  }
0x16d: {  	s24 =	simm.s32 $0x10;
	s28 =	sand.u32 $0xFFFFE000, s6;
	s18 =	sand.u32 $0x380, s20;
	v6 =	vbroadcast v6, $0x0  }
0x16e: {  	s24 =	sand.u32 $0x70, s24;
	s6 =	sor.u32 s18, s28;
	s15 =	simm.s32 $0x80  }
0x16f: {  	s20 =	simm.s32 $0x20;
	s19 =	sadd.s32 s19, s6;
	s7 =	sand.u32 $0x1C00, s15;
	v7 =	vmul.f32 v7, v6  }
.LBB2_39:
0x170: {  	p3 =	sne.s32 s20, $0x3F0;
	s9 =	sadd.s32 s7, s4;
	s5 =	sadd.s32 s5, s19  }
0x171: {  	s9 =	sadd.s32 s24, s9;
	[tilespmem:s5+$0x0] =	vst v7;
	s5 =	smov.u32 s24  }
0x172: {  	v7 =	vld [tilespmem:s9+$0x0]  }
.Ltmp41:
0x173: {  	(pc) =	sbr.rel @p3 .LBB2_39-.Ltmp41, $3  }
0x174: {  	_ =	sdelay $0x1  }
0x175: {  	s15 =	sadd.s32 $0x80, s15;
	s24 =	sand.u32 $0x70, s20  }
0x176: {  	s19 =	sadd.s32 s7, s6;
	s20 =	sadd.s32 $0x10, s20;
	s7 =	sand.u32 $0x1C00, s15;
	v7 =	vmul.f32 v7, v6  }
0x177: {  	s4 =	sadd.s32 s7, s4;
	s5 =	sadd.s32 s5, s19  }
0x178: {  	s4 =	sadd.s32 s24, s4;
	[tilespmem:s5+$0x0] =	vst v7  }
0x179: {  	v7 =	vld [tilespmem:s4+$0x0];
	_ =	sdelay $0x2  }
.Ltmp42:
0x17a: {  	_ = 	snop;
	(pc) =	sbr.rel @p2 .LBB2_44-.Ltmp42, $4  }
0x17b: {  	_ = 	snop  }
0x17c: {  	s20 =	sadd.s32 s7, s6;
	v7 =	vmul.f32 v7, v6  }
0x17d: {  	s4 =	sadd.s32 s24, s20  }
0x17e: {  	[tilespmem:s4+$0x0] =	vst v7  }
.LBB2_41:
0x17f: {  	_ =	swait.ge [sflag:s14], $0x2000;
	s5 =	simm.s32 $0x0;
	s4 =	sshrl.u32 s26, $0x2  }
0x180: {  	[sflag:s14] =	ssyncset.done $0x0;
	s4 =	sor.u32 $0x1A000, s4;
	s9 =	sand.u32 $0x1C00, s5  }
0x181: {  	s6 =	sand.u32 $0x70, s5;
	[sflag:s14] =	ssyncadd.s32 $0xFFFFE000;
	s26 =	sadd.s32 s9, s4  }
0x182: {  	[tilespmem:s13], [sflag:$0x7] =	stream.linear.gather [hbm4b:s25+s5], $0x2000, $0x38;
	[tilespmem:$0x1C980] =	vst v63  }
0x183: {  	s5 =	sadd.s32 s6, s26  }
0x184: {  	v7 =	vld [tilespmem:s5+$0x0];
	_ =	sdelay $0x2  }
0x185: {  	s7 =	simm.s32 $0x10  }
0x186: {  	s15 =	simm.s32 $0x80;
	s20 =	simm.s32 $0x20;
	s5 =	sadd.s32 s18, s28  }
0x187: {  	s18 =	sand.u32 $0x70, s7;
	s7 =	sand.u32 $0x1C00, s15;
	s19 =	sadd.s32 s9, s5;
	v7 =	vmul.f32 v7, v6  }
.LBB2_42:
0x188: {  	p2 =	sne.s32 s20, $0x3F0;
	s9 =	sadd.s32 s7, s4;
	s6 =	sadd.s32 s6, s19  }
0x189: {  	s9 =	sadd.s32 s18, s9;
	[tilespmem:s6+$0x0] =	vst v7;
	s6 =	smov.u32 s18  }
0x18a: {  	v7 =	vld [tilespmem:s9+$0x0]  }
.Ltmp43:
0x18b: {  	(pc) =	sbr.rel @p2 .LBB2_42-.Ltmp43, $3  }
0x18c: {  	_ =	sdelay $0x1  }
0x18d: {  	s15 =	sadd.s32 $0x80, s15;
	s18 =	sand.u32 $0x70, s20  }
0x18e: {  	s19 =	sadd.s32 s7, s5;
	s20 =	sadd.s32 $0x10, s20;
	s7 =	sand.u32 $0x1C00, s15;
	v7 =	vmul.f32 v7, v6  }
0x18f: {  	s4 =	sadd.s32 s7, s4;
	s6 =	sadd.s32 s6, s19  }
0x190: {  	s4 =	sadd.s32 s18, s4;
	[tilespmem:s6+$0x0] =	vst v7  }
0x191: {  	v7 =	vld [tilespmem:s4+$0x0];
	_ =	sdelay $0x2  }
.Ltmp44:
0x192: {  	_ = 	snop;
	(pc) =	sbr.rel .LBB2_44-.Ltmp44, $4  }
0x193: {  	_ = 	snop  }
0x194: {  	s28 =	sadd.s32 s7, s5;
	v6 =	vmul.f32 v7, v6  }
0x195: {  	s4 =	sadd.s32 s18, s28  }
0x196: {  	[tilespmem:s4+$0x0] =	vst v6  }
.LBB2_46:
0x197: {  	p1 =	seq.s32 s23, $0x1  }
.Ltmp45:
0x198: {  	_ = 	snop;
	(pc) =	sbr.rel @p1 .LBB2_51-.Ltmp45, $2  }
0x199: {  	_ =	sdelay $0x2  }
0x19a: {  	s6 =	rddreg [dreg:$0xa]  }
0x19b: {  	p1 =	seq.s32 s23, $0x2  }
.Ltmp46:
0x19c: {  	_ = 	snop;
	(pc) =	sbr.rel @p1 .LBB2_14-.Ltmp46, $4  }
.Ltmp47:
0x19d: {  	_ = 	snop;
	(pc) =	sbr.rel @!p1 .LBB2_111-.Ltmp47, $4  }
0x19e: {  	_ = 	snop  }
0x19f: {  	_ = 	snop  }
0x1a0: {  	_ = 	snop  }
0x1a1: {  	_ = 	snop  }
.LBB2_51:
0x1a2: {  	p1 =	slt.u32 s21, $0x6  }
0x1a3: {  	p2 =	sge.s32 @!p1 s6, s1  }
0x1a4: {  	p2 =	por p1, p2  }
.Ltmp48:
0x1a5: {  	_ = 	snop;
	(pc) =	sbr.rel @p2 .LBB2_55-.Ltmp48, $4  }
0x1a6: {  	s4 =	simm.s32 @!p1 $0x2  }
0x1a7: {  	_ =	swait.ge @!p1 [sflag:s4], $0x4000  }
0x1a8: {  	[sflag:s4] =	ssyncset.done @!p1 $0x0  }
0x1a9: {  	[sflag:s4] =	ssyncadd.s32 @!p1 $0xFFFFC000;
	s4 =	smov.u32 s6  }
.LBB2_52:
0x1aa: {  	v6 =	vld [tilespmem:s4+$0x1C200];
	_ =	sdelay $0x4  }
0x1ab: {  	(v2sf) =	vpush v6, $0x0;
	_ =	sdelay $0xe  }
0x1ac: {  	s5 =	spop (v2sf)  }
0x1ad: {  	s6 =	ssub.s32 s5, s16  }
0x1ae: {  	s5 =	sshll.u32 s5, $0x7;
	s6 =	sshll.u32 s6, $0xA  }
0x1af: {  	s5 =	sand.u32 $0x380, s5;
	s6 =	sand.u32 $0xFFFFE000, s6  }
0x1b0: {  	s6 =	sor.u32 s5, s6;
	s5 =	simm.s32 $0x0  }
0x1b1: {  	s6 =	sadd.s32 $0x1C000, s6;
	s7 =	sand.u32 $0x1C00, s5  }
0x1b2: {  	s9 =	sand.u32 $0x70, s5;
	s11 =	sadd.s32 s7, s6  }
0x1b3: {  	s7 =	simm.s32 $0x10;
	s11 =	sadd.s32 s9, s11  }
.LBB2_53:
0x1b4: {  	p1 =	sne.s32 s7, $0x3F0  }
0x1b5: {  	[tilespmem:s11+$0x0] =	vst v2;
	s5 =	sadd.s32 $0x80, s5;
	s9 =	smov.u32 s7;
	s7 =	sadd.s32 $0x10, s7  }
.Ltmp49:
0x1b6: {  	(pc) =	sbr.rel @p1 .LBB2_53-.Ltmp49, $4  }
0x1b7: {  	_ = 	snop  }
0x1b8: {  	s11 =	sand.u32 $0x1C00, s5  }
0x1b9: {  	s9 =	sand.u32 $0x70, s9;
	s11 =	sadd.s32 s11, s6  }
0x1ba: {  	s11 =	sadd.s32 s9, s11  }
0x1bb: {  	s4 =	sadd.s32 $0x1, s4  }
0x1bc: {  	p1 =	sne.s32 s4, s1  }
.Ltmp50:
0x1bd: {  	_ = 	snop;
	(pc) =	sbr.rel @p1 .LBB2_52-.Ltmp50, $2  }
0x1be: {  	_ =	sdelay $0x2  }
0x1bf: {  	[tilespmem:s11+$0x0] =	vst v2  }
.LBB2_55:
0x1c0: {  	v6 =	vld [tilespmem:s17+$0x1C200];
	_ =	sdelay $0x4  }
0x1c1: {  	(v2sf) =	vpush v6, $0x0;
	_ =	sdelay $0xe  }
0x1c2: {  	s11 =	sadd.s32 $0x10, s16;
	s18 =	spop (v2sf)  }
0x1c3: {  	p1 =	sge.s32 s18, s11  }
.Ltmp51:
0x1c4: {  	_ = 	snop;
	(pc) =	sbr.rel @!p1 .LBB2_56-.Ltmp51, $2  }
0x1c5: {  	_ =	sdelay $0x2  }
0x1c6: {  	s22 =	smov.u32 s17  }
.LBB2_65:
0x1c7: {  	p1 =	sgt.s32 s23, $0x3  }
.Ltmp52:
0x1c8: {  	s4 =	rddreg [dreg:$0xc];
	(pc) =	sbr.rel @p1 .LBB2_68-.Ltmp52, $4  }
0x1c9: {  	s4 =	sshll.u32 s4, $0xB  }
0x1ca: {  	s5 =	rddreg [dreg:$0x3];
	s4 =	sand.u32 $0x1FFFF800, s4  }
0x1cb: {  	s28 =	simm.s32 $0x0;
	s6 =	simm.s32 $0x4000;
	s4 =	sadd.s32 s5, s4  }
0x1cc: {  	[hbm4b:s4+s28] =	stream.linear.scatter [tilespmem:s6], [sflag:$0x2], $0x4000, $0x38;
	[tilespmem:$0x1C980] =	vst v63  }
0x1cd: {  	p1 =	seq.s32 s23, $0x2  }
.Ltmp53:
0x1ce: {  	_ = 	snop;
	(pc) =	sbr.rel @p1 .LBB2_14-.Ltmp53, $1  }
0x1cf: {  	_ =	sdelay $0x3  }
0x1d0: {  	p1 =	seq.s32 s23, $0x3  }
.Ltmp54:
0x1d1: {  	_ = 	snop;
	(pc) =	sbr.rel @!p1 .LBB2_111-.Ltmp54, $1  }
0x1d2: {  	_ =	sdelay $0x3  }
.LBB2_80:
0x1d3: {  	p1 =	slt.u32 s21, $0x6  }
0x1d4: {  	p2 =	sge.s32 @!p1 s12, s0  }
0x1d5: {  	p2 =	por p1, p2  }
.Ltmp55:
0x1d6: {  	_ = 	snop;
	(pc) =	sbr.rel @p2 .LBB2_84-.Ltmp55, $4  }
0x1d7: {  	s4 =	simm.s32 @!p1 $0x4  }
0x1d8: {  	_ =	swait.ge @!p1 [sflag:s4], $0x4000  }
0x1d9: {  	[sflag:s4] =	ssyncset.done @!p1 $0x0  }
0x1da: {  	[sflag:s4] =	ssyncadd.s32 @!p1 $0xFFFFC000;
	s4 =	smov.u32 s12  }
.LBB2_81:
0x1db: {  	v6 =	vld [tilespmem:s4+$0x1C200];
	_ =	sdelay $0x4  }
0x1dc: {  	(v2sf) =	vpush v6, $0x0;
	_ =	sdelay $0xe  }
0x1dd: {  	s5 =	spop (v2sf)  }
0x1de: {  	s6 =	ssub.s32 s5, s16  }
0x1df: {  	s5 =	sshll.u32 s5, $0x7;
	s6 =	sshll.u32 s6, $0xA  }
0x1e0: {  	s5 =	sand.u32 $0x380, s5;
	s6 =	sand.u32 $0xFFFFE000, s6  }
0x1e1: {  	s6 =	sor.u32 s5, s6;
	s5 =	simm.s32 $0x0  }
0x1e2: {  	s6 =	sadd.s32 $0x24000, s6;
	s7 =	sand.u32 $0x1C00, s5  }
0x1e3: {  	s9 =	sand.u32 $0x70, s5;
	s11 =	sadd.s32 s7, s6  }
0x1e4: {  	s7 =	simm.s32 $0x10;
	s11 =	sadd.s32 s9, s11  }
.LBB2_82:
0x1e5: {  	p1 =	sne.s32 s7, $0x3F0  }
0x1e6: {  	[tilespmem:s11+$0x0] =	vst v2;
	s5 =	sadd.s32 $0x80, s5;
	s9 =	smov.u32 s7;
	s7 =	sadd.s32 $0x10, s7  }
.Ltmp56:
0x1e7: {  	(pc) =	sbr.rel @p1 .LBB2_82-.Ltmp56, $4  }
0x1e8: {  	_ = 	snop  }
0x1e9: {  	s11 =	sand.u32 $0x1C00, s5  }
0x1ea: {  	s9 =	sand.u32 $0x70, s9;
	s11 =	sadd.s32 s11, s6  }
0x1eb: {  	s11 =	sadd.s32 s9, s11  }
0x1ec: {  	s4 =	sadd.s32 $0x1, s4  }
0x1ed: {  	p1 =	sne.s32 s4, s0  }
.Ltmp57:
0x1ee: {  	_ = 	snop;
	(pc) =	sbr.rel @p1 .LBB2_81-.Ltmp57, $2  }
0x1ef: {  	_ =	sdelay $0x2  }
0x1f0: {  	[tilespmem:s11+$0x0] =	vst v2  }
.LBB2_84:
0x1f1: {  	v6 =	vld [tilespmem:s17+$0x1C200];
	_ =	sdelay $0x4  }
0x1f2: {  	(v2sf) =	vpush v6, $0x0;
	_ =	sdelay $0xe  }
0x1f3: {  	s11 =	sadd.s32 $0x10, s16;
	s18 =	spop (v2sf)  }
0x1f4: {  	p1 =	sge.s32 s18, s11  }
.Ltmp58:
0x1f5: {  	_ = 	snop;
	(pc) =	sbr.rel @!p1 .LBB2_85-.Ltmp58, $2  }
0x1f6: {  	_ =	sdelay $0x2  }
0x1f7: {  	s22 =	smov.u32 s17  }
.LBB2_94:
0x1f8: {  	p1 =	seq.s32 s23, $0x5  }
.Ltmp59:
0x1f9: {  	s4 =	rddreg [dreg:$0xc];
	(pc) =	sbr.rel @p1 .LBB2_24-.Ltmp59, $4  }
0x1fa: {  	s4 =	sshll.u32 s4, $0xB  }
0x1fb: {  	s5 =	rddreg [dreg:$0x3];
	s4 =	sand.u32 $0x1FFFF800, s4  }
0x1fc: {  	s28 =	simm.s32 $0x0;
	s6 =	simm.s32 $0xC000;
	s4 =	sadd.s32 s5, s4  }
0x1fd: {  	[hbm4b:s4+s28] =	stream.linear.scatter [tilespmem:s6], [sflag:$0x4], $0x4000, $0x38;
	[tilespmem:$0x1C980] =	vst v63  }
0x1fe: {  	p1 =	sne.s32 s23, $0x4  }
.Ltmp60:
0x1ff: {  	_ = 	snop;
	(pc) =	sbr.rel @!p1 .LBB2_96-.Ltmp60, $4  }
.Ltmp61:
0x200: {  	_ = 	snop;
	(pc) =	sbr.rel @p1 .LBB2_111-.Ltmp61, $4  }
0x201: {  	_ = 	snop  }
0x202: {  	_ = 	snop  }
0x203: {  	_ = 	snop  }
0x204: {  	_ = 	snop  }
.LBB2_93:
0x205: {  	s22 =	sadd.s32 $0x1, s22  }
0x206: {  	v6 =	vld [tilespmem:s22+$0x1C200];
	_ =	sdelay $0x4  }
0x207: {  	(v2sf) =	vpush v6, $0x0;
	_ =	sdelay $0xe  }
0x208: {  	s18 =	spop (v2sf)  }
0x209: {  	p1 =	slt.s32 s18, s11  }
.Ltmp62:
0x20a: {  	_ = 	snop;
	(pc) =	sbr.rel @!p1 .LBB2_94-.Ltmp62, $1  }
0x20b: {  	_ =	sdelay $0x3  }
.LBB2_85:
0x20c: {  	v6 =	vld [tilespmem:s22+$0x1C480]  }
0x20d: {  	v7 =	vld [tilespmem:s22+$0x1C481];
	_ =	sdelay $0x3  }
0x20e: {  	(v2sf) =	vpush v6, $0x0  }
0x20f: {  	(v2sf) =	vpush v7, $0x0;
	_ =	sdelay $0x8  }
0x210: {  	s4 =	sand.u32 $0x1, s22  }
0x211: {  	p1 =	seq.s32 s4, $0x0  }
.Ltmp63:
0x212: {  	_ = 	snop;
	(pc) =	sbr.rel @p1 .LBB2_87-.Ltmp63, $3  }
0x213: {  	_ =	sdelay $0x1  }
0x214: {  	s7 =	spop (v2sf)  }
0x215: {  	s6 =	ssub.s32 s18, s16;
	s5 =	spop (v2sf);
	v6 =	vld [tilespmem:s7+$0x1C700];
	s4 =	sand.u32 $0x7, s7  }
.Ltmp64:
0x216: {  	_ = 	snop;
	(pc) =	sbr.rel .LBB2_90-.Ltmp64, $4  }
0x217: {  	_ = 	snop  }
0x218: {  	s5 =	sshll.u32 s5, $0x7;
	s20 =	sshll.u32 s6, $0xA  }
0x219: {  	s24 =	sshll.u32 s18, $0x7;
	s25 =	sshll.u32 s4, $0x9;
	s5 =	sand.u32 $0xFFFFC00, s5  }
0x21a: {  	s28 =	sand.u32 $0xFFFFE000, s20;
	s18 =	sand.u32 $0x380, s24;
	s26 =	sadd.s32 s8, s5;
	v6 =	vbroadcast v6, $0x0  }
.LBB2_87:
0x21b: {  	_ =	swait.ge [sflag:s14], $0x2000;
	s5 =	sshll.u32 s5, $0x7;
	s15 =	simm.s32 $0x0  }
0x21c: {  	s7 =	simm.s32 $0x1A000;
	s25 =	sshll.u32 s4, $0x9;
	[sflag:s14] =	ssyncset.done $0x0  }
0x21d: {  	s5 =	sand.u32 $0xFFFFC00, s5;
	s4 =	sshrl.u32 s25, $0x2;
	s9 =	sand.u32 $0x1C00, s15  }
0x21e: {  	[sflag:s14] =	ssyncadd.s32 $0xFFFFE000;
	s26 =	sadd.s32 s8, s5;
	s4 =	sor.u32 $0x18000, s4  }
0x21f: {  	[tilespmem:s7], [sflag:$0x7] =	stream.linear.gather [hbm4b:s26+s15], $0x2000, $0x38;
	[tilespmem:$0x1C980] =	vst v63  }
0x220: {  	s5 =	sand.u32 $0x70, s15;
	s19 =	sadd.s32 s9, s4  }
0x221: {  	s7 =	sadd.s32 s5, s19  }
0x222: {  	v7 =	vld [tilespmem:s7+$0x0]  }
0x223: {  	s6 =	sshll.u32 s6, $0xA;
	s20 =	sshll.u32 s18, $0x7  }
0x224: {  	s28 =	sand.u32 $0xFFFFE000, s6;
	s18 =	sand.u32 $0x380, s20  }
0x225: {  	s24 =	simm.s32 $0x10;
	s6 =	sor.u32 s18, s28;
	v6 =	vbroadcast v6, $0x0  }
0x226: {  	s24 =	sand.u32 $0x70, s24;
	s6 =	sadd.s32 $0xC000, s6;
	s15 =	simm.s32 $0x80  }
0x227: {  	s20 =	simm.s32 $0x20;
	s19 =	sadd.s32 s9, s6;
	s7 =	sand.u32 $0x1C00, s15;
	v7 =	vmul.f32 v7, v6  }
.LBB2_88:
0x228: {  	p2 =	sne.s32 s20, $0x3F0;
	s9 =	sadd.s32 s7, s4;
	s5 =	sadd.s32 s5, s19  }
0x229: {  	s9 =	sadd.s32 s24, s9;
	[tilespmem:s5+$0x0] =	vst v7;
	s5 =	smov.u32 s24  }
0x22a: {  	v7 =	vld [tilespmem:s9+$0x0]  }
.Ltmp65:
0x22b: {  	(pc) =	sbr.rel @p2 .LBB2_88-.Ltmp65, $3  }
0x22c: {  	_ =	sdelay $0x1  }
0x22d: {  	s15 =	sadd.s32 $0x80, s15;
	s24 =	sand.u32 $0x70, s20  }
0x22e: {  	s19 =	sadd.s32 s7, s6;
	s20 =	sadd.s32 $0x10, s20;
	s7 =	sand.u32 $0x1C00, s15;
	v7 =	vmul.f32 v7, v6  }
0x22f: {  	s4 =	sadd.s32 s7, s4;
	s5 =	sadd.s32 s5, s19  }
0x230: {  	s4 =	sadd.s32 s24, s4;
	[tilespmem:s5+$0x0] =	vst v7  }
0x231: {  	v7 =	vld [tilespmem:s4+$0x0];
	_ =	sdelay $0x2  }
.Ltmp66:
0x232: {  	_ = 	snop;
	(pc) =	sbr.rel @p1 .LBB2_93-.Ltmp66, $4  }
0x233: {  	_ = 	snop  }
0x234: {  	s20 =	sadd.s32 s7, s6;
	v7 =	vmul.f32 v7, v6  }
0x235: {  	s4 =	sadd.s32 s24, s20  }
0x236: {  	[tilespmem:s4+$0x0] =	vst v7  }
.LBB2_90:
0x237: {  	_ =	swait.ge [sflag:s14], $0x2000  }
0x238: {  	s5 =	simm.s32 $0x0;
	s4 =	sshrl.u32 s25, $0x2;
	[sflag:s14] =	ssyncset.done $0x0  }
0x239: {  	s4 =	sor.u32 $0x1A000, s4;
	s9 =	sand.u32 $0x1C00, s5;
	[sflag:s14] =	ssyncadd.s32 $0xFFFFE000  }
0x23a: {  	[tilespmem:s13], [sflag:$0x7] =	stream.linear.gather [hbm4b:s26+s5], $0x2000, $0x38;
	[tilespmem:$0x1C980] =	vst v63  }
0x23b: {  	s6 =	sand.u32 $0x70, s5;
	s26 =	sadd.s32 s9, s4  }
0x23c: {  	s5 =	sadd.s32 s6, s26  }
0x23d: {  	v7 =	vld [tilespmem:s5+$0x0];
	_ =	sdelay $0x2  }
0x23e: {  	s28 =	sadd.s32 s18, s28;
	s7 =	simm.s32 $0x10  }
0x23f: {  	s15 =	simm.s32 $0x80;
	s20 =	simm.s32 $0x20;
	s5 =	sadd.s32 $0xC000, s28  }
0x240: {  	s18 =	sand.u32 $0x70, s7;
	s7 =	sand.u32 $0x1C00, s15;
	s19 =	sadd.s32 s9, s5;
	v7 =	vmul.f32 v7, v6  }
.LBB2_91:
0x241: {  	p1 =	sne.s32 s20, $0x3F0;
	s9 =	sadd.s32 s7, s4;
	s6 =	sadd.s32 s6, s19  }
0x242: {  	s9 =	sadd.s32 s18, s9;
	[tilespmem:s6+$0x0] =	vst v7;
	s6 =	smov.u32 s18  }
0x243: {  	v7 =	vld [tilespmem:s9+$0x0]  }
.Ltmp67:
0x244: {  	(pc) =	sbr.rel @p1 .LBB2_91-.Ltmp67, $3  }
0x245: {  	_ =	sdelay $0x1  }
0x246: {  	s15 =	sadd.s32 $0x80, s15;
	s18 =	sand.u32 $0x70, s20  }
0x247: {  	s19 =	sadd.s32 s7, s5;
	s20 =	sadd.s32 $0x10, s20;
	s7 =	sand.u32 $0x1C00, s15;
	v7 =	vmul.f32 v7, v6  }
0x248: {  	s4 =	sadd.s32 s7, s4;
	s6 =	sadd.s32 s6, s19  }
0x249: {  	s4 =	sadd.s32 s18, s4;
	[tilespmem:s6+$0x0] =	vst v7  }
0x24a: {  	v7 =	vld [tilespmem:s4+$0x0];
	_ =	sdelay $0x2  }
.Ltmp68:
0x24b: {  	_ = 	snop;
	(pc) =	sbr.rel .LBB2_93-.Ltmp68, $4  }
0x24c: {  	_ = 	snop  }
0x24d: {  	s28 =	sadd.s32 s7, s5;
	v6 =	vmul.f32 v7, v6  }
0x24e: {  	s4 =	sadd.s32 s18, s28  }
0x24f: {  	[tilespmem:s4+$0x0] =	vst v6  }
.LBB2_64:
0x250: {  	s22 =	sadd.s32 $0x1, s22  }
0x251: {  	v6 =	vld [tilespmem:s22+$0x1C200];
	_ =	sdelay $0x4  }
0x252: {  	(v2sf) =	vpush v6, $0x0;
	_ =	sdelay $0xe  }
0x253: {  	s18 =	spop (v2sf)  }
0x254: {  	p1 =	slt.s32 s18, s11  }
.Ltmp69:
0x255: {  	_ = 	snop;
	(pc) =	sbr.rel @!p1 .LBB2_65-.Ltmp69, $1  }
0x256: {  	_ =	sdelay $0x3  }
.LBB2_56:
0x257: {  	v6 =	vld [tilespmem:s22+$0x1C480]  }
0x258: {  	v7 =	vld [tilespmem:s22+$0x1C481];
	_ =	sdelay $0x3  }
0x259: {  	(v2sf) =	vpush v6, $0x0  }
0x25a: {  	(v2sf) =	vpush v7, $0x0;
	_ =	sdelay $0x9  }
0x25b: {  	s5 =	sand.u32 $0x1, s22  }
0x25c: {  	p1 =	seq.s32 s5, $0x0  }
.Ltmp70:
0x25d: {  	_ = 	snop;
	(pc) =	sbr.rel @p1 .LBB2_58-.Ltmp70, $4  }
0x25e: {  	_ = 	snop  }
0x25f: {  	s4 =	spop (v2sf)  }
0x260: {  	s7 =	spop (v2sf);
	s9 =	sand.u32 $0x7, s4  }
0x261: {  	s6 =	ssub.s32 s18, s16;
	v6 =	vld [tilespmem:s4+$0x1C700];
	s4 =	sshll.u32 s7, $0x7;
	s26 =	sshll.u32 s9, $0x9  }
.Ltmp71:
0x262: {  	_ = 	snop;
	(pc) =	sbr.rel .LBB2_61-.Ltmp71, $3  }
0x263: {  	_ =	sdelay $0x1  }
0x264: {  	s4 =	sand.u32 $0xFFFFC00, s4;
	s5 =	sshll.u32 s6, $0xA;
	s24 =	sshll.u32 s18, $0x7  }
0x265: {  	s25 =	sadd.s32 s8, s4;
	s28 =	sand.u32 $0xFFFFE000, s5;
	s18 =	sand.u32 $0x380, s24;
	v6 =	vbroadcast v6, $0x0  }
.LBB2_58:
0x266: {  	_ =	swait.ge [sflag:s14], $0x2000  }
0x267: {  	s4 =	sand.u32 $0xFFFFC00, s4;
	s5 =	simm.s32 $0x0;
	s15 =	simm.s32 $0x1A000  }
0x268: {  	s19 =	sshrl.u32 s26, $0x2;
	[sflag:s14] =	ssyncset.done $0x0;
	s25 =	sadd.s32 s8, s4  }
0x269: {  	s4 =	sor.u32 $0x18000, s19;
	s9 =	sand.u32 $0x1C00, s5;
	[sflag:s14] =	ssyncadd.s32 $0xFFFFE000  }
0x26a: {  	[tilespmem:s15], [sflag:$0x7] =	stream.linear.gather [hbm4b:s25+s5], $0x2000, $0x38;
	[tilespmem:$0x1C980] =	vst v63  }
0x26b: {  	s7 =	sadd.s32 s9, s4;
	s5 =	sand.u32 $0x70, s5  }
0x26c: {  	s7 =	sadd.s32 s5, s7  }
0x26d: {  	v7 =	vld [tilespmem:s7+$0x0]  }
0x26e: {  	s6 =	sshll.u32 s6, $0xA;
	s20 =	sshll.u32 s18, $0x7  }
0x26f: {  	s28 =	sand.u32 $0xFFFFE000, s6;
	s18 =	sand.u32 $0x380, s20  }
0x270: {  	s24 =	simm.s32 $0x10;
	s6 =	sor.u32 s18, s28;
	v6 =	vbroadcast v6, $0x0  }
0x271: {  	s24 =	sand.u32 $0x70, s24;
	s6 =	sadd.s32 $0x4000, s6;
	s15 =	simm.s32 $0x80  }
0x272: {  	s20 =	simm.s32 $0x20;
	s19 =	sadd.s32 s9, s6;
	s7 =	sand.u32 $0x1C00, s15;
	v7 =	vmul.f32 v7, v6  }
.LBB2_59:
0x273: {  	p2 =	sne.s32 s20, $0x3F0;
	s9 =	sadd.s32 s7, s4;
	s5 =	sadd.s32 s5, s19  }
0x274: {  	s9 =	sadd.s32 s24, s9;
	[tilespmem:s5+$0x0] =	vst v7;
	s5 =	smov.u32 s24  }
0x275: {  	v7 =	vld [tilespmem:s9+$0x0]  }
.Ltmp72:
0x276: {  	(pc) =	sbr.rel @p2 .LBB2_59-.Ltmp72, $3  }
0x277: {  	_ =	sdelay $0x1  }
0x278: {  	s15 =	sadd.s32 $0x80, s15;
	s24 =	sand.u32 $0x70, s20  }
0x279: {  	s19 =	sadd.s32 s7, s6;
	s20 =	sadd.s32 $0x10, s20;
	s7 =	sand.u32 $0x1C00, s15;
	v7 =	vmul.f32 v7, v6  }
0x27a: {  	s4 =	sadd.s32 s7, s4;
	s5 =	sadd.s32 s5, s19  }
0x27b: {  	s4 =	sadd.s32 s24, s4;
	[tilespmem:s5+$0x0] =	vst v7  }
0x27c: {  	v7 =	vld [tilespmem:s4+$0x0];
	_ =	sdelay $0x2  }
.Ltmp73:
0x27d: {  	_ = 	snop;
	(pc) =	sbr.rel @p1 .LBB2_64-.Ltmp73, $4  }
0x27e: {  	_ = 	snop  }
0x27f: {  	s20 =	sadd.s32 s7, s6;
	v7 =	vmul.f32 v7, v6  }
0x280: {  	s4 =	sadd.s32 s24, s20  }
0x281: {  	[tilespmem:s4+$0x0] =	vst v7  }
.LBB2_61:
0x282: {  	_ =	swait.ge [sflag:s14], $0x2000;
	s5 =	simm.s32 $0x0;
	s4 =	sshrl.u32 s26, $0x2  }
0x283: {  	[sflag:s14] =	ssyncset.done $0x0;
	s4 =	sor.u32 $0x1A000, s4;
	s9 =	sand.u32 $0x1C00, s5  }
0x284: {  	s6 =	sand.u32 $0x70, s5;
	[sflag:s14] =	ssyncadd.s32 $0xFFFFE000;
	s26 =	sadd.s32 s9, s4  }
0x285: {  	[tilespmem:s13], [sflag:$0x7] =	stream.linear.gather [hbm4b:s25+s5], $0x2000, $0x38;
	[tilespmem:$0x1C980] =	vst v63  }
0x286: {  	s5 =	sadd.s32 s6, s26  }
0x287: {  	v7 =	vld [tilespmem:s5+$0x0];
	_ =	sdelay $0x2  }
0x288: {  	s28 =	sadd.s32 s18, s28;
	s7 =	simm.s32 $0x10  }
0x289: {  	s15 =	simm.s32 $0x80;
	s20 =	simm.s32 $0x20;
	s5 =	sadd.s32 $0x4000, s28  }
0x28a: {  	s18 =	sand.u32 $0x70, s7;
	s7 =	sand.u32 $0x1C00, s15;
	s19 =	sadd.s32 s9, s5;
	v7 =	vmul.f32 v7, v6  }
.LBB2_62:
0x28b: {  	p1 =	sne.s32 s20, $0x3F0;
	s9 =	sadd.s32 s7, s4;
	s6 =	sadd.s32 s6, s19  }
0x28c: {  	s9 =	sadd.s32 s18, s9;
	[tilespmem:s6+$0x0] =	vst v7;
	s6 =	smov.u32 s18  }
0x28d: {  	v7 =	vld [tilespmem:s9+$0x0]  }
.Ltmp74:
0x28e: {  	(pc) =	sbr.rel @p1 .LBB2_62-.Ltmp74, $3  }
0x28f: {  	_ =	sdelay $0x1  }
0x290: {  	s15 =	sadd.s32 $0x80, s15;
	s18 =	sand.u32 $0x70, s20  }
0x291: {  	s19 =	sadd.s32 s7, s5;
	s20 =	sadd.s32 $0x10, s20;
	s7 =	sand.u32 $0x1C00, s15;
	v7 =	vmul.f32 v7, v6  }
0x292: {  	s4 =	sadd.s32 s7, s4;
	s6 =	sadd.s32 s6, s19  }
0x293: {  	s4 =	sadd.s32 s18, s4;
	[tilespmem:s6+$0x0] =	vst v7  }
0x294: {  	v7 =	vld [tilespmem:s4+$0x0];
	_ =	sdelay $0x2  }
.Ltmp75:
0x295: {  	_ = 	snop;
	(pc) =	sbr.rel .LBB2_64-.Ltmp75, $4  }
0x296: {  	_ = 	snop  }
0x297: {  	s28 =	sadd.s32 s7, s5;
	v6 =	vmul.f32 v7, v6  }
0x298: {  	s4 =	sadd.s32 s18, s28  }
0x299: {  	[tilespmem:s4+$0x0] =	vst v6  }
.LBB2_68:
0x29a: {  	p1 =	seq.s32 s23, $0x4  }
.Ltmp76:
0x29b: {  	_ = 	snop;
	(pc) =	sbr.rel @p1 .LBB2_96-.Ltmp76, $1  }
0x29c: {  	_ =	sdelay $0x3  }
0x29d: {  	p1 =	seq.s32 s23, $0x5  }
.Ltmp77:
0x29e: {  	_ = 	snop;
	(pc) =	sbr.rel @!p1 .LBB2_111-.Ltmp77, $1  }
0x29f: {  	_ =	sdelay $0x3  }
.LBB2_24:
0x2a0: {  	p1 =	slt.u32 s21, $0x6  }
0x2a1: {  	p2 =	sge.s32 @!p1 s29, s30  }
0x2a2: {  	p2 =	por p1, p2  }
.Ltmp78:
0x2a3: {  	_ = 	snop;
	(pc) =	sbr.rel @p2 .LBB2_28-.Ltmp78, $4  }
0x2a4: {  	s4 =	simm.s32 @!p1 $0x6  }
0x2a5: {  	_ =	swait.ge @!p1 [sflag:s4], $0x4000  }
0x2a6: {  	[sflag:s4] =	ssyncset.done @!p1 $0x0  }
0x2a7: {  	[sflag:s4] =	ssyncadd.s32 @!p1 $0xFFFFC000;
	s4 =	smov.u32 s29  }
.LBB2_25:
0x2a8: {  	v6 =	vld [tilespmem:s4+$0x1C200];
	_ =	sdelay $0x4  }
0x2a9: {  	(v2sf) =	vpush v6, $0x0;
	_ =	sdelay $0xe  }
0x2aa: {  	s5 =	spop (v2sf)  }
0x2ab: {  	s6 =	ssub.s32 s5, s16  }
0x2ac: {  	s5 =	sshll.u32 s5, $0x7;
	s6 =	sshll.u32 s6, $0xA  }
0x2ad: {  	s5 =	sand.u32 $0x380, s5;
	s6 =	sand.u32 $0xFFFFE000, s6  }
0x2ae: {  	s6 =	sor.u32 s5, s6;
	s5 =	simm.s32 $0x0  }
0x2af: {  	s6 =	sadd.s32 $0x2C000, s6;
	s7 =	sand.u32 $0x1C00, s5  }
0x2b0: {  	s9 =	sand.u32 $0x70, s5;
	s11 =	sadd.s32 s7, s6  }
0x2b1: {  	s7 =	simm.s32 $0x10;
	s11 =	sadd.s32 s9, s11  }
.LBB2_26:
0x2b2: {  	p1 =	sne.s32 s7, $0x3F0  }
0x2b3: {  	[tilespmem:s11+$0x0] =	vst v2;
	s5 =	sadd.s32 $0x80, s5;
	s9 =	smov.u32 s7;
	s7 =	sadd.s32 $0x10, s7  }
.Ltmp79:
0x2b4: {  	(pc) =	sbr.rel @p1 .LBB2_26-.Ltmp79, $4  }
0x2b5: {  	_ = 	snop  }
0x2b6: {  	s11 =	sand.u32 $0x1C00, s5  }
0x2b7: {  	s9 =	sand.u32 $0x70, s9;
	s11 =	sadd.s32 s11, s6  }
0x2b8: {  	s11 =	sadd.s32 s9, s11  }
0x2b9: {  	s4 =	sadd.s32 $0x1, s4  }
0x2ba: {  	p1 =	sne.s32 s4, s30  }
.Ltmp80:
0x2bb: {  	_ = 	snop;
	(pc) =	sbr.rel @p1 .LBB2_25-.Ltmp80, $2  }
0x2bc: {  	_ =	sdelay $0x2  }
0x2bd: {  	[tilespmem:s11+$0x0] =	vst v2  }
.LBB2_28:
0x2be: {  	v6 =	vld [tilespmem:s17+$0x1C200];
	_ =	sdelay $0x4  }
0x2bf: {  	(v2sf) =	vpush v6, $0x0;
	_ =	sdelay $0xe  }
0x2c0: {  	s11 =	sadd.s32 $0x10, s16;
	s18 =	spop (v2sf)  }
0x2c1: {  	p1 =	sge.s32 s18, s11  }
.Ltmp81:
0x2c2: {  	_ = 	snop;
	(pc) =	sbr.rel @!p1 .LBB2_29-.Ltmp81, $2  }
0x2c3: {  	_ =	sdelay $0x2  }
0x2c4: {  	s22 =	smov.u32 s17  }
.LBB2_119:
.Ltmp82:
0x2c5: {  	s4 =	rddreg [dreg:$0xc];
	(pc) =	sbr.rel .LBB2_120-.Ltmp82, $4  }
0x2c6: {  	s4 =	sshll.u32 s4, $0xB  }
0x2c7: {  	s5 =	rddreg [dreg:$0x3];
	s4 =	sand.u32 $0x1FFFF800, s4  }
0x2c8: {  	s28 =	simm.s32 $0x0;
	s6 =	simm.s32 $0x14000;
	s4 =	sadd.s32 s5, s4  }
0x2c9: {  	[hbm4b:s4+s28] =	stream.linear.scatter [tilespmem:s6], [sflag:$0x6], $0x4000, $0x38;
	[tilespmem:$0x1C980] =	vst v63  }
.LBB2_118:
0x2ca: {  	s22 =	sadd.s32 $0x1, s22  }
0x2cb: {  	v6 =	vld [tilespmem:s22+$0x1C200];
	_ =	sdelay $0x4  }
0x2cc: {  	(v2sf) =	vpush v6, $0x0;
	_ =	sdelay $0xe  }
0x2cd: {  	s18 =	spop (v2sf)  }
0x2ce: {  	p1 =	slt.s32 s18, s11  }
.Ltmp83:
0x2cf: {  	_ = 	snop;
	(pc) =	sbr.rel @!p1 .LBB2_119-.Ltmp83, $1  }
0x2d0: {  	_ =	sdelay $0x3  }
.LBB2_29:
0x2d1: {  	v6 =	vld [tilespmem:s22+$0x1C480];
	_ =	sdelay $0x3  }
0x2d2: {  	v7 =	vld [tilespmem:s22+$0x1C481]  }
0x2d3: {  	(v2sf) =	vpush v6, $0x0;
	_ =	sdelay $0x3  }
0x2d4: {  	(v2sf) =	vpush v7, $0x0;
	_ =	sdelay $0xa  }
0x2d5: {  	s7 =	sand.u32 $0x1, s22;
	s4 =	spop (v2sf)  }
0x2d6: {  	p1 =	seq.s32 s7, $0x0;
	v6 =	vld [tilespmem:s4+$0x1C700]  }
.Ltmp84:
0x2d7: {  	_ = 	snop;
	(pc) =	sbr.rel @p1 .LBB2_112-.Ltmp84, $4  }
0x2d8: {  	_ = 	snop  }
0x2d9: {  	s5 =	spop (v2sf)  }
0x2da: {  	s6 =	ssub.s32 s18, s16;
	s4 =	sand.u32 $0x7, s4;
	s5 =	sshll.u32 s5, $0x7  }
0x2db: {  	s6 =	sshll.u32 s6, $0xA;
	s26 =	sshll.u32 s4, $0x9;
	s4 =	sand.u32 $0xFFFFC00, s5;
	v6 =	vbroadcast v6, $0x0  }
.Ltmp85:
0x2dc: {  	(pc) =	sbr.rel .LBB2_115-.Ltmp85, $3  }
0x2dd: {  	_ =	sdelay $0x1  }
0x2de: {  	s5 =	sshll.u32 s18, $0x7  }
0x2df: {  	s25 =	sadd.s32 s8, s4;
	s28 =	sand.u32 $0xFFFFE000, s6;
	s18 =	sand.u32 $0x380, s5  }
.LBB2_112:
0x2e0: {  	_ =	swait.ge [sflag:s14], $0x2000;
	s25 =	sadd.s32 s8, s4;
	s5 =	simm.s32 $0x0  }
0x2e1: {  	s15 =	simm.s32 $0x1A000;
	s19 =	sshrl.u32 s26, $0x2;
	[sflag:s14] =	ssyncset.done $0x0  }
0x2e2: {  	s4 =	sor.u32 $0x18000, s19;
	s9 =	sand.u32 $0x1C00, s5;
	[sflag:s14] =	ssyncadd.s32 $0xFFFFE000  }
0x2e3: {  	[tilespmem:s15], [sflag:$0x7] =	stream.linear.gather [hbm4b:s25+s5], $0x2000, $0x38;
	[tilespmem:$0x1C980] =	vst v63  }
0x2e4: {  	s7 =	sadd.s32 s9, s4;
	s5 =	sand.u32 $0x70, s5  }
0x2e5: {  	s7 =	sadd.s32 s5, s7  }
0x2e6: {  	v7 =	vld [tilespmem:s7+$0x0]  }
0x2e7: {  	s20 =	sshll.u32 s18, $0x7  }
0x2e8: {  	s28 =	sand.u32 $0xFFFFE000, s6;
	s18 =	sand.u32 $0x380, s20  }
0x2e9: {  	s24 =	simm.s32 $0x10;
	s6 =	sor.u32 s18, s28  }
0x2ea: {  	s24 =	sand.u32 $0x70, s24;
	s6 =	sadd.s32 $0x14000, s6;
	s15 =	simm.s32 $0x80  }
0x2eb: {  	s20 =	simm.s32 $0x20;
	s19 =	sadd.s32 s9, s6;
	s7 =	sand.u32 $0x1C00, s15;
	v7 =	vmul.f32 v7, v6  }
.LBB2_113:
0x2ec: {  	p2 =	sne.s32 s20, $0x3F0;
	s9 =	sadd.s32 s7, s4;
	s5 =	sadd.s32 s5, s19  }
0x2ed: {  	s9 =	sadd.s32 s24, s9;
	[tilespmem:s5+$0x0] =	vst v7;
	s5 =	smov.u32 s24  }
0x2ee: {  	v7 =	vld [tilespmem:s9+$0x0]  }
.Ltmp86:
0x2ef: {  	(pc) =	sbr.rel @p2 .LBB2_113-.Ltmp86, $3  }
0x2f0: {  	_ =	sdelay $0x1  }
0x2f1: {  	s15 =	sadd.s32 $0x80, s15;
	s24 =	sand.u32 $0x70, s20  }
0x2f2: {  	s19 =	sadd.s32 s7, s6;
	s20 =	sadd.s32 $0x10, s20;
	s7 =	sand.u32 $0x1C00, s15;
	v7 =	vmul.f32 v7, v6  }
0x2f3: {  	s4 =	sadd.s32 s7, s4;
	s5 =	sadd.s32 s5, s19  }
0x2f4: {  	s4 =	sadd.s32 s24, s4;
	[tilespmem:s5+$0x0] =	vst v7  }
0x2f5: {  	v7 =	vld [tilespmem:s4+$0x0];
	_ =	sdelay $0x2  }
.Ltmp87:
0x2f6: {  	_ = 	snop;
	(pc) =	sbr.rel @p1 .LBB2_118-.Ltmp87, $4  }
0x2f7: {  	_ = 	snop  }
0x2f8: {  	s20 =	sadd.s32 s7, s6;
	v7 =	vmul.f32 v7, v6  }
0x2f9: {  	s4 =	sadd.s32 s24, s20  }
0x2fa: {  	[tilespmem:s4+$0x0] =	vst v7  }
.LBB2_115:
0x2fb: {  	_ =	swait.ge [sflag:s14], $0x2000;
	s5 =	simm.s32 $0x0;
	s4 =	sshrl.u32 s26, $0x2  }
0x2fc: {  	[sflag:s14] =	ssyncset.done $0x0;
	s4 =	sor.u32 $0x1A000, s4;
	s9 =	sand.u32 $0x1C00, s5  }
0x2fd: {  	s6 =	sand.u32 $0x70, s5;
	[sflag:s14] =	ssyncadd.s32 $0xFFFFE000;
	s26 =	sadd.s32 s9, s4  }
0x2fe: {  	[tilespmem:s13], [sflag:$0x7] =	stream.linear.gather [hbm4b:s25+s5], $0x2000, $0x38;
	[tilespmem:$0x1C980] =	vst v63  }
0x2ff: {  	s5 =	sadd.s32 s6, s26  }
0x300: {  	v7 =	vld [tilespmem:s5+$0x0];
	_ =	sdelay $0x2  }
0x301: {  	s28 =	sadd.s32 s18, s28;
	s7 =	simm.s32 $0x10  }
0x302: {  	s15 =	simm.s32 $0x80;
	s20 =	simm.s32 $0x20;
	s5 =	sadd.s32 $0x14000, s28  }
0x303: {  	s18 =	sand.u32 $0x70, s7;
	s7 =	sand.u32 $0x1C00, s15;
	s19 =	sadd.s32 s9, s5;
	v7 =	vmul.f32 v7, v6  }
.LBB2_116:
0x304: {  	p1 =	sne.s32 s20, $0x3F0;
	s9 =	sadd.s32 s7, s4;
	s6 =	sadd.s32 s6, s19  }
0x305: {  	s9 =	sadd.s32 s18, s9;
	[tilespmem:s6+$0x0] =	vst v7;
	s6 =	smov.u32 s18  }
0x306: {  	v7 =	vld [tilespmem:s9+$0x0]  }
.Ltmp88:
0x307: {  	(pc) =	sbr.rel @p1 .LBB2_116-.Ltmp88, $3  }
0x308: {  	_ =	sdelay $0x1  }
0x309: {  	s15 =	sadd.s32 $0x80, s15;
	s18 =	sand.u32 $0x70, s20  }
0x30a: {  	s19 =	sadd.s32 s7, s5;
	s20 =	sadd.s32 $0x10, s20;
	s7 =	sand.u32 $0x1C00, s15;
	v7 =	vmul.f32 v7, v6  }
0x30b: {  	s4 =	sadd.s32 s7, s4;
	s6 =	sadd.s32 s6, s19  }
0x30c: {  	s4 =	sadd.s32 s18, s4;
	[tilespmem:s6+$0x0] =	vst v7  }
0x30d: {  	v7 =	vld [tilespmem:s4+$0x0];
	_ =	sdelay $0x2  }
.Ltmp89:
0x30e: {  	_ = 	snop;
	(pc) =	sbr.rel .LBB2_118-.Ltmp89, $4  }
0x30f: {  	_ = 	snop  }
0x310: {  	s28 =	sadd.s32 s7, s5;
	v6 =	vmul.f32 v7, v6  }
0x311: {  	s4 =	sadd.s32 s18, s28  }
0x312: {  	[tilespmem:s4+$0x0] =	vst v6  }
.LBB2_96:
0x313: {  	p1 =	slt.u32 s21, $0x6  }
0x314: {  	p2 =	sge.s32 @!p1 s10, s31  }
0x315: {  	p2 =	por p1, p2  }
.Ltmp90:
0x316: {  	_ = 	snop;
	(pc) =	sbr.rel @p2 .LBB2_100-.Ltmp90, $4  }
0x317: {  	s4 =	simm.s32 @!p1 $0x5  }
0x318: {  	_ =	swait.ge @!p1 [sflag:s4], $0x4000  }
0x319: {  	[sflag:s4] =	ssyncset.done @!p1 $0x0  }
0x31a: {  	[sflag:s4] =	ssyncadd.s32 @!p1 $0xFFFFC000;
	s4 =	smov.u32 s10  }
.LBB2_97:
0x31b: {  	v6 =	vld [tilespmem:s4+$0x1C200];
	_ =	sdelay $0x4  }
0x31c: {  	(v2sf) =	vpush v6, $0x0;
	_ =	sdelay $0xe  }
0x31d: {  	s5 =	spop (v2sf)  }
0x31e: {  	s6 =	ssub.s32 s5, s16  }
0x31f: {  	s5 =	sshll.u32 s5, $0x7;
	s6 =	sshll.u32 s6, $0xA  }
0x320: {  	s5 =	sand.u32 $0x380, s5;
	s6 =	sand.u32 $0xFFFFE000, s6  }
0x321: {  	s6 =	sor.u32 s5, s6;
	s5 =	simm.s32 $0x0  }
0x322: {  	s6 =	sadd.s32 $0x28000, s6;
	s7 =	sand.u32 $0x1C00, s5  }
0x323: {  	s9 =	sand.u32 $0x70, s5;
	s11 =	sadd.s32 s7, s6  }
0x324: {  	s7 =	simm.s32 $0x10;
	s11 =	sadd.s32 s9, s11  }
.LBB2_98:
0x325: {  	p1 =	sne.s32 s7, $0x3F0  }
0x326: {  	[tilespmem:s11+$0x0] =	vst v2;
	s5 =	sadd.s32 $0x80, s5;
	s9 =	smov.u32 s7;
	s7 =	sadd.s32 $0x10, s7  }
.Ltmp91:
0x327: {  	(pc) =	sbr.rel @p1 .LBB2_98-.Ltmp91, $4  }
0x328: {  	_ = 	snop  }
0x329: {  	s11 =	sand.u32 $0x1C00, s5  }
0x32a: {  	s9 =	sand.u32 $0x70, s9;
	s11 =	sadd.s32 s11, s6  }
0x32b: {  	s11 =	sadd.s32 s9, s11  }
0x32c: {  	s4 =	sadd.s32 $0x1, s4  }
0x32d: {  	p1 =	sne.s32 s4, s31  }
.Ltmp92:
0x32e: {  	_ = 	snop;
	(pc) =	sbr.rel @p1 .LBB2_97-.Ltmp92, $2  }
0x32f: {  	_ =	sdelay $0x2  }
0x330: {  	[tilespmem:s11+$0x0] =	vst v2  }
.LBB2_100:
0x331: {  	v6 =	vld [tilespmem:s17+$0x1C200];
	_ =	sdelay $0x4  }
0x332: {  	(v2sf) =	vpush v6, $0x0;
	_ =	sdelay $0xe  }
0x333: {  	s11 =	sadd.s32 $0x10, s16;
	s18 =	spop (v2sf)  }
0x334: {  	p1 =	sge.s32 s18, s11  }
.Ltmp93:
0x335: {  	_ = 	snop;
	(pc) =	sbr.rel @!p1 .LBB2_101-.Ltmp93, $2  }
0x336: {  	_ =	sdelay $0x2  }
0x337: {  	s22 =	smov.u32 s17  }
.LBB2_110:
0x338: {  	p1 =	seq.s32 s23, $0x5  }
.Ltmp94:
0x339: {  	s4 =	rddreg [dreg:$0xc];
	(pc) =	sbr.rel @p1 .LBB2_24-.Ltmp94, $4  }
0x33a: {  	s4 =	sshll.u32 s4, $0xB  }
0x33b: {  	s5 =	rddreg [dreg:$0x3];
	s4 =	sand.u32 $0x1FFFF800, s4  }
0x33c: {  	s28 =	simm.s32 $0x0;
	s6 =	simm.s32 $0x10000;
	s4 =	sadd.s32 s5, s4  }
0x33d: {  	[hbm4b:s4+s28] =	stream.linear.scatter [tilespmem:s6], [sflag:$0x5], $0x4000, $0x38;
	[tilespmem:$0x1C980] =	vst v63  }
.LBB2_111:
0x33e: {  	s11 =	sadd.s32 $0x10, s16  }
.LBB2_120:
0x33f: {  	s4 =	sshll.u32 s17, $0x2  }
0x340: {  	s5 =	sshra.s32 s4, $0x2  }
0x341: {  	s7 =	rddreg [dreg:$0xb];
	s4 =	sadd.s32 $0xFFFFFFFF, s17;
	s5 =	sadd.s32 $0x1C200, s5  }
.LBB2_121:
0x342: {  	v6 =	vld [tilespmem:s5+$0x0];
	_ =	sdelay $0x4  }
0x343: {  	(v2sf) =	vpush v6, $0x0;
	_ =	sdelay $0xe  }
0x344: {  	s6 =	spop (v2sf)  }
0x345: {  	p1 =	slt.s32 s6, s11  }
.Ltmp95:
0x346: {  	_ = 	snop;
	(pc) =	sbr.rel @p1 .LBB2_121-.Ltmp95, $2  }
0x347: {  	_ =	sdelay $0x2  }
0x348: {  	s4 =	sadd.s32 $0x1, s4;
	s5 =	sadd.s32 $0x1, s5  }
0x349: {  	p1 =	seq.s32 s23, $0x5;
	p2 =	seq.s32 s23, $0x3  }
0x34a: {  	p3 =	seq.s32 s23, $0x1;
	p4 =	seq.s32 s23, $0x2;
	s6 =	rddreg [dreg:$0xa]  }
0x34b: {  	s7 =	smov.u32 @p0 s17;
	s21 =	sadd.s32 $0x1, s21;
	s28 =	rddreg [dreg:$0x5]  }
0x34c: {  	p5 =	seq.s32 s23, $0x4;
	s3 =	smov.u32 @p0 s4;
	p0 =	sne.s32 s21, s28  }
.Ltmp96:
0x34d: {  	s5 =	rddreg [dreg:$0x9];
	s6 =	smov.u32 @p3 s17;
	(pc) =	sbr.rel @p0 .LBB2_10-.Ltmp96, $4  }
.Ltmp97:
0x34e: {  	s5 =	smov.u32 @p4 s17;
	s12 =	smov.u32 @p2 s17;
	(pc) =	sbr.rel @!p0 .LBB2_123-.Ltmp97, $4  }
0x34f: {  	s10 =	smov.u32 @p5 s17;
	s29 =	smov.u32 @p1 s17;
	s1 =	smov.u32 @p3 s4  }
0x350: {  	s2 =	smov.u32 @p4 s4;
	s0 =	smov.u32 @p2 s4;
	s31 =	smov.u32 @p5 s4  }
0x351: {  	s30 =	smov.u32 @p1 s4;
	s17 =	smov.u32 s4;
	[dreg:$0x9] =	wrdreg s5  }
0x352: {  	_ = 	snop  }
.LBB2_109:
0x353: {  	s22 =	sadd.s32 $0x1, s22  }
0x354: {  	v6 =	vld [tilespmem:s22+$0x1C200];
	_ =	sdelay $0x4  }
0x355: {  	(v2sf) =	vpush v6, $0x0;
	_ =	sdelay $0xe  }
0x356: {  	s18 =	spop (v2sf)  }
0x357: {  	p1 =	slt.s32 s18, s11  }
.Ltmp98:
0x358: {  	_ = 	snop;
	(pc) =	sbr.rel @!p1 .LBB2_110-.Ltmp98, $1  }
0x359: {  	_ =	sdelay $0x3  }
.LBB2_101:
0x35a: {  	v6 =	vld [tilespmem:s22+$0x1C480];
	_ =	sdelay $0x3  }
0x35b: {  	v7 =	vld [tilespmem:s22+$0x1C481]  }
0x35c: {  	(v2sf) =	vpush v6, $0x0;
	_ =	sdelay $0x3  }
0x35d: {  	(v2sf) =	vpush v7, $0x0;
	_ =	sdelay $0xa  }
0x35e: {  	s7 =	sand.u32 $0x1, s22;
	s4 =	spop (v2sf)  }
0x35f: {  	p1 =	seq.s32 s7, $0x0;
	v6 =	vld [tilespmem:s4+$0x1C700]  }
.Ltmp99:
0x360: {  	_ = 	snop;
	(pc) =	sbr.rel @p1 .LBB2_103-.Ltmp99, $4  }
0x361: {  	_ = 	snop  }
0x362: {  	s5 =	spop (v2sf)  }
0x363: {  	s6 =	ssub.s32 s18, s16;
	s4 =	sand.u32 $0x7, s4;
	s5 =	sshll.u32 s5, $0x7  }
0x364: {  	s6 =	sshll.u32 s6, $0xA;
	s26 =	sshll.u32 s4, $0x9;
	s4 =	sand.u32 $0xFFFFC00, s5;
	v6 =	vbroadcast v6, $0x0  }
.Ltmp100:
0x365: {  	(pc) =	sbr.rel .LBB2_106-.Ltmp100, $3  }
0x366: {  	_ =	sdelay $0x1  }
0x367: {  	s5 =	sshll.u32 s18, $0x7  }
0x368: {  	s25 =	sadd.s32 s8, s4;
	s28 =	sand.u32 $0xFFFFE000, s6;
	s18 =	sand.u32 $0x380, s5  }
.LBB2_103:
0x369: {  	_ =	swait.ge [sflag:s14], $0x2000;
	s25 =	sadd.s32 s8, s4;
	s5 =	simm.s32 $0x0  }
0x36a: {  	s15 =	simm.s32 $0x1A000;
	s19 =	sshrl.u32 s26, $0x2;
	[sflag:s14] =	ssyncset.done $0x0  }
0x36b: {  	s4 =	sor.u32 $0x18000, s19;
	s9 =	sand.u32 $0x1C00, s5;
	[sflag:s14] =	ssyncadd.s32 $0xFFFFE000  }
0x36c: {  	[tilespmem:s15], [sflag:$0x7] =	stream.linear.gather [hbm4b:s25+s5], $0x2000, $0x38;
	[tilespmem:$0x1C980] =	vst v63  }
0x36d: {  	s7 =	sadd.s32 s9, s4;
	s5 =	sand.u32 $0x70, s5  }
0x36e: {  	s7 =	sadd.s32 s5, s7  }
0x36f: {  	v7 =	vld [tilespmem:s7+$0x0]  }
0x370: {  	s20 =	sshll.u32 s18, $0x7  }
0x371: {  	s28 =	sand.u32 $0xFFFFE000, s6;
	s18 =	sand.u32 $0x380, s20  }
0x372: {  	s24 =	simm.s32 $0x10;
	s6 =	sor.u32 s18, s28  }
0x373: {  	s24 =	sand.u32 $0x70, s24;
	s6 =	sadd.s32 $0x10000, s6;
	s15 =	simm.s32 $0x80  }
0x374: {  	s20 =	simm.s32 $0x20;
	s19 =	sadd.s32 s9, s6;
	s7 =	sand.u32 $0x1C00, s15;
	v7 =	vmul.f32 v7, v6  }
.LBB2_104:
0x375: {  	p2 =	sne.s32 s20, $0x3F0;
	s9 =	sadd.s32 s7, s4;
	s5 =	sadd.s32 s5, s19  }
0x376: {  	s9 =	sadd.s32 s24, s9;
	[tilespmem:s5+$0x0] =	vst v7;
	s5 =	smov.u32 s24  }
0x377: {  	v7 =	vld [tilespmem:s9+$0x0]  }
.Ltmp101:
0x378: {  	(pc) =	sbr.rel @p2 .LBB2_104-.Ltmp101, $3  }
0x379: {  	_ =	sdelay $0x1  }
0x37a: {  	s15 =	sadd.s32 $0x80, s15;
	s24 =	sand.u32 $0x70, s20  }
0x37b: {  	s19 =	sadd.s32 s7, s6;
	s20 =	sadd.s32 $0x10, s20;
	s7 =	sand.u32 $0x1C00, s15;
	v7 =	vmul.f32 v7, v6  }
0x37c: {  	s4 =	sadd.s32 s7, s4;
	s5 =	sadd.s32 s5, s19  }
0x37d: {  	s4 =	sadd.s32 s24, s4;
	[tilespmem:s5+$0x0] =	vst v7  }
0x37e: {  	v7 =	vld [tilespmem:s4+$0x0];
	_ =	sdelay $0x2  }
.Ltmp102:
0x37f: {  	_ = 	snop;
	(pc) =	sbr.rel @p1 .LBB2_109-.Ltmp102, $4  }
0x380: {  	_ = 	snop  }
0x381: {  	s20 =	sadd.s32 s7, s6;
	v7 =	vmul.f32 v7, v6  }
0x382: {  	s4 =	sadd.s32 s24, s20  }
0x383: {  	[tilespmem:s4+$0x0] =	vst v7  }
.LBB2_106:
0x384: {  	_ =	swait.ge [sflag:s14], $0x2000;
	s5 =	simm.s32 $0x0;
	s4 =	sshrl.u32 s26, $0x2  }
0x385: {  	[sflag:s14] =	ssyncset.done $0x0;
	s4 =	sor.u32 $0x1A000, s4;
	s9 =	sand.u32 $0x1C00, s5  }
0x386: {  	s6 =	sand.u32 $0x70, s5;
	[sflag:s14] =	ssyncadd.s32 $0xFFFFE000;
	s26 =	sadd.s32 s9, s4  }
0x387: {  	[tilespmem:s13], [sflag:$0x7] =	stream.linear.gather [hbm4b:s25+s5], $0x2000, $0x38;
	[tilespmem:$0x1C980] =	vst v63  }
0x388: {  	s5 =	sadd.s32 s6, s26  }
0x389: {  	v7 =	vld [tilespmem:s5+$0x0];
	_ =	sdelay $0x2  }
0x38a: {  	s28 =	sadd.s32 s18, s28;
	s7 =	simm.s32 $0x10  }
0x38b: {  	s15 =	simm.s32 $0x80;
	s20 =	simm.s32 $0x20;
	s5 =	sadd.s32 $0x10000, s28  }
0x38c: {  	s18 =	sand.u32 $0x70, s7;
	s7 =	sand.u32 $0x1C00, s15;
	s19 =	sadd.s32 s9, s5;
	v7 =	vmul.f32 v7, v6  }
.LBB2_107:
0x38d: {  	p1 =	sne.s32 s20, $0x3F0;
	s9 =	sadd.s32 s7, s4;
	s6 =	sadd.s32 s6, s19  }
0x38e: {  	s9 =	sadd.s32 s18, s9;
	[tilespmem:s6+$0x0] =	vst v7;
	s6 =	smov.u32 s18  }
0x38f: {  	v7 =	vld [tilespmem:s9+$0x0]  }
.Ltmp103:
0x390: {  	(pc) =	sbr.rel @p1 .LBB2_107-.Ltmp103, $3  }
0x391: {  	_ =	sdelay $0x1  }
0x392: {  	s15 =	sadd.s32 $0x80, s15;
	s18 =	sand.u32 $0x70, s20  }
0x393: {  	s19 =	sadd.s32 s7, s5;
	s20 =	sadd.s32 $0x10, s20;
	s7 =	sand.u32 $0x1C00, s15;
	v7 =	vmul.f32 v7, v6  }
0x394: {  	s4 =	sadd.s32 s7, s4;
	s6 =	sadd.s32 s6, s19  }
0x395: {  	s4 =	sadd.s32 s18, s4;
	[tilespmem:s6+$0x0] =	vst v7  }
0x396: {  	v7 =	vld [tilespmem:s4+$0x0];
	_ =	sdelay $0x2  }
.Ltmp104:
0x397: {  	_ = 	snop;
	(pc) =	sbr.rel .LBB2_109-.Ltmp104, $4  }
0x398: {  	_ = 	snop  }
0x399: {  	s28 =	sadd.s32 s7, s5;
	v6 =	vmul.f32 v7, v6  }
0x39a: {  	s4 =	sadd.s32 s18, s28  }
0x39b: {  	[tilespmem:s4+$0x0] =	vst v6  }
.LBB2_124:
0x39c: {  	_ =	sfence.sel $0x180000  }
0x39d: {  	[bflag:$0x0] =	sbarrier.arrive $0xFFFF  }
0x39e: {  	_ =	strace $0x90000047  }
0x39f: {  	s0 =	stileid.u32;
	[bflag:$0x2] =	sbarrier.arrive $0xFFFF  }
0x3a0: {  	p0 =	sne.s32 s0, $0x0;
	s0 =	rddreg [dreg:$0x4]  }
0x3a1: {  	s0 =	sadd.s32 @!p0 $0x100000, s0  }
0x3a2: {  	[sflag:s0] =	ssyncadd.tile.s32 @!p0 $0x1;
	_ =	shalt  }
.Lfunc_end2:
_tile_overlayer_lowered:
.L_overlay_start_2:
0x3a3: {  	(tag) =	ssettag $0x2  }
0x3a4: {  	s0 =	rddreg [dreg:$0x0];
	s2 =	stileid.u32  }
0x3a5: {  	s1 =	rddreg [dreg:$0x1];
	p0 =	sne.s32 s2, $0x0  }
0x3a6: {  	s3 =	rddreg [dreg:$0x2];
	[bflag:$0x3] =	sbarrier.arrive $0xFFFF;
	s2 =	simm.s32 @!p0 $0x1C08  }
0x3a7: {  	[timem:s3], [sflag:s2] =	dma.local @!p0 [hbm:s0], s1  }
0x3a8: {  	s0 =	simm.s32 @!p0 $0x8  }
0x3a9: {  	_ =	swait.ge @!p0 [sflag:s0], s1  }
0x3aa: {  	s1 =	ssub.s32 @!p0 $0x0, s1;
	[sflag:s0] =	ssyncset.done @!p0 $0x0  }
0x3ab: {  	[sflag:s0] =	ssyncadd.s32 @!p0 s1  }
0x3ac: {  	[bflag:$0x3] =	sbarrier.arrive $0xFFFF  }
0x3ad: {  	_ =	shalt  }

</sc_bundles>
